<compile_context>
chip_gen: v7x
topology: tpu7x:2x2x1
jax: 0.10.2.dev20260603
libtpu: 0.0.44.dev20260713+nightly
codegen_flags: <defaults>
</compile_context>

<pallas_src>
import functools

import jax
import jax.numpy as jnp
from jax import lax
from jax.experimental import pallas as pl
from jax.experimental.pallas import tpu as pltpu
from jax.experimental.pallas import tpu_sc as plsc

N = 10000
E = 320000
D = 128

NC = 2
NS = 16
NW = NC * NS
CHUNK = 128
GRP = 8
NGRP = -(-E // (NW * CHUNK * GRP))
NCHUNK = NGRP * GRP
E_PAD = NW * NCHUNK * CHUNK
PADC = float(E_PAD - E)
RPT = 632
RPT_LAST = N - (NS - 1) * RPT
NTA = RPT - (RPT // CHUNK) * CHUNK
NTB = RPT_LAST - (RPT // CHUNK) * CHUNK


def _fill_block(ref, val):
    def _row(r, carry):
        for k in range(D // 16):
            ref[r, pl.ds(k * 16, 16)] = jnp.full((16,), val, jnp.float32)
        return carry
    lax.fori_loop(0, CHUNK, _row, 0)


def _zero_acc_slice(s, buf, acc_sh):
    base = s * RPT
    for k in range(RPT // CHUNK):
        pltpu.sync_copy(buf, acc_sh.at[pl.ds(base + k * CHUNK, CHUNK)])
    toff = base + (RPT // CHUNK) * CHUNK

    @pl.when(s < NS - 1)
    def _():
        pltpu.sync_copy(buf.at[pl.ds(0, NTA)], acc_sh.at[pl.ds(toff, NTA)])

    @pl.when(s == NS - 1)
    def _():
        pltpu.sync_copy(buf.at[pl.ds(0, NTB)], acc_sh.at[pl.ds(toff, NTB)])


def _write_acc_slice(c, s, buf, acc_sh, out_hbm):
    base = s * RPT
    hb = c * N
    for k in range(RPT // CHUNK):
        off = base + k * CHUNK
        pltpu.sync_copy(acc_sh.at[pl.ds(off, CHUNK)], buf)
        pltpu.sync_copy(buf, out_hbm.at[pl.ds(hb + off, CHUNK)])
    toff = base + (RPT // CHUNK) * CHUNK

    @pl.when(s < NS - 1)
    def _():
        pltpu.sync_copy(acc_sh.at[pl.ds(toff, NTA)], buf.at[pl.ds(0, NTA)])
        pltpu.sync_copy(buf.at[pl.ds(0, NTA)], out_hbm.at[pl.ds(hb + toff, NTA)])

    @pl.when(s == NS - 1)
    def _():
        pltpu.sync_copy(acc_sh.at[pl.ds(toff, NTB)], buf.at[pl.ds(0, NTB)])
        pltpu.sync_copy(buf.at[pl.ds(0, NTB)], out_hbm.at[pl.ds(hb + toff, NTB)])


@functools.cache
def _make_sc_agg():
    mesh = plsc.VectorSubcoreMesh(core_axis_name="c", subcore_axis_name="s",
                                  num_cores=NC)
    return functools.partial(
        pl.kernel,
        out_type=jax.ShapeDtypeStruct((NC * N, D), jnp.float32),
        mesh=mesh,
        scratch_types=[
            pltpu.VMEM((GRP, CHUNK), jnp.int32),
            pltpu.VMEM((GRP, CHUNK), jnp.int32),
            pltpu.VMEM((CHUNK, D), jnp.float32),
            pltpu.VMEM((CHUNK, D), jnp.float32),
            pltpu.VMEM_SHARED((N, D), jnp.float32),
            pltpu.SemaphoreType.DMA,
            pltpu.SemaphoreType.DMA,
        ],
    )(_sc_agg_body)


def _sc_agg_body(x_hbm, src_hbm, dst_hbm, agg_out,
                 src_v, dst_v, rows_a, rows_b, acc_sh, sem_a, sem_b):
    c = lax.axis_index("c")
    s = lax.axis_index("s")
    wid = c * NS + s
    _fill_block(rows_a, 0.0)
    _zero_acc_slice(s, rows_a, acc_sh)
    plsc.subcore_barrier()

    bufs = ((rows_a, sem_a), (rows_b, sem_b))

    def _group(g, carry):
        gb = wid * NGRP + g
        pltpu.sync_copy(src_hbm.at[gb], src_v)
        pltpu.sync_copy(dst_hbm.at[gb], dst_v)
        cps = [None] * GRP
        cps[0] = pltpu.async_copy(x_hbm.at[src_v.at[0]], rows_a, sem_a)
        for b in range(GRP):
            if b + 1 < GRP:
                nxt, nsem = bufs[(b + 1) % 2]
                cps[b + 1] = pltpu.async_copy(x_hbm.at[src_v.at[b + 1]], nxt, nsem)
            cps[b].wait()
            pltpu.sync_copy(bufs[b % 2][0], acc_sh.at[dst_v.at[b]], add=True)
        return carry
    lax.fori_loop(0, NGRP, _group, 0)

    plsc.subcore_barrier()
    _write_acc_slice(c, s, rows_a, acc_sh, agg_out)


@functools.cache
def _make_sc_deg():
    mesh = plsc.VectorSubcoreMesh(core_axis_name="c", subcore_axis_name="s",
                                  num_cores=NC)
    return functools.partial(
        pl.kernel,
        out_type=jax.ShapeDtypeStruct((NC * N, D), jnp.float32),
        mesh=mesh,
        scratch_types=[
            pltpu.VMEM((GRP, CHUNK), jnp.int32),
            pltpu.VMEM((CHUNK, D), jnp.float32),
            pltpu.VMEM_SHARED((N, D), jnp.float32),
        ],
    )(_sc_deg_body)


def _sc_deg_body(dst_hbm, deg_out, dst_v, ones_v, deg_sh):
    c = lax.axis_index("c")
    s = lax.axis_index("s")
    wid = c * NS + s
    _fill_block(ones_v, 0.0)
    _zero_acc_slice(s, ones_v, deg_sh)
    _fill_block(ones_v, 1.0)
    plsc.subcore_barrier()

    def _group(g, carry):
        gb = wid * NGRP + g
        pltpu.sync_copy(dst_hbm.at[gb], dst_v)
        for b in range(GRP):
            pltpu.sync_copy(ones_v, deg_sh.at[dst_v.at[b]], add=True)
        return carry
    lax.fori_loop(0, NGRP, _group, 0)

    plsc.subcore_barrier()
    _write_acc_slice(c, s, ones_v, deg_sh, deg_out)


BLK = 2000


def _tc_body(x_ref, a_ref, d_ref, wm_ref, bm_ref, ws_ref, bs_ref,
             g_ref, b_ref, o_ref):
    x = x_ref[...]
    a = a_ref[0] + a_ref[1]
    deg = d_ref[0, :, 0:1] + d_ref[1, :, 0:1]
    pid = pl.program_id(0)
    row0 = (lax.broadcasted_iota(jnp.int32, (BLK, 1), 0) == 0).astype(jnp.float32)
    row0 = row0 * (pid == 0).astype(jnp.float32)
    a = a - row0 * (PADC * x[0:1, :])
    deg = deg - row0 * PADC
    h = lax.dot_general(a, wm_ref[...], (((1,), (1,)), ((), ())),
                        precision=lax.Precision.HIGHEST,
                        preferred_element_type=jnp.float32)
    agg = (h + deg * bm_ref[...]) / jnp.maximum(deg, 1.0)
    o = lax.dot_general(x, ws_ref[...], (((1,), (1,)), ((), ())),
                        precision=lax.Precision.HIGHEST,
                        preferred_element_type=jnp.float32)
    o = o + bs_ref[...] + agg
    u = x + 0.5 * o * (1.0 + lax.erf(o * 0.7071067811865475))
    mu = jnp.mean(u, axis=1, keepdims=True)
    uc = u - mu
    var = jnp.mean(uc * uc, axis=1, keepdims=True)
    o_ref[...] = uc * lax.rsqrt(var + 1e-5) * g_ref[...] + b_ref[...]


def kernel(x, edge_index, Wm, bm, Ws, bs, gamma, beta):
    src = edge_index[0].astype(jnp.int32)
    dst = edge_index[1].astype(jnp.int32)
    pad = E_PAD - E
    src = jnp.concatenate([src, jnp.zeros((pad,), jnp.int32)])
    dst = jnp.concatenate([dst, jnp.zeros((pad,), jnp.int32)])
    src2 = src.reshape(NW, NGRP, GRP, CHUNK)
    src2 = src2 + (jnp.arange(NW, dtype=jnp.int32) // NS * N)[:, None, None, None]
    src2 = src2.reshape(NW * NGRP, GRP, CHUNK)
    dst2 = dst.reshape(NW * NGRP, GRP, CHUNK)
    xx = jnp.concatenate([x, x], axis=0)

    agg = _make_sc_agg()(xx, src2, dst2).reshape(NC, N, D)
    deg = _make_sc_deg()(dst2).reshape(NC, N, D)

    out = pl.pallas_call(
        _tc_body,
        grid=(N // BLK,),
        in_specs=[
            pl.BlockSpec((BLK, D), lambda i: (i, 0)),
            pl.BlockSpec((NC, BLK, D), lambda i: (0, i, 0)),
            pl.BlockSpec((NC, BLK, D), lambda i: (0, i, 0)),
            pl.BlockSpec((D, D), lambda i: (0, 0)),
            pl.BlockSpec((1, D), lambda i: (0, 0)),
            pl.BlockSpec((D, D), lambda i: (0, 0)),
            pl.BlockSpec((1, D), lambda i: (0, 0)),
            pl.BlockSpec((1, D), lambda i: (0, 0)),
            pl.BlockSpec((1, D), lambda i: (0, 0)),
        ],
        out_specs=pl.BlockSpec((BLK, D), lambda i: (i, 0)),
        out_shape=jax.ShapeDtypeStruct((N, D), jnp.float32),
    )(x, agg, deg, Wm, bm.reshape(1, D), Ws, bs.reshape(1, D),
      gamma.reshape(1, D), beta.reshape(1, D))
    return out

# --- scband reference (transcript-rebuilt; emitter-appended) ---
"""Pipeline reference for scband-graph-block-57707180589299 (READ-ONLY COPY).

The authoritative reference and input builder live on the scoring server;
editing this copy changes nothing except your own understanding.
"""

import jax, jax.numpy as jnp
import numpy as np

N = 10000
E = 320000
D = 128

def setup_inputs(seed: int = 0) -> dict:
    key = jax.random.key(seed)
    ks = jax.random.split(key, 8)
    x = jax.random.normal(ks[0], (N, D), dtype=jnp.float32)
    edge_index = jax.random.randint(ks[1], (2, E), 0, N, dtype=jnp.int64)
    # Linear msg: weight [D, D], bias [D]
    lim = 1.0 / np.sqrt(D)
    Wm = jax.random.uniform(ks[2], (D, D), minval=-lim, maxval=lim, dtype=jnp.float32)
    bm = jax.random.uniform(ks[3], (D,), minval=-lim, maxval=lim, dtype=jnp.float32)
    Ws = jax.random.uniform(ks[4], (D, D), minval=-lim, maxval=lim, dtype=jnp.float32)
    bs = jax.random.uniform(ks[5], (D,), minval=-lim, maxval=lim, dtype=jnp.float32)
    gamma = jnp.ones((D,), dtype=jnp.float32)
    beta = jnp.zeros((D,), dtype=jnp.float32)
    return {"x": x, "edge_index": edge_index, "Wm": Wm, "bm": bm, "Ws": Ws, "bs": bs, "gamma": gamma, "beta": beta}

def _layernorm(h, gamma, beta, eps=1e-5):
    mu = jnp.mean(h, axis=-1, keepdims=True)
    var = jnp.mean((h - mu) ** 2, axis=-1, keepdims=True)
    return (h - mu) / jnp.sqrt(var + eps) * gamma + beta

def reference(x, edge_index, Wm, bm, Ws, bs, gamma, beta):
    src = edge_index[0]
    dst = edge_index[1]
    # messages = Linear(msg)(x[src])
    messages = x[src] @ Wm.T + bm
    agg = jnp.zeros_like(x).at[dst].add(messages)
    degree = jnp.zeros((x.shape[0],), dtype=x.dtype).at[dst].add(jnp.ones((dst.shape[0],), dtype=x.dtype))
    agg = agg / jnp.maximum(degree, 1.0)[:, None]
    out = (x @ Ws.T + bs) + agg
    # dropout is identity in eval mode
    out = _layernorm(x + jax.nn.gelu(out, approximate=False), gamma, beta)
    return out

if __name__ == "__main__":
    import jax
    _d = setup_inputs()
    print(jax.jit(kernel)(*tuple(_d.values())))

</pallas_src>

<mosaic_0001>
#map = affine_map<(d0, d1) -> (0, 0, 0)>
#map1 = affine_map<(d0, d1) -> (0, 0)>
module attributes {stable_mosaic.version = 14 : i64} {
  func.func @_sc_deg_body(%arg0: i32, %arg1: i32, %arg2: memref<320x8x128xi32, #tpu.memory_space<hbm>>, %arg3: memref<20000x128xf32, #tpu.memory_space<hbm>>, %arg4: memref<8x128xi32, #tpu.memory_space<vmem>>, %arg5: memref<128x128xf32, #tpu.memory_space<vmem>>, %arg6: memref<10000x128xf32, #tpu.memory_space<vmem_shared>>) attributes {dimension_semantics = [#tpu.dimension_semantics<core_parallel>, #tpu.dimension_semantics<subcore_parallel>], iteration_bounds = array<i64: 2, 16>, scalar_prefetch = 0 : i64, scratch_operands = 3 : i64, tpu.core_type = #tpu.core_type<sc_vector_subcore>, window_params = [{transform_indices = #map}, {transform_indices = #map1}]} {
    %mul3A = arith.constant 16 : i32
    %mul3A_0 = arith.muli %arg0, %mul3A : i32
    %add3A = arith.addi %mul3A_0, %arg1 : i32
    %scan3A = arith.constant 0 : i32
    %scan3A_1 = arith.constant 0 : i32
    %scan3A_2 = arith.constant 128 : i32
    %scan3A_3 = arith.addi %scan3A_1, %scan3A_2 : i32
    %scan3A_4 = arith.constant 1 : i32
    scf.for %scan3A_65 = %scan3A_1 to %scan3A_3 step %scan3A_4  : i32 {
      %broadcast_in_dim3A = arith.constant 0.000000e+00 : f32
      %broadcast_in_dim3A_66 = vector.broadcast %broadcast_in_dim3A : f32 to vector<16xf32>
      %swap3A = arith.index_cast %scan3A_65 : i32 to index
      %swap3A_67 = arith.constant 0 : index
      %swap3A_68 = tpu.vector_load %arg5[%swap3A, %swap3A_67] {strides = array<i32>} : memref<128x128xf32, #tpu.memory_space<vmem>>, vector<1x16xf32>,
      %swap3A_69 = vector.shape_cast %swap3A_68 : vector<1x16xf32> to vector<16xf32>
      %swap3A_70 = vector.shape_cast %broadcast_in_dim3A_66 : vector<16xf32> to vector<1x16xf32>
      tpu.vector_store %arg5[%swap3A, %swap3A_67], %swap3A_70 {strides = array<i32>} : memref<128x128xf32, #tpu.memory_space<vmem>>, vector<1x16xf32>,
      %broadcast_in_dim3A_71 = arith.constant 0.000000e+00 : f32
      %broadcast_in_dim3A_72 = vector.broadcast %broadcast_in_dim3A_71 : f32 to vector<16xf32>
      %swap3A_73 = arith.index_cast %scan3A_65 : i32 to index
      %swap3A_74 = arith.constant 16 : index
      %swap3A_75 = tpu.vector_load %arg5[%swap3A_73, %swap3A_74] {strides = array<i32>} : memref<128x128xf32, #tpu.memory_space<vmem>>, vector<1x16xf32>,
      %swap3A_76 = vector.shape_cast %swap3A_75 : vector<1x16xf32> to vector<16xf32>
      %swap3A_77 = vector.shape_cast %broadcast_in_dim3A_72 : vector<16xf32> to vector<1x16xf32>
      tpu.vector_store %arg5[%swap3A_73, %swap3A_74], %swap3A_77 {strides = array<i32>} : memref<128x128xf32, #tpu.memory_space<vmem>>, vector<1x16xf32>,
      %broadcast_in_dim3A_78 = arith.constant 0.000000e+00 : f32
      %broadcast_in_dim3A_79 = vector.broadcast %broadcast_in_dim3A_78 : f32 to vector<16xf32>
      %swap3A_80 = arith.index_cast %scan3A_65 : i32 to index
      %swap3A_81 = arith.constant 32 : index
      %swap3A_82 = tpu.vector_load %arg5[%swap3A_80, %swap3A_81] {strides = array<i32>} : memref<128x128xf32, #tpu.memory_space<vmem>>, vector<1x16xf32>,
      %swap3A_83 = vector.shape_cast %swap3A_82 : vector<1x16xf32> to vector<16xf32>
      %swap3A_84 = vector.shape_cast %broadcast_in_dim3A_79 : vector<16xf32> to vector<1x16xf32>
      tpu.vector_store %arg5[%swap3A_80, %swap3A_81], %swap3A_84 {strides = array<i32>} : memref<128x128xf32, #tpu.memory_space<vmem>>, vector<1x16xf32>,
      %broadcast_in_dim3A_85 = arith.constant 0.000000e+00 : f32
      %broadcast_in_dim3A_86 = vector.broadcast %broadcast_in_dim3A_85 : f32 to vector<16xf32>
      %swap3A_87 = arith.index_cast %scan3A_65 : i32 to index
      %swap3A_88 = arith.constant 48 : index
      %swap3A_89 = tpu.vector_load %arg5[%swap3A_87, %swap3A_88] {strides = array<i32>} : memref<128x128xf32, #tpu.memory_space<vmem>>, vector<1x16xf32>,
      %swap3A_90 = vector.shape_cast %swap3A_89 : vector<1x16xf32> to vector<16xf32>
      %swap3A_91 = vector.shape_cast %broadcast_in_dim3A_86 : vector<16xf32> to vector<1x16xf32>
      tpu.vector_store %arg5[%swap3A_87, %swap3A_88], %swap3A_91 {strides = array<i32>} : memref<128x128xf32, #tpu.memory_space<vmem>>, vector<1x16xf32>,
      %broadcast_in_dim3A_92 = arith.constant 0.000000e+00 : f32
      %broadcast_in_dim3A_93 = vector.broadcast %broadcast_in_dim3A_92 : f32 to vector<16xf32>
      %swap3A_94 = arith.index_cast %scan3A_65 : i32 to index
      %swap3A_95 = arith.constant 64 : index
      %swap3A_96 = tpu.vector_load %arg5[%swap3A_94, %swap3A_95] {strides = array<i32>} : memref<128x128xf32, #tpu.memory_space<vmem>>, vector<1x16xf32>,
      %swap3A_97 = vector.shape_cast %swap3A_96 : vector<1x16xf32> to vector<16xf32>
      %swap3A_98 = vector.shape_cast %broadcast_in_dim3A_93 : vector<16xf32> to vector<1x16xf32>
      tpu.vector_store %arg5[%swap3A_94, %swap3A_95], %swap3A_98 {strides = array<i32>} : memref<128x128xf32, #tpu.memory_space<vmem>>, vector<1x16xf32>,
      %broadcast_in_dim3A_99 = arith.constant 0.000000e+00 : f32
      %broadcast_in_dim3A_100 = vector.broadcast %broadcast_in_dim3A_99 : f32 to vector<16xf32>
      %swap3A_101 = arith.index_cast %scan3A_65 : i32 to index
      %swap3A_102 = arith.constant 80 : index
      %swap3A_103 = tpu.vector_load %arg5[%swap3A_101, %swap3A_102] {strides = array<i32>} : memref<128x128xf32, #tpu.memory_space<vmem>>, vector<1x16xf32>,
      %swap3A_104 = vector.shape_cast %swap3A_103 : vector<1x16xf32> to vector<16xf32>
      %swap3A_105 = vector.shape_cast %broadcast_in_dim3A_100 : vector<16xf32> to vector<1x16xf32>
      tpu.vector_store %arg5[%swap3A_101, %swap3A_102], %swap3A_105 {strides = array<i32>} : memref<128x128xf32, #tpu.memory_space<vmem>>, vector<1x16xf32>,
      %broadcast_in_dim3A_106 = arith.constant 0.000000e+00 : f32
      %broadcast_in_dim3A_107 = vector.broadcast %broadcast_in_dim3A_106 : f32 to vector<16xf32>
      %swap3A_108 = arith.index_cast %scan3A_65 : i32 to index
      %swap3A_109 = arith.constant 96 : index
      %swap3A_110 = tpu.vector_load %arg5[%swap3A_108, %swap3A_109] {strides = array<i32>} : memref<128x128xf32, #tpu.memory_space<vmem>>, vector<1x16xf32>,
      %swap3A_111 = vector.shape_cast %swap3A_110 : vector<1x16xf32> to vector<16xf32>
      %swap3A_112 = vector.shape_cast %broadcast_in_dim3A_107 : vector<16xf32> to vector<1x16xf32>
      tpu.vector_store %arg5[%swap3A_108, %swap3A_109], %swap3A_112 {strides = array<i32>} : memref<128x128xf32, #tpu.memory_space<vmem>>, vector<1x16xf32>,
      %broadcast_in_dim3A_113 = arith.constant 0.000000e+00 : f32
      %broadcast_in_dim3A_114 = vector.broadcast %broadcast_in_dim3A_113 : f32 to vector<16xf32>
      %swap3A_115 = arith.index_cast %scan3A_65 : i32 to index
      %swap3A_116 = arith.constant 112 : index
      %swap3A_117 = tpu.vector_load %arg5[%swap3A_115, %swap3A_116] {strides = array<i32>} : memref<128x128xf32, #tpu.memory_space<vmem>>, vector<1x16xf32>,
      %swap3A_118 = vector.shape_cast %swap3A_117 : vector<1x16xf32> to vector<16xf32>
      %swap3A_119 = vector.shape_cast %broadcast_in_dim3A_114 : vector<16xf32> to vector<1x16xf32>
      tpu.vector_store %arg5[%swap3A_115, %swap3A_116], %swap3A_119 {strides = array<i32>} : memref<128x128xf32, #tpu.memory_space<vmem>>, vector<1x16xf32>,
    }
    %scan3A_5 = arith.constant 128 : i32
    %mul3A_6 = arith.constant 632 : i32
    %mul3A_7 = arith.muli %arg1, %mul3A_6 : i32
    %add3A_8 = arith.constant 0 : i32
    %add3A_9 = arith.addi %mul3A_7, %add3A_8 : i32
    "tpu.region"() ({
      %run_scoped3A = tpu.sem_alloc : memref<!tpu.dma_semaphore, #tpu.memory_space<semaphore_mem>>
      %dma_start3A = arith.constant 0 : i32
      %dma_start3A_65 = tpu.memref_slice %arg6[%add3A_9, %dma_start3A] : memref<10000x128xf32, #tpu.memory_space<vmem_shared>> -> memref<128x128xf32, #tpu.memory_space<vmem_shared>>
      %dma_start3A_66 = arith.constant 0 : i32
      %dma_start3A_67 = tpu.memref_slice %arg6[%add3A_9, %dma_start3A_66] : memref<10000x128xf32, #tpu.memory_space<vmem_shared>> -> memref<128x128xf32, #tpu.memory_space<vmem_shared>>
      tpu.enqueue_dma source(%arg5 : memref<128x128xf32, #tpu.memory_space<vmem>>) target(%dma_start3A_67 : memref<128x128xf32, #tpu.memory_space<vmem_shared>>) target_semaphore(%run_scoped3A : memref<!tpu.dma_semaphore, #tpu.memory_space<semaphore_mem>>)
      %dma_wait3A = arith.constant 0 : i32
      %dma_wait3A_68 = tpu.memref_slice %arg6[%add3A_9, %dma_wait3A] : memref<10000x128xf32, #tpu.memory_space<vmem_shared>> -> memref<128x128xf32, #tpu.memory_space<vmem_shared>>
      %dma_wait3A_69 = arith.constant 0 : i32
      %dma_wait3A_70 = tpu.memref_slice %arg6[%add3A_9, %dma_wait3A_69] : memref<10000x128xf32, #tpu.memory_space<vmem_shared>> -> memref<128x128xf32, #tpu.memory_space<vmem_shared>>
      tpu.wait_dma2 semaphore(%run_scoped3A : memref<!tpu.dma_semaphore, #tpu.memory_space<semaphore_mem>>) src(%arg5 : memref<128x128xf32, #tpu.memory_space<vmem>>) dst(%dma_wait3A_70 : memref<128x128xf32, #tpu.memory_space<vmem_shared>>)
      tpu.yield
    }) : () -> ()
    %add3A_10 = arith.constant 128 : i32
    %add3A_11 = arith.addi %mul3A_7, %add3A_10 : i32
    "tpu.region"() ({
      %run_scoped3A = tpu.sem_alloc : memref<!tpu.dma_semaphore, #tpu.memory_space<semaphore_mem>>
      %dma_start3A = arith.constant 0 : i32
      %dma_start3A_65 = tpu.memref_slice %arg6[%add3A_11, %dma_start3A] : memref<10000x128xf32, #tpu.memory_space<vmem_shared>> -> memref<128x128xf32, #tpu.memory_space<vmem_shared>>
      %dma_start3A_66 = arith.constant 0 : i32
      %dma_start3A_67 = tpu.memref_slice %arg6[%add3A_11, %dma_start3A_66] : memref<10000x128xf32, #tpu.memory_space<vmem_shared>> -> memref<128x128xf32, #tpu.memory_space<vmem_shared>>
      tpu.enqueue_dma source(%arg5 : memref<128x128xf32, #tpu.memory_space<vmem>>) target(%dma_start3A_67 : memref<128x128xf32, #tpu.memory_space<vmem_shared>>) target_semaphore(%run_scoped3A : memref<!tpu.dma_semaphore, #tpu.memory_space<semaphore_mem>>)
      %dma_wait3A = arith.constant 0 : i32
      %dma_wait3A_68 = tpu.memref_slice %arg6[%add3A_11, %dma_wait3A] : memref<10000x128xf32, #tpu.memory_space<vmem_shared>> -> memref<128x128xf32, #tpu.memory_space<vmem_shared>>
      %dma_wait3A_69 = arith.constant 0 : i32
      %dma_wait3A_70 = tpu.memref_slice %arg6[%add3A_11, %dma_wait3A_69] : memref<10000x128xf32, #tpu.memory_space<vmem_shared>> -> memref<128x128xf32, #tpu.memory_space<vmem_shared>>
      tpu.wait_dma2 semaphore(%run_scoped3A : memref<!tpu.dma_semaphore, #tpu.memory_space<semaphore_mem>>) src(%arg5 : memref<128x128xf32, #tpu.memory_space<vmem>>) dst(%dma_wait3A_70 : memref<128x128xf32, #tpu.memory_space<vmem_shared>>)
      tpu.yield
    }) : () -> ()
    %add3A_12 = arith.constant 256 : i32
    %add3A_13 = arith.addi %mul3A_7, %add3A_12 : i32
    "tpu.region"() ({
      %run_scoped3A = tpu.sem_alloc : memref<!tpu.dma_semaphore, #tpu.memory_space<semaphore_mem>>
      %dma_start3A = arith.constant 0 : i32
      %dma_start3A_65 = tpu.memref_slice %arg6[%add3A_13, %dma_start3A] : memref<10000x128xf32, #tpu.memory_space<vmem_shared>> -> memref<128x128xf32, #tpu.memory_space<vmem_shared>>
      %dma_start3A_66 = arith.constant 0 : i32
      %dma_start3A_67 = tpu.memref_slice %arg6[%add3A_13, %dma_start3A_66] : memref<10000x128xf32, #tpu.memory_space<vmem_shared>> -> memref<128x128xf32, #tpu.memory_space<vmem_shared>>
      tpu.enqueue_dma source(%arg5 : memref<128x128xf32, #tpu.memory_space<vmem>>) target(%dma_start3A_67 : memref<128x128xf32, #tpu.memory_space<vmem_shared>>) target_semaphore(%run_scoped3A : memref<!tpu.dma_semaphore, #tpu.memory_space<semaphore_mem>>)
      %dma_wait3A = arith.constant 0 : i32
      %dma_wait3A_68 = tpu.memref_slice %arg6[%add3A_13, %dma_wait3A] : memref<10000x128xf32, #tpu.memory_space<vmem_shared>> -> memref<128x128xf32, #tpu.memory_space<vmem_shared>>
      %dma_wait3A_69 = arith.constant 0 : i32
      %dma_wait3A_70 = tpu.memref_slice %arg6[%add3A_13, %dma_wait3A_69] : memref<10000x128xf32, #tpu.memory_space<vmem_shared>> -> memref<128x128xf32, #tpu.memory_space<vmem_shared>>
      tpu.wait_dma2 semaphore(%run_scoped3A : memref<!tpu.dma_semaphore, #tpu.memory_space<semaphore_mem>>) src(%arg5 : memref<128x128xf32, #tpu.memory_space<vmem>>) dst(%dma_wait3A_70 : memref<128x128xf32, #tpu.memory_space<vmem_shared>>)
      tpu.yield
    }) : () -> ()
    %add3A_14 = arith.constant 384 : i32
    %add3A_15 = arith.addi %mul3A_7, %add3A_14 : i32
    "tpu.region"() ({
      %run_scoped3A = tpu.sem_alloc : memref<!tpu.dma_semaphore, #tpu.memory_space<semaphore_mem>>
      %dma_start3A = arith.constant 0 : i32
      %dma_start3A_65 = tpu.memref_slice %arg6[%add3A_15, %dma_start3A] : memref<10000x128xf32, #tpu.memory_space<vmem_shared>> -> memref<128x128xf32, #tpu.memory_space<vmem_shared>>
      %dma_start3A_66 = arith.constant 0 : i32
      %dma_start3A_67 = tpu.memref_slice %arg6[%add3A_15, %dma_start3A_66] : memref<10000x128xf32, #tpu.memory_space<vmem_shared>> -> memref<128x128xf32, #tpu.memory_space<vmem_shared>>
      tpu.enqueue_dma source(%arg5 : memref<128x128xf32, #tpu.memory_space<vmem>>) target(%dma_start3A_67 : memref<128x128xf32, #tpu.memory_space<vmem_shared>>) target_semaphore(%run_scoped3A : memref<!tpu.dma_semaphore, #tpu.memory_space<semaphore_mem>>)
      %dma_wait3A = arith.constant 0 : i32
      %dma_wait3A_68 = tpu.memref_slice %arg6[%add3A_15, %dma_wait3A] : memref<10000x128xf32, #tpu.memory_space<vmem_shared>> -> memref<128x128xf32, #tpu.memory_space<vmem_shared>>
      %dma_wait3A_69 = arith.constant 0 : i32
      %dma_wait3A_70 = tpu.memref_slice %arg6[%add3A_15, %dma_wait3A_69] : memref<10000x128xf32, #tpu.memory_space<vmem_shared>> -> memref<128x128xf32, #tpu.memory_space<vmem_shared>>
      tpu.wait_dma2 semaphore(%run_scoped3A : memref<!tpu.dma_semaphore, #tpu.memory_space<semaphore_mem>>) src(%arg5 : memref<128x128xf32, #tpu.memory_space<vmem>>) dst(%dma_wait3A_70 : memref<128x128xf32, #tpu.memory_space<vmem_shared>>)
      tpu.yield
    }) : () -> ()
    %add3A_16 = arith.constant 512 : i32
    %add3A_17 = arith.addi %mul3A_7, %add3A_16 : i32
    %lt3A = arith.constant 15 : i32
    %lt3A_18 = arith.cmpi slt, %arg1, %lt3A : i32
    %convert_element_type3A = arith.extui %lt3A_18 : i1 to i32
    %cond3A = arith.constant 0 : i32
    %cond3A_19 = arith.cmpi ne, %convert_element_type3A, %cond3A : i32
    scf.if %cond3A_19 {
      "tpu.region"() ({
        %run_scoped3A = tpu.sem_alloc : memref<!tpu.dma_semaphore, #tpu.memory_space<semaphore_mem>>
        %dma_start3A = arith.constant 0 : i32
        %dma_start3A_65 = arith.constant 0 : i32
        %dma_start3A_66 = tpu.memref_slice %arg5[%dma_start3A, %dma_start3A_65] : memref<128x128xf32, #tpu.memory_space<vmem>> -> memref<120x128xf32, #tpu.memory_space<vmem>>
        %dma_start3A_67 = arith.constant 0 : i32
        %dma_start3A_68 = tpu.memref_slice %arg6[%add3A_17, %dma_start3A_67] : memref<10000x128xf32, #tpu.memory_space<vmem_shared>> -> memref<120x128xf32, #tpu.memory_space<vmem_shared>>
        %dma_start3A_69 = arith.constant 0 : i32
        %dma_start3A_70 = tpu.memref_slice %arg6[%add3A_17, %dma_start3A_69] : memref<10000x128xf32, #tpu.memory_space<vmem_shared>> -> memref<120x128xf32, #tpu.memory_space<vmem_shared>>
        %dma_start3A_71 = arith.constant 0 : i32
        %dma_start3A_72 = arith.constant 0 : i32
        %dma_start3A_73 = tpu.memref_slice %arg5[%dma_start3A_71, %dma_start3A_72] : memref<128x128xf32, #tpu.memory_space<vmem>> -> memref<120x128xf32, #tpu.memory_space<vmem>>
        tpu.enqueue_dma source(%dma_start3A_73 : memref<120x128xf32, #tpu.memory_space<vmem>>) target(%dma_start3A_70 : memref<120x128xf32, #tpu.memory_space<vmem_shared>>) target_semaphore(%run_scoped3A : memref<!tpu.dma_semaphore, #tpu.memory_space<semaphore_mem>>)
        %dma_wait3A = arith.constant 0 : i32
        %dma_wait3A_74 = arith.constant 0 : i32
        %dma_wait3A_75 = tpu.memref_slice %arg5[%dma_wait3A, %dma_wait3A_74] : memref<128x128xf32, #tpu.memory_space<vmem>> -> memref<120x128xf32, #tpu.memory_space<vmem>>
        %dma_wait3A_76 = arith.constant 0 : i32
        %dma_wait3A_77 = tpu.memref_slice %arg6[%add3A_17, %dma_wait3A_76] : memref<10000x128xf32, #tpu.memory_space<vmem_shared>> -> memref<120x128xf32, #tpu.memory_space<vmem_shared>>
        %dma_wait3A_78 = arith.constant 0 : i32
        %dma_wait3A_79 = tpu.memref_slice %arg6[%add3A_17, %dma_wait3A_78] : memref<10000x128xf32, #tpu.memory_space<vmem_shared>> -> memref<120x128xf32, #tpu.memory_space<vmem_shared>>
        %dma_wait3A_80 = arith.constant 0 : i32
        %dma_wait3A_81 = arith.constant 0 : i32
        %dma_wait3A_82 = tpu.memref_slice %arg5[%dma_wait3A_80, %dma_wait3A_81] : memref<128x128xf32, #tpu.memory_space<vmem>> -> memref<120x128xf32, #tpu.memory_space<vmem>>
        tpu.wait_dma2 semaphore(%run_scoped3A : memref<!tpu.dma_semaphore, #tpu.memory_space<semaphore_mem>>) src(%dma_wait3A_82 : memref<120x128xf32, #tpu.memory_space<vmem>>) dst(%dma_wait3A_79 : memref<120x128xf32, #tpu.memory_space<vmem_shared>>)
        tpu.yield
      }) : () -> ()
    } else {
    }
    %eq3A = arith.constant 15 : i32
    %eq3A_20 = arith.cmpi eq, %arg1, %eq3A : i32
    %convert_element_type3A_21 = arith.extui %eq3A_20 : i1 to i32
    %cond3A_22 = arith.constant 0 : i32
    %cond3A_23 = arith.cmpi ne, %convert_element_type3A_21, %cond3A_22 : i32
    scf.if %cond3A_23 {
      "tpu.region"() ({
        %run_scoped3A = tpu.sem_alloc : memref<!tpu.dma_semaphore, #tpu.memory_space<semaphore_mem>>
        %dma_start3A = arith.constant 0 : i32
        %dma_start3A_65 = arith.constant 0 : i32
        %dma_start3A_66 = tpu.memref_slice %arg5[%dma_start3A, %dma_start3A_65] : memref<128x128xf32, #tpu.memory_space<vmem>> -> memref<8x128xf32, #tpu.memory_space<vmem>>
        %dma_start3A_67 = arith.constant 0 : i32
        %dma_start3A_68 = tpu.memref_slice %arg6[%add3A_17, %dma_start3A_67] : memref<10000x128xf32, #tpu.memory_space<vmem_shared>> -> memref<8x128xf32, #tpu.memory_space<vmem_shared>>
        %dma_start3A_69 = arith.constant 0 : i32
        %dma_start3A_70 = tpu.memref_slice %arg6[%add3A_17, %dma_start3A_69] : memref<10000x128xf32, #tpu.memory_space<vmem_shared>> -> memref<8x128xf32, #tpu.memory_space<vmem_shared>>
        %dma_start3A_71 = arith.constant 0 : i32
        %dma_start3A_72 = arith.constant 0 : i32
        %dma_start3A_73 = tpu.memref_slice %arg5[%dma_start3A_71, %dma_start3A_72] : memref<128x128xf32, #tpu.memory_space<vmem>> -> memref<8x128xf32, #tpu.memory_space<vmem>>
        tpu.enqueue_dma source(%dma_start3A_73 : memref<8x128xf32, #tpu.memory_space<vmem>>) target(%dma_start3A_70 : memref<8x128xf32, #tpu.memory_space<vmem_shared>>) target_semaphore(%run_scoped3A : memref<!tpu.dma_semaphore, #tpu.memory_space<semaphore_mem>>)
        %dma_wait3A = arith.constant 0 : i32
        %dma_wait3A_74 = arith.constant 0 : i32
        %dma_wait3A_75 = tpu.memref_slice %arg5[%dma_wait3A, %dma_wait3A_74] : memref<128x128xf32, #tpu.memory_space<vmem>> -> memref<8x128xf32, #tpu.memory_space<vmem>>
        %dma_wait3A_76 = arith.constant 0 : i32
        %dma_wait3A_77 = tpu.memref_slice %arg6[%add3A_17, %dma_wait3A_76] : memref<10000x128xf32, #tpu.memory_space<vmem_shared>> -> memref<8x128xf32, #tpu.memory_space<vmem_shared>>
        %dma_wait3A_78 = arith.constant 0 : i32
        %dma_wait3A_79 = tpu.memref_slice %arg6[%add3A_17, %dma_wait3A_78] : memref<10000x128xf32, #tpu.memory_space<vmem_shared>> -> memref<8x128xf32, #tpu.memory_space<vmem_shared>>
        %dma_wait3A_80 = arith.constant 0 : i32
        %dma_wait3A_81 = arith.constant 0 : i32
        %dma_wait3A_82 = tpu.memref_slice %arg5[%dma_wait3A_80, %dma_wait3A_81] : memref<128x128xf32, #tpu.memory_space<vmem>> -> memref<8x128xf32, #tpu.memory_space<vmem>>
        tpu.wait_dma2 semaphore(%run_scoped3A : memref<!tpu.dma_semaphore, #tpu.memory_space<semaphore_mem>>) src(%dma_wait3A_82 : memref<8x128xf32, #tpu.memory_space<vmem>>) dst(%dma_wait3A_79 : memref<8x128xf32, #tpu.memory_space<vmem_shared>>)
        tpu.yield
      }) : () -> ()
    } else {
    }
    %scan3A_24 = arith.constant 0 : i32
    %scan3A_25 = arith.constant 0 : i32
    %scan3A_26 = arith.constant 128 : i32
    %scan3A_27 = arith.addi %scan3A_25, %scan3A_26 : i32
    %scan3A_28 = arith.constant 1 : i32
    scf.for %scan3A_65 = %scan3A_25 to %scan3A_27 step %scan3A_28  : i32 {
      %broadcast_in_dim3A = arith.constant 1.000000e+00 : f32
      %broadcast_in_dim3A_66 = vector.broadcast %broadcast_in_dim3A : f32 to vector<16xf32>
      %swap3A = arith.index_cast %scan3A_65 : i32 to index
      %swap3A_67 = arith.constant 0 : index
      %swap3A_68 = tpu.vector_load %arg5[%swap3A, %swap3A_67] {strides = array<i32>} : memref<128x128xf32, #tpu.memory_space<vmem>>, vector<1x16xf32>,
      %swap3A_69 = vector.shape_cast %swap3A_68 : vector<1x16xf32> to vector<16xf32>
      %swap3A_70 = vector.shape_cast %broadcast_in_dim3A_66 : vector<16xf32> to vector<1x16xf32>
      tpu.vector_store %arg5[%swap3A, %swap3A_67], %swap3A_70 {strides = array<i32>} : memref<128x128xf32, #tpu.memory_space<vmem>>, vector<1x16xf32>,
      %broadcast_in_dim3A_71 = arith.constant 1.000000e+00 : f32
      %broadcast_in_dim3A_72 = vector.broadcast %broadcast_in_dim3A_71 : f32 to vector<16xf32>
      %swap3A_73 = arith.index_cast %scan3A_65 : i32 to index
      %swap3A_74 = arith.constant 16 : index
      %swap3A_75 = tpu.vector_load %arg5[%swap3A_73, %swap3A_74] {strides = array<i32>} : memref<128x128xf32, #tpu.memory_space<vmem>>, vector<1x16xf32>,
      %swap3A_76 = vector.shape_cast %swap3A_75 : vector<1x16xf32> to vector<16xf32>
      %swap3A_77 = vector.shape_cast %broadcast_in_dim3A_72 : vector<16xf32> to vector<1x16xf32>
      tpu.vector_store %arg5[%swap3A_73, %swap3A_74], %swap3A_77 {strides = array<i32>} : memref<128x128xf32, #tpu.memory_space<vmem>>, vector<1x16xf32>,
      %broadcast_in_dim3A_78 = arith.constant 1.000000e+00 : f32
      %broadcast_in_dim3A_79 = vector.broadcast %broadcast_in_dim3A_78 : f32 to vector<16xf32>
      %swap3A_80 = arith.index_cast %scan3A_65 : i32 to index
      %swap3A_81 = arith.constant 32 : index
      %swap3A_82 = tpu.vector_load %arg5[%swap3A_80, %swap3A_81] {strides = array<i32>} : memref<128x128xf32, #tpu.memory_space<vmem>>, vector<1x16xf32>,
      %swap3A_83 = vector.shape_cast %swap3A_82 : vector<1x16xf32> to vector<16xf32>
      %swap3A_84 = vector.shape_cast %broadcast_in_dim3A_79 : vector<16xf32> to vector<1x16xf32>
      tpu.vector_store %arg5[%swap3A_80, %swap3A_81], %swap3A_84 {strides = array<i32>} : memref<128x128xf32, #tpu.memory_space<vmem>>, vector<1x16xf32>,
      %broadcast_in_dim3A_85 = arith.constant 1.000000e+00 : f32
      %broadcast_in_dim3A_86 = vector.broadcast %broadcast_in_dim3A_85 : f32 to vector<16xf32>
      %swap3A_87 = arith.index_cast %scan3A_65 : i32 to index
      %swap3A_88 = arith.constant 48 : index
      %swap3A_89 = tpu.vector_load %arg5[%swap3A_87, %swap3A_88] {strides = array<i32>} : memref<128x128xf32, #tpu.memory_space<vmem>>, vector<1x16xf32>,
      %swap3A_90 = vector.shape_cast %swap3A_89 : vector<1x16xf32> to vector<16xf32>
      %swap3A_91 = vector.shape_cast %broadcast_in_dim3A_86 : vector<16xf32> to vector<1x16xf32>
      tpu.vector_store %arg5[%swap3A_87, %swap3A_88], %swap3A_91 {strides = array<i32>} : memref<128x128xf32, #tpu.memory_space<vmem>>, vector<1x16xf32>,
      %broadcast_in_dim3A_92 = arith.constant 1.000000e+00 : f32
      %broadcast_in_dim3A_93 = vector.broadcast %broadcast_in_dim3A_92 : f32 to vector<16xf32>
      %swap3A_94 = arith.index_cast %scan3A_65 : i32 to index
      %swap3A_95 = arith.constant 64 : index
      %swap3A_96 = tpu.vector_load %arg5[%swap3A_94, %swap3A_95] {strides = array<i32>} : memref<128x128xf32, #tpu.memory_space<vmem>>, vector<1x16xf32>,
      %swap3A_97 = vector.shape_cast %swap3A_96 : vector<1x16xf32> to vector<16xf32>
      %swap3A_98 = vector.shape_cast %broadcast_in_dim3A_93 : vector<16xf32> to vector<1x16xf32>
      tpu.vector_store %arg5[%swap3A_94, %swap3A_95], %swap3A_98 {strides = array<i32>} : memref<128x128xf32, #tpu.memory_space<vmem>>, vector<1x16xf32>,
      %broadcast_in_dim3A_99 = arith.constant 1.000000e+00 : f32
      %broadcast_in_dim3A_100 = vector.broadcast %broadcast_in_dim3A_99 : f32 to vector<16xf32>
      %swap3A_101 = arith.index_cast %scan3A_65 : i32 to index
      %swap3A_102 = arith.constant 80 : index
      %swap3A_103 = tpu.vector_load %arg5[%swap3A_101, %swap3A_102] {strides = array<i32>} : memref<128x128xf32, #tpu.memory_space<vmem>>, vector<1x16xf32>,
      %swap3A_104 = vector.shape_cast %swap3A_103 : vector<1x16xf32> to vector<16xf32>
      %swap3A_105 = vector.shape_cast %broadcast_in_dim3A_100 : vector<16xf32> to vector<1x16xf32>
      tpu.vector_store %arg5[%swap3A_101, %swap3A_102], %swap3A_105 {strides = array<i32>} : memref<128x128xf32, #tpu.memory_space<vmem>>, vector<1x16xf32>,
      %broadcast_in_dim3A_106 = arith.constant 1.000000e+00 : f32
      %broadcast_in_dim3A_107 = vector.broadcast %broadcast_in_dim3A_106 : f32 to vector<16xf32>
      %swap3A_108 = arith.index_cast %scan3A_65 : i32 to index
      %swap3A_109 = arith.constant 96 : index
      %swap3A_110 = tpu.vector_load %arg5[%swap3A_108, %swap3A_109] {strides = array<i32>} : memref<128x128xf32, #tpu.memory_space<vmem>>, vector<1x16xf32>,
      %swap3A_111 = vector.shape_cast %swap3A_110 : vector<1x16xf32> to vector<16xf32>
      %swap3A_112 = vector.shape_cast %broadcast_in_dim3A_107 : vector<16xf32> to vector<1x16xf32>
      tpu.vector_store %arg5[%swap3A_108, %swap3A_109], %swap3A_112 {strides = array<i32>} : memref<128x128xf32, #tpu.memory_space<vmem>>, vector<1x16xf32>,
      %broadcast_in_dim3A_113 = arith.constant 1.000000e+00 : f32
      %broadcast_in_dim3A_114 = vector.broadcast %broadcast_in_dim3A_113 : f32 to vector<16xf32>
      %swap3A_115 = arith.index_cast %scan3A_65 : i32 to index
      %swap3A_116 = arith.constant 112 : index
      %swap3A_117 = tpu.vector_load %arg5[%swap3A_115, %swap3A_116] {strides = array<i32>} : memref<128x128xf32, #tpu.memory_space<vmem>>, vector<1x16xf32>,
      %swap3A_118 = vector.shape_cast %swap3A_117 : vector<1x16xf32> to vector<16xf32>
      %swap3A_119 = vector.shape_cast %broadcast_in_dim3A_114 : vector<16xf32> to vector<1x16xf32>
      tpu.vector_store %arg5[%swap3A_115, %swap3A_116], %swap3A_119 {strides = array<i32>} : memref<128x128xf32, #tpu.memory_space<vmem>>, vector<1x16xf32>,
    }
    %scan3A_29 = arith.constant 128 : i32
    %barrier3A = arith.constant 0 : index
    tpu.barrier barrier_id(%barrier3A)
    %scan3A_30 = arith.constant 0 : i32
    %scan3A_31 = arith.constant 0 : i32
    %scan3A_32 = arith.constant 10 : i32
    %scan3A_33 = arith.addi %scan3A_31, %scan3A_32 : i32
    %scan3A_34 = arith.constant 1 : i32
    scf.for %scan3A_65 = %scan3A_31 to %scan3A_33 step %scan3A_34  : i32 {
      %mul3A_66 = arith.constant 10 : i32
      %mul3A_67 = arith.muli %add3A, %mul3A_66 : i32
      %add3A_68 = arith.addi %mul3A_67, %scan3A_65 : i32
      "tpu.region"() ({
        %run_scoped3A_76 = tpu.sem_alloc : memref<!tpu.dma_semaphore, #tpu.memory_space<semaphore_mem>>
        %dma_start3A = arith.constant 0 : i32
        %dma_start3A_77 = arith.constant 0 : i32
        %dma_start3A_78 = tpu.memref_slice %arg2[%add3A_68, %dma_start3A, %dma_start3A_77] : memref<320x8x128xi32, #tpu.memory_space<hbm>> -> memref<1x8x128xi32, #tpu.memory_space<hbm>>
        %dma_start3A_79 = tpu.memref_squeeze %dma_start3A_78 : memref<1x8x128xi32, #tpu.memory_space<hbm>> -> memref<8x128xi32, #tpu.memory_space<hbm>>
        %dma_start3A_80 = arith.constant 0 : i32
        %dma_start3A_81 = arith.constant 0 : i32
        %dma_start3A_82 = tpu.memref_slice %arg2[%add3A_68, %dma_start3A_80, %dma_start3A_81] : memref<320x8x128xi32, #tpu.memory_space<hbm>> -> memref<1x8x128xi32, #tpu.memory_space<hbm>>
        %dma_start3A_83 = tpu.memref_squeeze %dma_start3A_82 : memref<1x8x128xi32, #tpu.memory_space<hbm>> -> memref<8x128xi32, #tpu.memory_space<hbm>>
        tpu.enqueue_dma source(%dma_start3A_83 : memref<8x128xi32, #tpu.memory_space<hbm>>) target(%arg4 : memref<8x128xi32, #tpu.memory_space<vmem>>) target_semaphore(%run_scoped3A_76 : memref<!tpu.dma_semaphore, #tpu.memory_space<semaphore_mem>>)
        %dma_wait3A = arith.constant 0 : i32
        %dma_wait3A_84 = arith.constant 0 : i32
        %dma_wait3A_85 = tpu.memref_slice %arg2[%add3A_68, %dma_wait3A, %dma_wait3A_84] : memref<320x8x128xi32, #tpu.memory_space<hbm>> -> memref<1x8x128xi32, #tpu.memory_space<hbm>>
        %dma_wait3A_86 = tpu.memref_squeeze %dma_wait3A_85 : memref<1x8x128xi32, #tpu.memory_space<hbm>> -> memref<8x128xi32, #tpu.memory_space<hbm>>
        %dma_wait3A_87 = arith.constant 0 : i32
        %dma_wait3A_88 = arith.constant 0 : i32
        %dma_wait3A_89 = tpu.memref_slice %arg2[%add3A_68, %dma_wait3A_87, %dma_wait3A_88] : memref<320x8x128xi32, #tpu.memory_space<hbm>> -> memref<1x8x128xi32, #tpu.memory_space<hbm>>
        %dma_wait3A_90 = tpu.memref_squeeze %dma_wait3A_89 : memref<1x8x128xi32, #tpu.memory_space<hbm>> -> memref<8x128xi32, #tpu.memory_space<hbm>>
        tpu.wait_dma2 semaphore(%run_scoped3A_76 : memref<!tpu.dma_semaphore, #tpu.memory_space<semaphore_mem>>) src(%dma_wait3A_90 : memref<8x128xi32, #tpu.memory_space<hbm>>) dst(%arg4 : memref<8x128xi32, #tpu.memory_space<vmem>>)
        tpu.yield
      }) : () -> ()
      %run_scoped3A = arith.constant 0 : i32
      "tpu.region"() ({
        %run_scoped3A_76 = tpu.sem_alloc : memref<!tpu.dma_semaphore, #tpu.memory_space<semaphore_mem>>
        %dma_start3A = arith.constant 0 : i32
        %dma_start3A_77 = tpu.memref_slice %arg4[%run_scoped3A, %dma_start3A] : memref<8x128xi32, #tpu.memory_space<vmem>> -> memref<1x128xi32, #tpu.memory_space<vmem>>
        %dma_start3A_78 = tpu.memref_squeeze %dma_start3A_77 : memref<1x128xi32, #tpu.memory_space<vmem>> -> memref<128xi32, #tpu.memory_space<vmem>>
        %dma_start3A_79 = arith.constant 0 : i32
        %dma_start3A_80 = arith.constant 0 : i32
        %dma_start3A_81 = tpu.memref_slice %arg6[%dma_start3A_79, %dma_start3A_80] : memref<10000x128xf32, #tpu.memory_space<vmem_shared>> -> memref<10000x128xf32, #tpu.memory_space<vmem_shared>>
        tpu.enqueue_indirect_dma source(%arg5 : memref<128x128xf32, #tpu.memory_space<vmem>>) target(%dma_start3A_81 : memref<10000x128xf32, #tpu.memory_space<vmem_shared>>) offsets(%dma_start3A_78 : memref<128xi32, #tpu.memory_space<vmem>>) semaphore(%run_scoped3A_76 : memref<!tpu.dma_semaphore, #tpu.memory_space<semaphore_mem>>) {add = true}
        %dma_wait3A = arith.constant 0 : i32
        %dma_wait3A_82 = tpu.memref_slice %arg4[%run_scoped3A, %dma_wait3A] : memref<8x128xi32, #tpu.memory_space<vmem>> -> memref<1x128xi32, #tpu.memory_space<vmem>>
        %dma_wait3A_83 = tpu.memref_squeeze %dma_wait3A_82 : memref<1x128xi32, #tpu.memory_space<vmem>> -> memref<128xi32, #tpu.memory_space<vmem>>
        %dma_wait3A_84 = arith.constant 0 : i32
        %dma_wait3A_85 = arith.constant 0 : i32
        %dma_wait3A_86 = tpu.memref_slice %arg6[%dma_wait3A_84, %dma_wait3A_85] : memref<10000x128xf32, #tpu.memory_space<vmem_shared>> -> memref<10000x128xf32, #tpu.memory_space<vmem_shared>>
        tpu.wait_indirect_dma semaphore(%run_scoped3A_76 : memref<!tpu.dma_semaphore, #tpu.memory_space<semaphore_mem>>) src(%arg5 : memref<128x128xf32, #tpu.memory_space<vmem>>) dst(%dma_wait3A_86 : memref<10000x128xf32, #tpu.memory_space<vmem_shared>>)
        tpu.yield
      }) : () -> ()
      %run_scoped3A_69 = arith.constant 1 : i32
      "tpu.region"() ({
        %run_scoped3A_76 = tpu.sem_alloc : memref<!tpu.dma_semaphore, #tpu.memory_space<semaphore_mem>>
        %dma_start3A = arith.constant 0 : i32
        %dma_start3A_77 = tpu.memref_slice %arg4[%run_scoped3A_69, %dma_start3A] : memref<8x128xi32, #tpu.memory_space<vmem>> -> memref<1x128xi32, #tpu.memory_space<vmem>>
        %dma_start3A_78 = tpu.memref_squeeze %dma_start3A_77 : memref<1x128xi32, #tpu.memory_space<vmem>> -> memref<128xi32, #tpu.memory_space<vmem>>
        %dma_start3A_79 = arith.constant 0 : i32
        %dma_start3A_80 = arith.constant 0 : i32
        %dma_start3A_81 = tpu.memref_slice %arg6[%dma_start3A_79, %dma_start3A_80] : memref<10000x128xf32, #tpu.memory_space<vmem_shared>> -> memref<10000x128xf32, #tpu.memory_space<vmem_shared>>
        tpu.enqueue_indirect_dma source(%arg5 : memref<128x128xf32, #tpu.memory_space<vmem>>) target(%dma_start3A_81 : memref<10000x128xf32, #tpu.memory_space<vmem_shared>>) offsets(%dma_start3A_78 : memref<128xi32, #tpu.memory_space<vmem>>) semaphore(%run_scoped3A_76 : memref<!tpu.dma_semaphore, #tpu.memory_space<semaphore_mem>>) {add = true}
        %dma_wait3A = arith.constant 0 : i32
        %dma_wait3A_82 = tpu.memref_slice %arg4[%run_scoped3A_69, %dma_wait3A] : memref<8x128xi32, #tpu.memory_space<vmem>> -> memref<1x128xi32, #tpu.memory_space<vmem>>
        %dma_wait3A_83 = tpu.memref_squeeze %dma_wait3A_82 : memref<1x128xi32, #tpu.memory_space<vmem>> -> memref<128xi32, #tpu.memory_space<vmem>>
        %dma_wait3A_84 = arith.constant 0 : i32
        %dma_wait3A_85 = arith.constant 0 : i32
        %dma_wait3A_86 = tpu.memref_slice %arg6[%dma_wait3A_84, %dma_wait3A_85] : memref<10000x128xf32, #tpu.memory_space<vmem_shared>> -> memref<10000x128xf32, #tpu.memory_space<vmem_shared>>
        tpu.wait_indirect_dma semaphore(%run_scoped3A_76 : memref<!tpu.dma_semaphore, #tpu.memory_space<semaphore_mem>>) src(%arg5 : memref<128x128xf32, #tpu.memory_space<vmem>>) dst(%dma_wait3A_86 : memref<10000x128xf32, #tpu.memory_space<vmem_shared>>)
        tpu.yield
      }) : () -> ()
      %run_scoped3A_70 = arith.constant 2 : i32
      "tpu.region"() ({
        %run_scoped3A_76 = tpu.sem_alloc : memref<!tpu.dma_semaphore, #tpu.memory_space<semaphore_mem>>
        %dma_start3A = arith.constant 0 : i32
        %dma_start3A_77 = tpu.memref_slice %arg4[%run_scoped3A_70, %dma_start3A] : memref<8x128xi32, #tpu.memory_space<vmem>> -> memref<1x128xi32, #tpu.memory_space<vmem>>
        %dma_start3A_78 = tpu.memref_squeeze %dma_start3A_77 : memref<1x128xi32, #tpu.memory_space<vmem>> -> memref<128xi32, #tpu.memory_space<vmem>>
        %dma_start3A_79 = arith.constant 0 : i32
        %dma_start3A_80 = arith.constant 0 : i32
        %dma_start3A_81 = tpu.memref_slice %arg6[%dma_start3A_79, %dma_start3A_80] : memref<10000x128xf32, #tpu.memory_space<vmem_shared>> -> memref<10000x128xf32, #tpu.memory_space<vmem_shared>>
        tpu.enqueue_indirect_dma source(%arg5 : memref<128x128xf32, #tpu.memory_space<vmem>>) target(%dma_start3A_81 : memref<10000x128xf32, #tpu.memory_space<vmem_shared>>) offsets(%dma_start3A_78 : memref<128xi32, #tpu.memory_space<vmem>>) semaphore(%run_scoped3A_76 : memref<!tpu.dma_semaphore, #tpu.memory_space<semaphore_mem>>) {add = true}
        %dma_wait3A = arith.constant 0 : i32
        %dma_wait3A_82 = tpu.memref_slice %arg4[%run_scoped3A_70, %dma_wait3A] : memref<8x128xi32, #tpu.memory_space<vmem>> -> memref<1x128xi32, #tpu.memory_space<vmem>>
        %dma_wait3A_83 = tpu.memref_squeeze %dma_wait3A_82 : memref<1x128xi32, #tpu.memory_space<vmem>> -> memref<128xi32, #tpu.memory_space<vmem>>
        %dma_wait3A_84 = arith.constant 0 : i32
        %dma_wait3A_85 = arith.constant 0 : i32
        %dma_wait3A_86 = tpu.memref_slice %arg6[%dma_wait3A_84, %dma_wait3A_85] : memref<10000x128xf32, #tpu.memory_space<vmem_shared>> -> memref<10000x128xf32, #tpu.memory_space<vmem_shared>>
        tpu.wait_indirect_dma semaphore(%run_scoped3A_76 : memref<!tpu.dma_semaphore, #tpu.memory_space<semaphore_mem>>) src(%arg5 : memref<128x128xf32, #tpu.memory_space<vmem>>) dst(%dma_wait3A_86 : memref<10000x128xf32, #tpu.memory_space<vmem_shared>>)
        tpu.yield
      }) : () -> ()
      %run_scoped3A_71 = arith.constant 3 : i32
      "tpu.region"() ({
        %run_scoped3A_76 = tpu.sem_alloc : memref<!tpu.dma_semaphore, #tpu.memory_space<semaphore_mem>>
        %dma_start3A = arith.constant 0 : i32
        %dma_start3A_77 = tpu.memref_slice %arg4[%run_scoped3A_71, %dma_start3A] : memref<8x128xi32, #tpu.memory_space<vmem>> -> memref<1x128xi32, #tpu.memory_space<vmem>>
        %dma_start3A_78 = tpu.memref_squeeze %dma_start3A_77 : memref<1x128xi32, #tpu.memory_space<vmem>> -> memref<128xi32, #tpu.memory_space<vmem>>
        %dma_start3A_79 = arith.constant 0 : i32
        %dma_start3A_80 = arith.constant 0 : i32
        %dma_start3A_81 = tpu.memref_slice %arg6[%dma_start3A_79, %dma_start3A_80] : memref<10000x128xf32, #tpu.memory_space<vmem_shared>> -> memref<10000x128xf32, #tpu.memory_space<vmem_shared>>
        tpu.enqueue_indirect_dma source(%arg5 : memref<128x128xf32, #tpu.memory_space<vmem>>) target(%dma_start3A_81 : memref<10000x128xf32, #tpu.memory_space<vmem_shared>>) offsets(%dma_start3A_78 : memref<128xi32, #tpu.memory_space<vmem>>) semaphore(%run_scoped3A_76 : memref<!tpu.dma_semaphore, #tpu.memory_space<semaphore_mem>>) {add = true}
        %dma_wait3A = arith.constant 0 : i32
        %dma_wait3A_82 = tpu.memref_slice %arg4[%run_scoped3A_71, %dma_wait3A] : memref<8x128xi32, #tpu.memory_space<vmem>> -> memref<1x128xi32, #tpu.memory_space<vmem>>
        %dma_wait3A_83 = tpu.memref_squeeze %dma_wait3A_82 : memref<1x128xi32, #tpu.memory_space<vmem>> -> memref<128xi32, #tpu.memory_space<vmem>>
        %dma_wait3A_84 = arith.constant 0 : i32
        %dma_wait3A_85 = arith.constant 0 : i32
        %dma_wait3A_86 = tpu.memref_slice %arg6[%dma_wait3A_84, %dma_wait3A_85] : memref<10000x128xf32, #tpu.memory_space<vmem_shared>> -> memref<10000x128xf32, #tpu.memory_space<vmem_shared>>
        tpu.wait_indirect_dma semaphore(%run_scoped3A_76 : memref<!tpu.dma_semaphore, #tpu.memory_space<semaphore_mem>>) src(%arg5 : memref<128x128xf32, #tpu.memory_space<vmem>>) dst(%dma_wait3A_86 : memref<10000x128xf32, #tpu.memory_space<vmem_shared>>)
        tpu.yield
      }) : () -> ()
      %run_scoped3A_72 = arith.constant 4 : i32
      "tpu.region"() ({
        %run_scoped3A_76 = tpu.sem_alloc : memref<!tpu.dma_semaphore, #tpu.memory_space<semaphore_mem>>
        %dma_start3A = arith.constant 0 : i32
        %dma_start3A_77 = tpu.memref_slice %arg4[%run_scoped3A_72, %dma_start3A] : memref<8x128xi32, #tpu.memory_space<vmem>> -> memref<1x128xi32, #tpu.memory_space<vmem>>
        %dma_start3A_78 = tpu.memref_squeeze %dma_start3A_77 : memref<1x128xi32, #tpu.memory_space<vmem>> -> memref<128xi32, #tpu.memory_space<vmem>>
        %dma_start3A_79 = arith.constant 0 : i32
        %dma_start3A_80 = arith.constant 0 : i32
        %dma_start3A_81 = tpu.memref_slice %arg6[%dma_start3A_79, %dma_start3A_80] : memref<10000x128xf32, #tpu.memory_space<vmem_shared>> -> memref<10000x128xf32, #tpu.memory_space<vmem_shared>>
        tpu.enqueue_indirect_dma source(%arg5 : memref<128x128xf32, #tpu.memory_space<vmem>>) target(%dma_start3A_81 : memref<10000x128xf32, #tpu.memory_space<vmem_shared>>) offsets(%dma_start3A_78 : memref<128xi32, #tpu.memory_space<vmem>>) semaphore(%run_scoped3A_76 : memref<!tpu.dma_semaphore, #tpu.memory_space<semaphore_mem>>) {add = true}
        %dma_wait3A = arith.constant 0 : i32
        %dma_wait3A_82 = tpu.memref_slice %arg4[%run_scoped3A_72, %dma_wait3A] : memref<8x128xi32, #tpu.memory_space<vmem>> -> memref<1x128xi32, #tpu.memory_space<vmem>>
        %dma_wait3A_83 = tpu.memref_squeeze %dma_wait3A_82 : memref<1x128xi32, #tpu.memory_space<vmem>> -> memref<128xi32, #tpu.memory_space<vmem>>
        %dma_wait3A_84 = arith.constant 0 : i32
        %dma_wait3A_85 = arith.constant 0 : i32
        %dma_wait3A_86 = tpu.memref_slice %arg6[%dma_wait3A_84, %dma_wait3A_85] : memref<10000x128xf32, #tpu.memory_space<vmem_shared>> -> memref<10000x128xf32, #tpu.memory_space<vmem_shared>>
        tpu.wait_indirect_dma semaphore(%run_scoped3A_76 : memref<!tpu.dma_semaphore, #tpu.memory_space<semaphore_mem>>) src(%arg5 : memref<128x128xf32, #tpu.memory_space<vmem>>) dst(%dma_wait3A_86 : memref<10000x128xf32, #tpu.memory_space<vmem_shared>>)
        tpu.yield
      }) : () -> ()
      %run_scoped3A_73 = arith.constant 5 : i32
      "tpu.region"() ({
        %run_scoped3A_76 = tpu.sem_alloc : memref<!tpu.dma_semaphore, #tpu.memory_space<semaphore_mem>>
        %dma_start3A = arith.constant 0 : i32
        %dma_start3A_77 = tpu.memref_slice %arg4[%run_scoped3A_73, %dma_start3A] : memref<8x128xi32, #tpu.memory_space<vmem>> -> memref<1x128xi32, #tpu.memory_space<vmem>>
        %dma_start3A_78 = tpu.memref_squeeze %dma_start3A_77 : memref<1x128xi32, #tpu.memory_space<vmem>> -> memref<128xi32, #tpu.memory_space<vmem>>
        %dma_start3A_79 = arith.constant 0 : i32
        %dma_start3A_80 = arith.constant 0 : i32
        %dma_start3A_81 = tpu.memref_slice %arg6[%dma_start3A_79, %dma_start3A_80] : memref<10000x128xf32, #tpu.memory_space<vmem_shared>> -> memref<10000x128xf32, #tpu.memory_space<vmem_shared>>
        tpu.enqueue_indirect_dma source(%arg5 : memref<128x128xf32, #tpu.memory_space<vmem>>) target(%dma_start3A_81 : memref<10000x128xf32, #tpu.memory_space<vmem_shared>>) offsets(%dma_start3A_78 : memref<128xi32, #tpu.memory_space<vmem>>) semaphore(%run_scoped3A_76 : memref<!tpu.dma_semaphore, #tpu.memory_space<semaphore_mem>>) {add = true}
        %dma_wait3A = arith.constant 0 : i32
        %dma_wait3A_82 = tpu.memref_slice %arg4[%run_scoped3A_73, %dma_wait3A] : memref<8x128xi32, #tpu.memory_space<vmem>> -> memref<1x128xi32, #tpu.memory_space<vmem>>
        %dma_wait3A_83 = tpu.memref_squeeze %dma_wait3A_82 : memref<1x128xi32, #tpu.memory_space<vmem>> -> memref<128xi32, #tpu.memory_space<vmem>>
        %dma_wait3A_84 = arith.constant 0 : i32
        %dma_wait3A_85 = arith.constant 0 : i32
        %dma_wait3A_86 = tpu.memref_slice %arg6[%dma_wait3A_84, %dma_wait3A_85] : memref<10000x128xf32, #tpu.memory_space<vmem_shared>> -> memref<10000x128xf32, #tpu.memory_space<vmem_shared>>
        tpu.wait_indirect_dma semaphore(%run_scoped3A_76 : memref<!tpu.dma_semaphore, #tpu.memory_space<semaphore_mem>>) src(%arg5 : memref<128x128xf32, #tpu.memory_space<vmem>>) dst(%dma_wait3A_86 : memref<10000x128xf32, #tpu.memory_space<vmem_shared>>)
        tpu.yield
      }) : () -> ()
      %run_scoped3A_74 = arith.constant 6 : i32
      "tpu.region"() ({
        %run_scoped3A_76 = tpu.sem_alloc : memref<!tpu.dma_semaphore, #tpu.memory_space<semaphore_mem>>
        %dma_start3A = arith.constant 0 : i32
        %dma_start3A_77 = tpu.memref_slice %arg4[%run_scoped3A_74, %dma_start3A] : memref<8x128xi32, #tpu.memory_space<vmem>> -> memref<1x128xi32, #tpu.memory_space<vmem>>
        %dma_start3A_78 = tpu.memref_squeeze %dma_start3A_77 : memref<1x128xi32, #tpu.memory_space<vmem>> -> memref<128xi32, #tpu.memory_space<vmem>>
        %dma_start3A_79 = arith.constant 0 : i32
        %dma_start3A_80 = arith.constant 0 : i32
        %dma_start3A_81 = tpu.memref_slice %arg6[%dma_start3A_79, %dma_start3A_80] : memref<10000x128xf32, #tpu.memory_space<vmem_shared>> -> memref<10000x128xf32, #tpu.memory_space<vmem_shared>>
        tpu.enqueue_indirect_dma source(%arg5 : memref<128x128xf32, #tpu.memory_space<vmem>>) target(%dma_start3A_81 : memref<10000x128xf32, #tpu.memory_space<vmem_shared>>) offsets(%dma_start3A_78 : memref<128xi32, #tpu.memory_space<vmem>>) semaphore(%run_scoped3A_76 : memref<!tpu.dma_semaphore, #tpu.memory_space<semaphore_mem>>) {add = true}
        %dma_wait3A = arith.constant 0 : i32
        %dma_wait3A_82 = tpu.memref_slice %arg4[%run_scoped3A_74, %dma_wait3A] : memref<8x128xi32, #tpu.memory_space<vmem>> -> memref<1x128xi32, #tpu.memory_space<vmem>>
        %dma_wait3A_83 = tpu.memref_squeeze %dma_wait3A_82 : memref<1x128xi32, #tpu.memory_space<vmem>> -> memref<128xi32, #tpu.memory_space<vmem>>
        %dma_wait3A_84 = arith.constant 0 : i32
        %dma_wait3A_85 = arith.constant 0 : i32
        %dma_wait3A_86 = tpu.memref_slice %arg6[%dma_wait3A_84, %dma_wait3A_85] : memref<10000x128xf32, #tpu.memory_space<vmem_shared>> -> memref<10000x128xf32, #tpu.memory_space<vmem_shared>>
        tpu.wait_indirect_dma semaphore(%run_scoped3A_76 : memref<!tpu.dma_semaphore, #tpu.memory_space<semaphore_mem>>) src(%arg5 : memref<128x128xf32, #tpu.memory_space<vmem>>) dst(%dma_wait3A_86 : memref<10000x128xf32, #tpu.memory_space<vmem_shared>>)
        tpu.yield
      }) : () -> ()
      %run_scoped3A_75 = arith.constant 7 : i32
      "tpu.region"() ({
        %run_scoped3A_76 = tpu.sem_alloc : memref<!tpu.dma_semaphore, #tpu.memory_space<semaphore_mem>>
        %dma_start3A = arith.constant 0 : i32
        %dma_start3A_77 = tpu.memref_slice %arg4[%run_scoped3A_75, %dma_start3A] : memref<8x128xi32, #tpu.memory_space<vmem>> -> memref<1x128xi32, #tpu.memory_space<vmem>>
        %dma_start3A_78 = tpu.memref_squeeze %dma_start3A_77 : memref<1x128xi32, #tpu.memory_space<vmem>> -> memref<128xi32, #tpu.memory_space<vmem>>
        %dma_start3A_79 = arith.constant 0 : i32
        %dma_start3A_80 = arith.constant 0 : i32
        %dma_start3A_81 = tpu.memref_slice %arg6[%dma_start3A_79, %dma_start3A_80] : memref<10000x128xf32, #tpu.memory_space<vmem_shared>> -> memref<10000x128xf32, #tpu.memory_space<vmem_shared>>
        tpu.enqueue_indirect_dma source(%arg5 : memref<128x128xf32, #tpu.memory_space<vmem>>) target(%dma_start3A_81 : memref<10000x128xf32, #tpu.memory_space<vmem_shared>>) offsets(%dma_start3A_78 : memref<128xi32, #tpu.memory_space<vmem>>) semaphore(%run_scoped3A_76 : memref<!tpu.dma_semaphore, #tpu.memory_space<semaphore_mem>>) {add = true}
        %dma_wait3A = arith.constant 0 : i32
        %dma_wait3A_82 = tpu.memref_slice %arg4[%run_scoped3A_75, %dma_wait3A] : memref<8x128xi32, #tpu.memory_space<vmem>> -> memref<1x128xi32, #tpu.memory_space<vmem>>
        %dma_wait3A_83 = tpu.memref_squeeze %dma_wait3A_82 : memref<1x128xi32, #tpu.memory_space<vmem>> -> memref<128xi32, #tpu.memory_space<vmem>>
        %dma_wait3A_84 = arith.constant 0 : i32
        %dma_wait3A_85 = arith.constant 0 : i32
        %dma_wait3A_86 = tpu.memref_slice %arg6[%dma_wait3A_84, %dma_wait3A_85] : memref<10000x128xf32, #tpu.memory_space<vmem_shared>> -> memref<10000x128xf32, #tpu.memory_space<vmem_shared>>
        tpu.wait_indirect_dma semaphore(%run_scoped3A_76 : memref<!tpu.dma_semaphore, #tpu.memory_space<semaphore_mem>>) src(%arg5 : memref<128x128xf32, #tpu.memory_space<vmem>>) dst(%dma_wait3A_86 : memref<10000x128xf32, #tpu.memory_space<vmem_shared>>)
        tpu.yield
      }) : () -> ()
    }
    %scan3A_35 = arith.constant 10 : i32
    %barrier3A_36 = arith.constant 0 : index
    tpu.barrier barrier_id(%barrier3A_36)
    %mul3A_37 = arith.constant 632 : i32
    %mul3A_38 = arith.muli %arg1, %mul3A_37 : i32
    %mul3A_39 = arith.constant 10000 : i32
    %mul3A_40 = arith.muli %arg0, %mul3A_39 : i32
    %add3A_41 = arith.constant 0 : i32
    %add3A_42 = arith.addi %mul3A_38, %add3A_41 : i32
    "tpu.region"() ({
      %run_scoped3A = tpu.sem_alloc : memref<!tpu.dma_semaphore, #tpu.memory_space<semaphore_mem>>
      %dma_start3A = arith.constant 0 : i32
      %dma_start3A_65 = tpu.memref_slice %arg6[%add3A_42, %dma_start3A] : memref<10000x128xf32, #tpu.memory_space<vmem_shared>> -> memref<128x128xf32, #tpu.memory_space<vmem_shared>>
      %dma_start3A_66 = arith.constant 0 : i32
      %dma_start3A_67 = tpu.memref_slice %arg6[%add3A_42, %dma_start3A_66] : memref<10000x128xf32, #tpu.memory_space<vmem_shared>> -> memref<128x128xf32, #tpu.memory_space<vmem_shared>>
      tpu.enqueue_dma source(%dma_start3A_67 : memref<128x128xf32, #tpu.memory_space<vmem_shared>>) target(%arg5 : memref<128x128xf32, #tpu.memory_space<vmem>>) target_semaphore(%run_scoped3A : memref<!tpu.dma_semaphore, #tpu.memory_space<semaphore_mem>>)
      %dma_wait3A = arith.constant 0 : i32
      %dma_wait3A_68 = tpu.memref_slice %arg6[%add3A_42, %dma_wait3A] : memref<10000x128xf32, #tpu.memory_space<vmem_shared>> -> memref<128x128xf32, #tpu.memory_space<vmem_shared>>
      %dma_wait3A_69 = arith.constant 0 : i32
      %dma_wait3A_70 = tpu.memref_slice %arg6[%add3A_42, %dma_wait3A_69] : memref<10000x128xf32, #tpu.memory_space<vmem_shared>> -> memref<128x128xf32, #tpu.memory_space<vmem_shared>>
      tpu.wait_dma2 semaphore(%run_scoped3A : memref<!tpu.dma_semaphore, #tpu.memory_space<semaphore_mem>>) src(%dma_wait3A_70 : memref<128x128xf32, #tpu.memory_space<vmem_shared>>) dst(%arg5 : memref<128x128xf32, #tpu.memory_space<vmem>>)
      tpu.yield
    }) : () -> ()
    %add3A_43 = arith.addi %mul3A_40, %add3A_42 : i32
    "tpu.region"() ({
      %run_scoped3A = tpu.sem_alloc : memref<!tpu.dma_semaphore, #tpu.memory_space<semaphore_mem>>
      %dma_start3A = arith.constant 0 : i32
      %dma_start3A_65 = tpu.memref_slice %arg3[%add3A_43, %dma_start3A] : memref<20000x128xf32, #tpu.memory_space<hbm>> -> memref<128x128xf32, #tpu.memory_space<hbm>>
      %dma_start3A_66 = arith.constant 0 : i32
      %dma_start3A_67 = tpu.memref_slice %arg3[%add3A_43, %dma_start3A_66] : memref<20000x128xf32, #tpu.memory_space<hbm>> -> memref<128x128xf32, #tpu.memory_space<hbm>>
      tpu.enqueue_dma source(%arg5 : memref<128x128xf32, #tpu.memory_space<vmem>>) target(%dma_start3A_67 : memref<128x128xf32, #tpu.memory_space<hbm>>) target_semaphore(%run_scoped3A : memref<!tpu.dma_semaphore, #tpu.memory_space<semaphore_mem>>)
      %dma_wait3A = arith.constant 0 : i32
      %dma_wait3A_68 = tpu.memref_slice %arg3[%add3A_43, %dma_wait3A] : memref<20000x128xf32, #tpu.memory_space<hbm>> -> memref<128x128xf32, #tpu.memory_space<hbm>>
      %dma_wait3A_69 = arith.constant 0 : i32
      %dma_wait3A_70 = tpu.memref_slice %arg3[%add3A_43, %dma_wait3A_69] : memref<20000x128xf32, #tpu.memory_space<hbm>> -> memref<128x128xf32, #tpu.memory_space<hbm>>
      tpu.wait_dma2 semaphore(%run_scoped3A : memref<!tpu.dma_semaphore, #tpu.memory_space<semaphore_mem>>) src(%arg5 : memref<128x128xf32, #tpu.memory_space<vmem>>) dst(%dma_wait3A_70 : memref<128x128xf32, #tpu.memory_space<hbm>>)
      tpu.yield
    }) : () -> ()
    %add3A_44 = arith.constant 128 : i32
    %add3A_45 = arith.addi %mul3A_38, %add3A_44 : i32
    "tpu.region"() ({
      %run_scoped3A = tpu.sem_alloc : memref<!tpu.dma_semaphore, #tpu.memory_space<semaphore_mem>>
      %dma_start3A = arith.constant 0 : i32
      %dma_start3A_65 = tpu.memref_slice %arg6[%add3A_45, %dma_start3A] : memref<10000x128xf32, #tpu.memory_space<vmem_shared>> -> memref<128x128xf32, #tpu.memory_space<vmem_shared>>
      %dma_start3A_66 = arith.constant 0 : i32
      %dma_start3A_67 = tpu.memref_slice %arg6[%add3A_45, %dma_start3A_66] : memref<10000x128xf32, #tpu.memory_space<vmem_shared>> -> memref<128x128xf32, #tpu.memory_space<vmem_shared>>
      tpu.enqueue_dma source(%dma_start3A_67 : memref<128x128xf32, #tpu.memory_space<vmem_shared>>) target(%arg5 : memref<128x128xf32, #tpu.memory_space<vmem>>) target_semaphore(%run_scoped3A : memref<!tpu.dma_semaphore, #tpu.memory_space<semaphore_mem>>)
      %dma_wait3A = arith.constant 0 : i32
      %dma_wait3A_68 = tpu.memref_slice %arg6[%add3A_45, %dma_wait3A] : memref<10000x128xf32, #tpu.memory_space<vmem_shared>> -> memref<128x128xf32, #tpu.memory_space<vmem_shared>>
      %dma_wait3A_69 = arith.constant 0 : i32
      %dma_wait3A_70 = tpu.memref_slice %arg6[%add3A_45, %dma_wait3A_69] : memref<10000x128xf32, #tpu.memory_space<vmem_shared>> -> memref<128x128xf32, #tpu.memory_space<vmem_shared>>
      tpu.wait_dma2 semaphore(%run_scoped3A : memref<!tpu.dma_semaphore, #tpu.memory_space<semaphore_mem>>) src(%dma_wait3A_70 : memref<128x128xf32, #tpu.memory_space<vmem_shared>>) dst(%arg5 : memref<128x128xf32, #tpu.memory_space<vmem>>)
      tpu.yield
    }) : () -> ()
    %add3A_46 = arith.addi %mul3A_40, %add3A_45 : i32
    "tpu.region"() ({
      %run_scoped3A = tpu.sem_alloc : memref<!tpu.dma_semaphore, #tpu.memory_space<semaphore_mem>>
      %dma_start3A = arith.constant 0 : i32
      %dma_start3A_65 = tpu.memref_slice %arg3[%add3A_46, %dma_start3A] : memref<20000x128xf32, #tpu.memory_space<hbm>> -> memref<128x128xf32, #tpu.memory_space<hbm>>
      %dma_start3A_66 = arith.constant 0 : i32
      %dma_start3A_67 = tpu.memref_slice %arg3[%add3A_46, %dma_start3A_66] : memref<20000x128xf32, #tpu.memory_space<hbm>> -> memref<128x128xf32, #tpu.memory_space<hbm>>
      tpu.enqueue_dma source(%arg5 : memref<128x128xf32, #tpu.memory_space<vmem>>) target(%dma_start3A_67 : memref<128x128xf32, #tpu.memory_space<hbm>>) target_semaphore(%run_scoped3A : memref<!tpu.dma_semaphore, #tpu.memory_space<semaphore_mem>>)
      %dma_wait3A = arith.constant 0 : i32
      %dma_wait3A_68 = tpu.memref_slice %arg3[%add3A_46, %dma_wait3A] : memref<20000x128xf32, #tpu.memory_space<hbm>> -> memref<128x128xf32, #tpu.memory_space<hbm>>
      %dma_wait3A_69 = arith.constant 0 : i32
      %dma_wait3A_70 = tpu.memref_slice %arg3[%add3A_46, %dma_wait3A_69] : memref<20000x128xf32, #tpu.memory_space<hbm>> -> memref<128x128xf32, #tpu.memory_space<hbm>>
      tpu.wait_dma2 semaphore(%run_scoped3A : memref<!tpu.dma_semaphore, #tpu.memory_space<semaphore_mem>>) src(%arg5 : memref<128x128xf32, #tpu.memory_space<vmem>>) dst(%dma_wait3A_70 : memref<128x128xf32, #tpu.memory_space<hbm>>)
      tpu.yield
    }) : () -> ()
    %add3A_47 = arith.constant 256 : i32
    %add3A_48 = arith.addi %mul3A_38, %add3A_47 : i32
    "tpu.region"() ({
      %run_scoped3A = tpu.sem_alloc : memref<!tpu.dma_semaphore, #tpu.memory_space<semaphore_mem>>
      %dma_start3A = arith.constant 0 : i32
      %dma_start3A_65 = tpu.memref_slice %arg6[%add3A_48, %dma_start3A] : memref<10000x128xf32, #tpu.memory_space<vmem_shared>> -> memref<128x128xf32, #tpu.memory_space<vmem_shared>>
      %dma_start3A_66 = arith.constant 0 : i32
      %dma_start3A_67 = tpu.memref_slice %arg6[%add3A_48, %dma_start3A_66] : memref<10000x128xf32, #tpu.memory_space<vmem_shared>> -> memref<128x128xf32, #tpu.memory_space<vmem_shared>>
      tpu.enqueue_dma source(%dma_start3A_67 : memref<128x128xf32, #tpu.memory_space<vmem_shared>>) target(%arg5 : memref<128x128xf32, #tpu.memory_space<vmem>>) target_semaphore(%run_scoped3A : memref<!tpu.dma_semaphore, #tpu.memory_space<semaphore_mem>>)
      %dma_wait3A = arith.constant 0 : i32
      %dma_wait3A_68 = tpu.memref_slice %arg6[%add3A_48, %dma_wait3A] : memref<10000x128xf32, #tpu.memory_space<vmem_shared>> -> memref<128x128xf32, #tpu.memory_space<vmem_shared>>
      %dma_wait3A_69 = arith.constant 0 : i32
      %dma_wait3A_70 = tpu.memref_slice %arg6[%add3A_48, %dma_wait3A_69] : memref<10000x128xf32, #tpu.memory_space<vmem_shared>> -> memref<128x128xf32, #tpu.memory_space<vmem_shared>>
      tpu.wait_dma2 semaphore(%run_scoped3A : memref<!tpu.dma_semaphore, #tpu.memory_space<semaphore_mem>>) src(%dma_wait3A_70 : memref<128x128xf32, #tpu.memory_space<vmem_shared>>) dst(%arg5 : memref<128x128xf32, #tpu.memory_space<vmem>>)
      tpu.yield
    }) : () -> ()
    %add3A_49 = arith.addi %mul3A_40, %add3A_48 : i32
    "tpu.region"() ({
      %run_scoped3A = tpu.sem_alloc : memref<!tpu.dma_semaphore, #tpu.memory_space<semaphore_mem>>
      %dma_start3A = arith.constant 0 : i32
      %dma_start3A_65 = tpu.memref_slice %arg3[%add3A_49, %dma_start3A] : memref<20000x128xf32, #tpu.memory_space<hbm>> -> memref<128x128xf32, #tpu.memory_space<hbm>>
      %dma_start3A_66 = arith.constant 0 : i32
      %dma_start3A_67 = tpu.memref_slice %arg3[%add3A_49, %dma_start3A_66] : memref<20000x128xf32, #tpu.memory_space<hbm>> -> memref<128x128xf32, #tpu.memory_space<hbm>>
      tpu.enqueue_dma source(%arg5 : memref<128x128xf32, #tpu.memory_space<vmem>>) target(%dma_start3A_67 : memref<128x128xf32, #tpu.memory_space<hbm>>) target_semaphore(%run_scoped3A : memref<!tpu.dma_semaphore, #tpu.memory_space<semaphore_mem>>)
      %dma_wait3A = arith.constant 0 : i32
      %dma_wait3A_68 = tpu.memref_slice %arg3[%add3A_49, %dma_wait3A] : memref<20000x128xf32, #tpu.memory_space<hbm>> -> memref<128x128xf32, #tpu.memory_space<hbm>>
      %dma_wait3A_69 = arith.constant 0 : i32
      %dma_wait3A_70 = tpu.memref_slice %arg3[%add3A_49, %dma_wait3A_69] : memref<20000x128xf32, #tpu.memory_space<hbm>> -> memref<128x128xf32, #tpu.memory_space<hbm>>
      tpu.wait_dma2 semaphore(%run_scoped3A : memref<!tpu.dma_semaphore, #tpu.memory_space<semaphore_mem>>) src(%arg5 : memref<128x128xf32, #tpu.memory_space<vmem>>) dst(%dma_wait3A_70 : memref<128x128xf32, #tpu.memory_space<hbm>>)
      tpu.yield
    }) : () -> ()
    %add3A_50 = arith.constant 384 : i32
    %add3A_51 = arith.addi %mul3A_38, %add3A_50 : i32
    "tpu.region"() ({
      %run_scoped3A = tpu.sem_alloc : memref<!tpu.dma_semaphore, #tpu.memory_space<semaphore_mem>>
      %dma_start3A = arith.constant 0 : i32
      %dma_start3A_65 = tpu.memref_slice %arg6[%add3A_51, %dma_start3A] : memref<10000x128xf32, #tpu.memory_space<vmem_shared>> -> memref<128x128xf32, #tpu.memory_space<vmem_shared>>
      %dma_start3A_66 = arith.constant 0 : i32
      %dma_start3A_67 = tpu.memref_slice %arg6[%add3A_51, %dma_start3A_66] : memref<10000x128xf32, #tpu.memory_space<vmem_shared>> -> memref<128x128xf32, #tpu.memory_space<vmem_shared>>
      tpu.enqueue_dma source(%dma_start3A_67 : memref<128x128xf32, #tpu.memory_space<vmem_shared>>) target(%arg5 : memref<128x128xf32, #tpu.memory_space<vmem>>) target_semaphore(%run_scoped3A : memref<!tpu.dma_semaphore, #tpu.memory_space<semaphore_mem>>)
      %dma_wait3A = arith.constant 0 : i32
      %dma_wait3A_68 = tpu.memref_slice %arg6[%add3A_51, %dma_wait3A] : memref<10000x128xf32, #tpu.memory_space<vmem_shared>> -> memref<128x128xf32, #tpu.memory_space<vmem_shared>>
      %dma_wait3A_69 = arith.constant 0 : i32
      %dma_wait3A_70 = tpu.memref_slice %arg6[%add3A_51, %dma_wait3A_69] : memref<10000x128xf32, #tpu.memory_space<vmem_shared>> -> memref<128x128xf32, #tpu.memory_space<vmem_shared>>
      tpu.wait_dma2 semaphore(%run_scoped3A : memref<!tpu.dma_semaphore, #tpu.memory_space<semaphore_mem>>) src(%dma_wait3A_70 : memref<128x128xf32, #tpu.memory_space<vmem_shared>>) dst(%arg5 : memref<128x128xf32, #tpu.memory_space<vmem>>)
      tpu.yield
    }) : () -> ()
    %add3A_52 = arith.addi %mul3A_40, %add3A_51 : i32
    "tpu.region"() ({
      %run_scoped3A = tpu.sem_alloc : memref<!tpu.dma_semaphore, #tpu.memory_space<semaphore_mem>>
      %dma_start3A = arith.constant 0 : i32
      %dma_start3A_65 = tpu.memref_slice %arg3[%add3A_52, %dma_start3A] : memref<20000x128xf32, #tpu.memory_space<hbm>> -> memref<128x128xf32, #tpu.memory_space<hbm>>
      %dma_start3A_66 = arith.constant 0 : i32
      %dma_start3A_67 = tpu.memref_slice %arg3[%add3A_52, %dma_start3A_66] : memref<20000x128xf32, #tpu.memory_space<hbm>> -> memref<128x128xf32, #tpu.memory_space<hbm>>
      tpu.enqueue_dma source(%arg5 : memref<128x128xf32, #tpu.memory_space<vmem>>) target(%dma_start3A_67 : memref<128x128xf32, #tpu.memory_space<hbm>>) target_semaphore(%run_scoped3A : memref<!tpu.dma_semaphore, #tpu.memory_space<semaphore_mem>>)
      %dma_wait3A = arith.constant 0 : i32
      %dma_wait3A_68 = tpu.memref_slice %arg3[%add3A_52, %dma_wait3A] : memref<20000x128xf32, #tpu.memory_space<hbm>> -> memref<128x128xf32, #tpu.memory_space<hbm>>
      %dma_wait3A_69 = arith.constant 0 : i32
      %dma_wait3A_70 = tpu.memref_slice %arg3[%add3A_52, %dma_wait3A_69] : memref<20000x128xf32, #tpu.memory_space<hbm>> -> memref<128x128xf32, #tpu.memory_space<hbm>>
      tpu.wait_dma2 semaphore(%run_scoped3A : memref<!tpu.dma_semaphore, #tpu.memory_space<semaphore_mem>>) src(%arg5 : memref<128x128xf32, #tpu.memory_space<vmem>>) dst(%dma_wait3A_70 : memref<128x128xf32, #tpu.memory_space<hbm>>)
      tpu.yield
    }) : () -> ()
    %add3A_53 = arith.constant 512 : i32
    %add3A_54 = arith.addi %mul3A_38, %add3A_53 : i32
    %lt3A_55 = arith.constant 15 : i32
    %lt3A_56 = arith.cmpi slt, %arg1, %lt3A_55 : i32
    %convert_element_type3A_57 = arith.extui %lt3A_56 : i1 to i32
    %cond3A_58 = arith.constant 0 : i32
    %cond3A_59 = arith.cmpi ne, %convert_element_type3A_57, %cond3A_58 : i32
    scf.if %cond3A_59 {
      "tpu.region"() ({
        %run_scoped3A = tpu.sem_alloc : memref<!tpu.dma_semaphore, #tpu.memory_space<semaphore_mem>>
        %dma_start3A = arith.constant 0 : i32
        %dma_start3A_66 = arith.constant 0 : i32
        %dma_start3A_67 = tpu.memref_slice %arg5[%dma_start3A, %dma_start3A_66] : memref<128x128xf32, #tpu.memory_space<vmem>> -> memref<120x128xf32, #tpu.memory_space<vmem>>
        %dma_start3A_68 = arith.constant 0 : i32
        %dma_start3A_69 = tpu.memref_slice %arg6[%add3A_54, %dma_start3A_68] : memref<10000x128xf32, #tpu.memory_space<vmem_shared>> -> memref<120x128xf32, #tpu.memory_space<vmem_shared>>
        %dma_start3A_70 = arith.constant 0 : i32
        %dma_start3A_71 = arith.constant 0 : i32
        %dma_start3A_72 = tpu.memref_slice %arg5[%dma_start3A_70, %dma_start3A_71] : memref<128x128xf32, #tpu.memory_space<vmem>> -> memref<120x128xf32, #tpu.memory_space<vmem>>
        %dma_start3A_73 = arith.constant 0 : i32
        %dma_start3A_74 = tpu.memref_slice %arg6[%add3A_54, %dma_start3A_73] : memref<10000x128xf32, #tpu.memory_space<vmem_shared>> -> memref<120x128xf32, #tpu.memory_space<vmem_shared>>
        tpu.enqueue_dma source(%dma_start3A_74 : memref<120x128xf32, #tpu.memory_space<vmem_shared>>) target(%dma_start3A_72 : memref<120x128xf32, #tpu.memory_space<vmem>>) target_semaphore(%run_scoped3A : memref<!tpu.dma_semaphore, #tpu.memory_space<semaphore_mem>>)
        %dma_wait3A = arith.constant 0 : i32
        %dma_wait3A_75 = arith.constant 0 : i32
        %dma_wait3A_76 = tpu.memref_slice %arg5[%dma_wait3A, %dma_wait3A_75] : memref<128x128xf32, #tpu.memory_space<vmem>> -> memref<120x128xf32, #tpu.memory_space<vmem>>
        %dma_wait3A_77 = arith.constant 0 : i32
        %dma_wait3A_78 = tpu.memref_slice %arg6[%add3A_54, %dma_wait3A_77] : memref<10000x128xf32, #tpu.memory_space<vmem_shared>> -> memref<120x128xf32, #tpu.memory_space<vmem_shared>>
        %dma_wait3A_79 = arith.constant 0 : i32
        %dma_wait3A_80 = arith.constant 0 : i32
        %dma_wait3A_81 = tpu.memref_slice %arg5[%dma_wait3A_79, %dma_wait3A_80] : memref<128x128xf32, #tpu.memory_space<vmem>> -> memref<120x128xf32, #tpu.memory_space<vmem>>
        %dma_wait3A_82 = arith.constant 0 : i32
        %dma_wait3A_83 = tpu.memref_slice %arg6[%add3A_54, %dma_wait3A_82] : memref<10000x128xf32, #tpu.memory_space<vmem_shared>> -> memref<120x128xf32, #tpu.memory_space<vmem_shared>>
        tpu.wait_dma2 semaphore(%run_scoped3A : memref<!tpu.dma_semaphore, #tpu.memory_space<semaphore_mem>>) src(%dma_wait3A_83 : memref<120x128xf32, #tpu.memory_space<vmem_shared>>) dst(%dma_wait3A_81 : memref<120x128xf32, #tpu.memory_space<vmem>>)
        tpu.yield
      }) : () -> ()
      %add3A_65 = arith.addi %mul3A_40, %add3A_54 : i32
      "tpu.region"() ({
        %run_scoped3A = tpu.sem_alloc : memref<!tpu.dma_semaphore, #tpu.memory_space<semaphore_mem>>
        %dma_start3A = arith.constant 0 : i32
        %dma_start3A_66 = arith.constant 0 : i32
        %dma_start3A_67 = tpu.memref_slice %arg5[%dma_start3A, %dma_start3A_66] : memref<128x128xf32, #tpu.memory_space<vmem>> -> memref<120x128xf32, #tpu.memory_space<vmem>>
        %dma_start3A_68 = arith.constant 0 : i32
        %dma_start3A_69 = tpu.memref_slice %arg3[%add3A_65, %dma_start3A_68] : memref<20000x128xf32, #tpu.memory_space<hbm>> -> memref<120x128xf32, #tpu.memory_space<hbm>>
        %dma_start3A_70 = arith.constant 0 : i32
        %dma_start3A_71 = tpu.memref_slice %arg3[%add3A_65, %dma_start3A_70] : memref<20000x128xf32, #tpu.memory_space<hbm>> -> memref<120x128xf32, #tpu.memory_space<hbm>>
        %dma_start3A_72 = arith.constant 0 : i32
        %dma_start3A_73 = arith.constant 0 : i32
        %dma_start3A_74 = tpu.memref_slice %arg5[%dma_start3A_72, %dma_start3A_73] : memref<128x128xf32, #tpu.memory_space<vmem>> -> memref<120x128xf32, #tpu.memory_space<vmem>>
        tpu.enqueue_dma source(%dma_start3A_74 : memref<120x128xf32, #tpu.memory_space<vmem>>) target(%dma_start3A_71 : memref<120x128xf32, #tpu.memory_space<hbm>>) target_semaphore(%run_scoped3A : memref<!tpu.dma_semaphore, #tpu.memory_space<semaphore_mem>>)
        %dma_wait3A = arith.constant 0 : i32
        %dma_wait3A_75 = arith.constant 0 : i32
        %dma_wait3A_76 = tpu.memref_slice %arg5[%dma_wait3A, %dma_wait3A_75] : memref<128x128xf32, #tpu.memory_space<vmem>> -> memref<120x128xf32, #tpu.memory_space<vmem>>
        %dma_wait3A_77 = arith.constant 0 : i32
        %dma_wait3A_78 = tpu.memref_slice %arg3[%add3A_65, %dma_wait3A_77] : memref<20000x128xf32, #tpu.memory_space<hbm>> -> memref<120x128xf32, #tpu.memory_space<hbm>>
        %dma_wait3A_79 = arith.constant 0 : i32
        %dma_wait3A_80 = tpu.memref_slice %arg3[%add3A_65, %dma_wait3A_79] : memref<20000x128xf32, #tpu.memory_space<hbm>> -> memref<120x128xf32, #tpu.memory_space<hbm>>
        %dma_wait3A_81 = arith.constant 0 : i32
        %dma_wait3A_82 = arith.constant 0 : i32
        %dma_wait3A_83 = tpu.memref_slice %arg5[%dma_wait3A_81, %dma_wait3A_82] : memref<128x128xf32, #tpu.memory_space<vmem>> -> memref<120x128xf32, #tpu.memory_space<vmem>>
        tpu.wait_dma2 semaphore(%run_scoped3A : memref<!tpu.dma_semaphore, #tpu.memory_space<semaphore_mem>>) src(%dma_wait3A_83 : memref<120x128xf32, #tpu.memory_space<vmem>>) dst(%dma_wait3A_80 : memref<120x128xf32, #tpu.memory_space<hbm>>)
        tpu.yield
      }) : () -> ()
    } else {
    }
    %eq3A_60 = arith.constant 15 : i32
    %eq3A_61 = arith.cmpi eq, %arg1, %eq3A_60 : i32
    %convert_element_type3A_62 = arith.extui %eq3A_61 : i1 to i32
    %cond3A_63 = arith.constant 0 : i32
    %cond3A_64 = arith.cmpi ne, %convert_element_type3A_62, %cond3A_63 : i32
    scf.if %cond3A_64 {
      "tpu.region"() ({
        %run_scoped3A = tpu.sem_alloc : memref<!tpu.dma_semaphore, #tpu.memory_space<semaphore_mem>>
        %dma_start3A = arith.constant 0 : i32
        %dma_start3A_66 = arith.constant 0 : i32
        %dma_start3A_67 = tpu.memref_slice %arg5[%dma_start3A, %dma_start3A_66] : memref<128x128xf32, #tpu.memory_space<vmem>> -> memref<8x128xf32, #tpu.memory_space<vmem>>
        %dma_start3A_68 = arith.constant 0 : i32
        %dma_start3A_69 = tpu.memref_slice %arg6[%add3A_54, %dma_start3A_68] : memref<10000x128xf32, #tpu.memory_space<vmem_shared>> -> memref<8x128xf32, #tpu.memory_space<vmem_shared>>
        %dma_start3A_70 = arith.constant 0 : i32
        %dma_start3A_71 = arith.constant 0 : i32
        %dma_start3A_72 = tpu.memref_slice %arg5[%dma_start3A_70, %dma_start3A_71] : memref<128x128xf32, #tpu.memory_space<vmem>> -> memref<8x128xf32, #tpu.memory_space<vmem>>
        %dma_start3A_73 = arith.constant 0 : i32
        %dma_start3A_74 = tpu.memref_slice %arg6[%add3A_54, %dma_start3A_73] : memref<10000x128xf32, #tpu.memory_space<vmem_shared>> -> memref<8x128xf32, #tpu.memory_space<vmem_shared>>
        tpu.enqueue_dma source(%dma_start3A_74 : memref<8x128xf32, #tpu.memory_space<vmem_shared>>) target(%dma_start3A_72 : memref<8x128xf32, #tpu.memory_space<vmem>>) target_semaphore(%run_scoped3A : memref<!tpu.dma_semaphore, #tpu.memory_space<semaphore_mem>>)
        %dma_wait3A = arith.constant 0 : i32
        %dma_wait3A_75 = arith.constant 0 : i32
        %dma_wait3A_76 = tpu.memref_slice %arg5[%dma_wait3A, %dma_wait3A_75] : memref<128x128xf32, #tpu.memory_space<vmem>> -> memref<8x128xf32, #tpu.memory_space<vmem>>
        %dma_wait3A_77 = arith.constant 0 : i32
        %dma_wait3A_78 = tpu.memref_slice %arg6[%add3A_54, %dma_wait3A_77] : memref<10000x128xf32, #tpu.memory_space<vmem_shared>> -> memref<8x128xf32, #tpu.memory_space<vmem_shared>>
        %dma_wait3A_79 = arith.constant 0 : i32
        %dma_wait3A_80 = arith.constant 0 : i32
        %dma_wait3A_81 = tpu.memref_slice %arg5[%dma_wait3A_79, %dma_wait3A_80] : memref<128x128xf32, #tpu.memory_space<vmem>> -> memref<8x128xf32, #tpu.memory_space<vmem>>
        %dma_wait3A_82 = arith.constant 0 : i32
        %dma_wait3A_83 = tpu.memref_slice %arg6[%add3A_54, %dma_wait3A_82] : memref<10000x128xf32, #tpu.memory_space<vmem_shared>> -> memref<8x128xf32, #tpu.memory_space<vmem_shared>>
        tpu.wait_dma2 semaphore(%run_scoped3A : memref<!tpu.dma_semaphore, #tpu.memory_space<semaphore_mem>>) src(%dma_wait3A_83 : memref<8x128xf32, #tpu.memory_space<vmem_shared>>) dst(%dma_wait3A_81 : memref<8x128xf32, #tpu.memory_space<vmem>>)
        tpu.yield
      }) : () -> ()
      %add3A_65 = arith.addi %mul3A_40, %add3A_54 : i32
      "tpu.region"() ({
        %run_scoped3A = tpu.sem_alloc : memref<!tpu.dma_semaphore, #tpu.memory_space<semaphore_mem>>
        %dma_start3A = arith.constant 0 : i32
        %dma_start3A_66 = arith.constant 0 : i32
        %dma_start3A_67 = tpu.memref_slice %arg5[%dma_start3A, %dma_start3A_66] : memref<128x128xf32, #tpu.memory_space<vmem>> -> memref<8x128xf32, #tpu.memory_space<vmem>>
        %dma_start3A_68 = arith.constant 0 : i32
        %dma_start3A_69 = tpu.memref_slice %arg3[%add3A_65, %dma_start3A_68] : memref<20000x128xf32, #tpu.memory_space<hbm>> -> memref<8x128xf32, #tpu.memory_space<hbm>>
        %dma_start3A_70 = arith.constant 0 : i32
        %dma_start3A_71 = tpu.memref_slice %arg3[%add3A_65, %dma_start3A_70] : memref<20000x128xf32, #tpu.memory_space<hbm>> -> memref<8x128xf32, #tpu.memory_space<hbm>>
        %dma_start3A_72 = arith.constant 0 : i32
        %dma_start3A_73 = arith.constant 0 : i32
        %dma_start3A_74 = tpu.memref_slice %arg5[%dma_start3A_72, %dma_start3A_73] : memref<128x128xf32, #tpu.memory_space<vmem>> -> memref<8x128xf32, #tpu.memory_space<vmem>>
        tpu.enqueue_dma source(%dma_start3A_74 : memref<8x128xf32, #tpu.memory_space<vmem>>) target(%dma_start3A_71 : memref<8x128xf32, #tpu.memory_space<hbm>>) target_semaphore(%run_scoped3A : memref<!tpu.dma_semaphore, #tpu.memory_space<semaphore_mem>>)
        %dma_wait3A = arith.constant 0 : i32
        %dma_wait3A_75 = arith.constant 0 : i32
        %dma_wait3A_76 = tpu.memref_slice %arg5[%dma_wait3A, %dma_wait3A_75] : memref<128x128xf32, #tpu.memory_space<vmem>> -> memref<8x128xf32, #tpu.memory_space<vmem>>
        %dma_wait3A_77 = arith.constant 0 : i32
        %dma_wait3A_78 = tpu.memref_slice %arg3[%add3A_65, %dma_wait3A_77] : memref<20000x128xf32, #tpu.memory_space<hbm>> -> memref<8x128xf32, #tpu.memory_space<hbm>>
        %dma_wait3A_79 = arith.constant 0 : i32
        %dma_wait3A_80 = tpu.memref_slice %arg3[%add3A_65, %dma_wait3A_79] : memref<20000x128xf32, #tpu.memory_space<hbm>> -> memref<8x128xf32, #tpu.memory_space<hbm>>
        %dma_wait3A_81 = arith.constant 0 : i32
        %dma_wait3A_82 = arith.constant 0 : i32
        %dma_wait3A_83 = tpu.memref_slice %arg5[%dma_wait3A_81, %dma_wait3A_82] : memref<128x128xf32, #tpu.memory_space<vmem>> -> memref<8x128xf32, #tpu.memory_space<vmem>>
        tpu.wait_dma2 semaphore(%run_scoped3A : memref<!tpu.dma_semaphore, #tpu.memory_space<semaphore_mem>>) src(%dma_wait3A_83 : memref<8x128xf32, #tpu.memory_space<vmem>>) dst(%dma_wait3A_80 : memref<8x128xf32, #tpu.memory_space<hbm>>)
        tpu.yield
      }) : () -> ()
    } else {
    }
    return
  }
}

#map = affine_map<(d0, d1) -> (0, 0)>
#map1 = affine_map<(d0, d1) -> (0, 0, 0)>
module attributes {stable_mosaic.version = 14 : i64} {
  func.func @_sc_agg_body(%arg0: i32, %arg1: i32, %arg2: memref<20000x128xf32, #tpu.memory_space<hbm>>, %arg3: memref<320x8x128xi32, #tpu.memory_space<hbm>>, %arg4: memref<320x8x128xi32, #tpu.memory_space<hbm>>, %arg5: memref<20000x128xf32, #tpu.memory_space<hbm>>, %arg6: memref<8x128xi32, #tpu.memory_space<vmem>>, %arg7: memref<8x128xi32, #tpu.memory_space<vmem>>, %arg8: memref<128x128xf32, #tpu.memory_space<vmem>>, %arg9: memref<128x128xf32, #tpu.memory_space<vmem>>, %arg10: memref<10000x128xf32, #tpu.memory_space<vmem_shared>>, %arg11: memref<!tpu.dma_semaphore, #tpu.memory_space<semaphore_mem>>, %arg12: memref<!tpu.dma_semaphore, #tpu.memory_space<semaphore_mem>>) attributes {dimension_semantics = [#tpu.dimension_semantics<core_parallel>, #tpu.dimension_semantics<subcore_parallel>], iteration_bounds = array<i64: 2, 16>, scalar_prefetch = 0 : i64, scratch_operands = 7 : i64, tpu.core_type = #tpu.core_type<sc_vector_subcore>, window_params = [{transform_indices = #map}, {transform_indices = #map1}, {transform_indices = #map1}, {transform_indices = #map}]} {
    %mul3A = arith.constant 16 : i32
    %mul3A_0 = arith.muli %arg0, %mul3A : i32
    %add3A = arith.addi %mul3A_0, %arg1 : i32
    %scan3A = arith.constant 0 : i32
    %scan3A_1 = arith.constant 0 : i32
    %scan3A_2 = arith.constant 128 : i32
    %scan3A_3 = arith.addi %scan3A_1, %scan3A_2 : i32
    %scan3A_4 = arith.constant 1 : i32
    scf.for %scan3A_59 = %scan3A_1 to %scan3A_3 step %scan3A_4  : i32 {
      %broadcast_in_dim3A = arith.constant 0.000000e+00 : f32
      %broadcast_in_dim3A_60 = vector.broadcast %broadcast_in_dim3A : f32 to vector<16xf32>
      %swap3A = arith.index_cast %scan3A_59 : i32 to index
      %swap3A_61 = arith.constant 0 : index
      %swap3A_62 = tpu.vector_load %arg8[%swap3A, %swap3A_61] {strides = array<i32>} : memref<128x128xf32, #tpu.memory_space<vmem>>, vector<1x16xf32>,
      %swap3A_63 = vector.shape_cast %swap3A_62 : vector<1x16xf32> to vector<16xf32>
      %swap3A_64 = vector.shape_cast %broadcast_in_dim3A_60 : vector<16xf32> to vector<1x16xf32>
      tpu.vector_store %arg8[%swap3A, %swap3A_61], %swap3A_64 {strides = array<i32>} : memref<128x128xf32, #tpu.memory_space<vmem>>, vector<1x16xf32>,
      %broadcast_in_dim3A_65 = arith.constant 0.000000e+00 : f32
      %broadcast_in_dim3A_66 = vector.broadcast %broadcast_in_dim3A_65 : f32 to vector<16xf32>
      %swap3A_67 = arith.index_cast %scan3A_59 : i32 to index
      %swap3A_68 = arith.constant 16 : index
      %swap3A_69 = tpu.vector_load %arg8[%swap3A_67, %swap3A_68] {strides = array<i32>} : memref<128x128xf32, #tpu.memory_space<vmem>>, vector<1x16xf32>,
      %swap3A_70 = vector.shape_cast %swap3A_69 : vector<1x16xf32> to vector<16xf32>
      %swap3A_71 = vector.shape_cast %broadcast_in_dim3A_66 : vector<16xf32> to vector<1x16xf32>
      tpu.vector_store %arg8[%swap3A_67, %swap3A_68], %swap3A_71 {strides = array<i32>} : memref<128x128xf32, #tpu.memory_space<vmem>>, vector<1x16xf32>,
      %broadcast_in_dim3A_72 = arith.constant 0.000000e+00 : f32
      %broadcast_in_dim3A_73 = vector.broadcast %broadcast_in_dim3A_72 : f32 to vector<16xf32>
      %swap3A_74 = arith.index_cast %scan3A_59 : i32 to index
      %swap3A_75 = arith.constant 32 : index
      %swap3A_76 = tpu.vector_load %arg8[%swap3A_74, %swap3A_75] {strides = array<i32>} : memref<128x128xf32, #tpu.memory_space<vmem>>, vector<1x16xf32>,
      %swap3A_77 = vector.shape_cast %swap3A_76 : vector<1x16xf32> to vector<16xf32>
      %swap3A_78 = vector.shape_cast %broadcast_in_dim3A_73 : vector<16xf32> to vector<1x16xf32>
      tpu.vector_store %arg8[%swap3A_74, %swap3A_75], %swap3A_78 {strides = array<i32>} : memref<128x128xf32, #tpu.memory_space<vmem>>, vector<1x16xf32>,
      %broadcast_in_dim3A_79 = arith.constant 0.000000e+00 : f32
      %broadcast_in_dim3A_80 = vector.broadcast %broadcast_in_dim3A_79 : f32 to vector<16xf32>
      %swap3A_81 = arith.index_cast %scan3A_59 : i32 to index
      %swap3A_82 = arith.constant 48 : index
      %swap3A_83 = tpu.vector_load %arg8[%swap3A_81, %swap3A_82] {strides = array<i32>} : memref<128x128xf32, #tpu.memory_space<vmem>>, vector<1x16xf32>,
      %swap3A_84 = vector.shape_cast %swap3A_83 : vector<1x16xf32> to vector<16xf32>
      %swap3A_85 = vector.shape_cast %broadcast_in_dim3A_80 : vector<16xf32> to vector<1x16xf32>
      tpu.vector_store %arg8[%swap3A_81, %swap3A_82], %swap3A_85 {strides = array<i32>} : memref<128x128xf32, #tpu.memory_space<vmem>>, vector<1x16xf32>,
      %broadcast_in_dim3A_86 = arith.constant 0.000000e+00 : f32
      %broadcast_in_dim3A_87 = vector.broadcast %broadcast_in_dim3A_86 : f32 to vector<16xf32>
      %swap3A_88 = arith.index_cast %scan3A_59 : i32 to index
      %swap3A_89 = arith.constant 64 : index
      %swap3A_90 = tpu.vector_load %arg8[%swap3A_88, %swap3A_89] {strides = array<i32>} : memref<128x128xf32, #tpu.memory_space<vmem>>, vector<1x16xf32>,
      %swap3A_91 = vector.shape_cast %swap3A_90 : vector<1x16xf32> to vector<16xf32>
      %swap3A_92 = vector.shape_cast %broadcast_in_dim3A_87 : vector<16xf32> to vector<1x16xf32>
      tpu.vector_store %arg8[%swap3A_88, %swap3A_89], %swap3A_92 {strides = array<i32>} : memref<128x128xf32, #tpu.memory_space<vmem>>, vector<1x16xf32>,
      %broadcast_in_dim3A_93 = arith.constant 0.000000e+00 : f32
      %broadcast_in_dim3A_94 = vector.broadcast %broadcast_in_dim3A_93 : f32 to vector<16xf32>
      %swap3A_95 = arith.index_cast %scan3A_59 : i32 to index
      %swap3A_96 = arith.constant 80 : index
      %swap3A_97 = tpu.vector_load %arg8[%swap3A_95, %swap3A_96] {strides = array<i32>} : memref<128x128xf32, #tpu.memory_space<vmem>>, vector<1x16xf32>,
      %swap3A_98 = vector.shape_cast %swap3A_97 : vector<1x16xf32> to vector<16xf32>
      %swap3A_99 = vector.shape_cast %broadcast_in_dim3A_94 : vector<16xf32> to vector<1x16xf32>
      tpu.vector_store %arg8[%swap3A_95, %swap3A_96], %swap3A_99 {strides = array<i32>} : memref<128x128xf32, #tpu.memory_space<vmem>>, vector<1x16xf32>,
      %broadcast_in_dim3A_100 = arith.constant 0.000000e+00 : f32
      %broadcast_in_dim3A_101 = vector.broadcast %broadcast_in_dim3A_100 : f32 to vector<16xf32>
      %swap3A_102 = arith.index_cast %scan3A_59 : i32 to index
      %swap3A_103 = arith.constant 96 : index
      %swap3A_104 = tpu.vector_load %arg8[%swap3A_102, %swap3A_103] {strides = array<i32>} : memref<128x128xf32, #tpu.memory_space<vmem>>, vector<1x16xf32>,
      %swap3A_105 = vector.shape_cast %swap3A_104 : vector<1x16xf32> to vector<16xf32>
      %swap3A_106 = vector.shape_cast %broadcast_in_dim3A_101 : vector<16xf32> to vector<1x16xf32>
      tpu.vector_store %arg8[%swap3A_102, %swap3A_103], %swap3A_106 {strides = array<i32>} : memref<128x128xf32, #tpu.memory_space<vmem>>, vector<1x16xf32>,
      %broadcast_in_dim3A_107 = arith.constant 0.000000e+00 : f32
      %broadcast_in_dim3A_108 = vector.broadcast %broadcast_in_dim3A_107 : f32 to vector<16xf32>
      %swap3A_109 = arith.index_cast %scan3A_59 : i32 to index
      %swap3A_110 = arith.constant 112 : index
      %swap3A_111 = tpu.vector_load %arg8[%swap3A_109, %swap3A_110] {strides = array<i32>} : memref<128x128xf32, #tpu.memory_space<vmem>>, vector<1x16xf32>,
      %swap3A_112 = vector.shape_cast %swap3A_111 : vector<1x16xf32> to vector<16xf32>
      %swap3A_113 = vector.shape_cast %broadcast_in_dim3A_108 : vector<16xf32> to vector<1x16xf32>
      tpu.vector_store %arg8[%swap3A_109, %swap3A_110], %swap3A_113 {strides = array<i32>} : memref<128x128xf32, #tpu.memory_space<vmem>>, vector<1x16xf32>,
    }
    %scan3A_5 = arith.constant 128 : i32
    %mul3A_6 = arith.constant 632 : i32
    %mul3A_7 = arith.muli %arg1, %mul3A_6 : i32
    %add3A_8 = arith.constant 0 : i32
    %add3A_9 = arith.addi %mul3A_7, %add3A_8 : i32
    "tpu.region"() ({
      %run_scoped3A = tpu.sem_alloc : memref<!tpu.dma_semaphore, #tpu.memory_space<semaphore_mem>>
      %dma_start3A = arith.constant 0 : i32
      %dma_start3A_59 = tpu.memref_slice %arg10[%add3A_9, %dma_start3A] : memref<10000x128xf32, #tpu.memory_space<vmem_shared>> -> memref<128x128xf32, #tpu.memory_space<vmem_shared>>
      %dma_start3A_60 = arith.constant 0 : i32
      %dma_start3A_61 = tpu.memref_slice %arg10[%add3A_9, %dma_start3A_60] : memref<10000x128xf32, #tpu.memory_space<vmem_shared>> -> memref<128x128xf32, #tpu.memory_space<vmem_shared>>
      tpu.enqueue_dma source(%arg8 : memref<128x128xf32, #tpu.memory_space<vmem>>) target(%dma_start3A_61 : memref<128x128xf32, #tpu.memory_space<vmem_shared>>) target_semaphore(%run_scoped3A : memref<!tpu.dma_semaphore, #tpu.memory_space<semaphore_mem>>)
      %dma_wait3A = arith.constant 0 : i32
      %dma_wait3A_62 = tpu.memref_slice %arg10[%add3A_9, %dma_wait3A] : memref<10000x128xf32, #tpu.memory_space<vmem_shared>> -> memref<128x128xf32, #tpu.memory_space<vmem_shared>>
      %dma_wait3A_63 = arith.constant 0 : i32
      %dma_wait3A_64 = tpu.memref_slice %arg10[%add3A_9, %dma_wait3A_63] : memref<10000x128xf32, #tpu.memory_space<vmem_shared>> -> memref<128x128xf32, #tpu.memory_space<vmem_shared>>
      tpu.wait_dma2 semaphore(%run_scoped3A : memref<!tpu.dma_semaphore, #tpu.memory_space<semaphore_mem>>) src(%arg8 : memref<128x128xf32, #tpu.memory_space<vmem>>) dst(%dma_wait3A_64 : memref<128x128xf32, #tpu.memory_space<vmem_shared>>)
      tpu.yield
    }) : () -> ()
    %add3A_10 = arith.constant 128 : i32
    %add3A_11 = arith.addi %mul3A_7, %add3A_10 : i32
    "tpu.region"() ({
      %run_scoped3A = tpu.sem_alloc : memref<!tpu.dma_semaphore, #tpu.memory_space<semaphore_mem>>
      %dma_start3A = arith.constant 0 : i32
      %dma_start3A_59 = tpu.memref_slice %arg10[%add3A_11, %dma_start3A] : memref<10000x128xf32, #tpu.memory_space<vmem_shared>> -> memref<128x128xf32, #tpu.memory_space<vmem_shared>>
      %dma_start3A_60 = arith.constant 0 : i32
      %dma_start3A_61 = tpu.memref_slice %arg10[%add3A_11, %dma_start3A_60] : memref<10000x128xf32, #tpu.memory_space<vmem_shared>> -> memref<128x128xf32, #tpu.memory_space<vmem_shared>>
      tpu.enqueue_dma source(%arg8 : memref<128x128xf32, #tpu.memory_space<vmem>>) target(%dma_start3A_61 : memref<128x128xf32, #tpu.memory_space<vmem_shared>>) target_semaphore(%run_scoped3A : memref<!tpu.dma_semaphore, #tpu.memory_space<semaphore_mem>>)
      %dma_wait3A = arith.constant 0 : i32
      %dma_wait3A_62 = tpu.memref_slice %arg10[%add3A_11, %dma_wait3A] : memref<10000x128xf32, #tpu.memory_space<vmem_shared>> -> memref<128x128xf32, #tpu.memory_space<vmem_shared>>
      %dma_wait3A_63 = arith.constant 0 : i32
      %dma_wait3A_64 = tpu.memref_slice %arg10[%add3A_11, %dma_wait3A_63] : memref<10000x128xf32, #tpu.memory_space<vmem_shared>> -> memref<128x128xf32, #tpu.memory_space<vmem_shared>>
      tpu.wait_dma2 semaphore(%run_scoped3A : memref<!tpu.dma_semaphore, #tpu.memory_space<semaphore_mem>>) src(%arg8 : memref<128x128xf32, #tpu.memory_space<vmem>>) dst(%dma_wait3A_64 : memref<128x128xf32, #tpu.memory_space<vmem_shared>>)
      tpu.yield
    }) : () -> ()
    %add3A_12 = arith.constant 256 : i32
    %add3A_13 = arith.addi %mul3A_7, %add3A_12 : i32
    "tpu.region"() ({
      %run_scoped3A = tpu.sem_alloc : memref<!tpu.dma_semaphore, #tpu.memory_space<semaphore_mem>>
      %dma_start3A = arith.constant 0 : i32
      %dma_start3A_59 = tpu.memref_slice %arg10[%add3A_13, %dma_start3A] : memref<10000x128xf32, #tpu.memory_space<vmem_shared>> -> memref<128x128xf32, #tpu.memory_space<vmem_shared>>
      %dma_start3A_60 = arith.constant 0 : i32
      %dma_start3A_61 = tpu.memref_slice %arg10[%add3A_13, %dma_start3A_60] : memref<10000x128xf32, #tpu.memory_space<vmem_shared>> -> memref<128x128xf32, #tpu.memory_space<vmem_shared>>
      tpu.enqueue_dma source(%arg8 : memref<128x128xf32, #tpu.memory_space<vmem>>) target(%dma_start3A_61 : memref<128x128xf32, #tpu.memory_space<vmem_shared>>) target_semaphore(%run_scoped3A : memref<!tpu.dma_semaphore, #tpu.memory_space<semaphore_mem>>)
      %dma_wait3A = arith.constant 0 : i32
      %dma_wait3A_62 = tpu.memref_slice %arg10[%add3A_13, %dma_wait3A] : memref<10000x128xf32, #tpu.memory_space<vmem_shared>> -> memref<128x128xf32, #tpu.memory_space<vmem_shared>>
      %dma_wait3A_63 = arith.constant 0 : i32
      %dma_wait3A_64 = tpu.memref_slice %arg10[%add3A_13, %dma_wait3A_63] : memref<10000x128xf32, #tpu.memory_space<vmem_shared>> -> memref<128x128xf32, #tpu.memory_space<vmem_shared>>
      tpu.wait_dma2 semaphore(%run_scoped3A : memref<!tpu.dma_semaphore, #tpu.memory_space<semaphore_mem>>) src(%arg8 : memref<128x128xf32, #tpu.memory_space<vmem>>) dst(%dma_wait3A_64 : memref<128x128xf32, #tpu.memory_space<vmem_shared>>)
      tpu.yield
    }) : () -> ()
    %add3A_14 = arith.constant 384 : i32
    %add3A_15 = arith.addi %mul3A_7, %add3A_14 : i32
    "tpu.region"() ({
      %run_scoped3A = tpu.sem_alloc : memref<!tpu.dma_semaphore, #tpu.memory_space<semaphore_mem>>
      %dma_start3A = arith.constant 0 : i32
      %dma_start3A_59 = tpu.memref_slice %arg10[%add3A_15, %dma_start3A] : memref<10000x128xf32, #tpu.memory_space<vmem_shared>> -> memref<128x128xf32, #tpu.memory_space<vmem_shared>>
      %dma_start3A_60 = arith.constant 0 : i32
      %dma_start3A_61 = tpu.memref_slice %arg10[%add3A_15, %dma_start3A_60] : memref<10000x128xf32, #tpu.memory_space<vmem_shared>> -> memref<128x128xf32, #tpu.memory_space<vmem_shared>>
      tpu.enqueue_dma source(%arg8 : memref<128x128xf32, #tpu.memory_space<vmem>>) target(%dma_start3A_61 : memref<128x128xf32, #tpu.memory_space<vmem_shared>>) target_semaphore(%run_scoped3A : memref<!tpu.dma_semaphore, #tpu.memory_space<semaphore_mem>>)
      %dma_wait3A = arith.constant 0 : i32
      %dma_wait3A_62 = tpu.memref_slice %arg10[%add3A_15, %dma_wait3A] : memref<10000x128xf32, #tpu.memory_space<vmem_shared>> -> memref<128x128xf32, #tpu.memory_space<vmem_shared>>
      %dma_wait3A_63 = arith.constant 0 : i32
      %dma_wait3A_64 = tpu.memref_slice %arg10[%add3A_15, %dma_wait3A_63] : memref<10000x128xf32, #tpu.memory_space<vmem_shared>> -> memref<128x128xf32, #tpu.memory_space<vmem_shared>>
      tpu.wait_dma2 semaphore(%run_scoped3A : memref<!tpu.dma_semaphore, #tpu.memory_space<semaphore_mem>>) src(%arg8 : memref<128x128xf32, #tpu.memory_space<vmem>>) dst(%dma_wait3A_64 : memref<128x128xf32, #tpu.memory_space<vmem_shared>>)
      tpu.yield
    }) : () -> ()
    %add3A_16 = arith.constant 512 : i32
    %add3A_17 = arith.addi %mul3A_7, %add3A_16 : i32
    %lt3A = arith.constant 15 : i32
    %lt3A_18 = arith.cmpi slt, %arg1, %lt3A : i32
    %convert_element_type3A = arith.extui %lt3A_18 : i1 to i32
    %cond3A = arith.constant 0 : i32
    %cond3A_19 = arith.cmpi ne, %convert_element_type3A, %cond3A : i32
    scf.if %cond3A_19 {
      "tpu.region"() ({
        %run_scoped3A = tpu.sem_alloc : memref<!tpu.dma_semaphore, #tpu.memory_space<semaphore_mem>>
        %dma_start3A = arith.constant 0 : i32
        %dma_start3A_59 = arith.constant 0 : i32
        %dma_start3A_60 = tpu.memref_slice %arg8[%dma_start3A, %dma_start3A_59] : memref<128x128xf32, #tpu.memory_space<vmem>> -> memref<120x128xf32, #tpu.memory_space<vmem>>
        %dma_start3A_61 = arith.constant 0 : i32
        %dma_start3A_62 = tpu.memref_slice %arg10[%add3A_17, %dma_start3A_61] : memref<10000x128xf32, #tpu.memory_space<vmem_shared>> -> memref<120x128xf32, #tpu.memory_space<vmem_shared>>
        %dma_start3A_63 = arith.constant 0 : i32
        %dma_start3A_64 = tpu.memref_slice %arg10[%add3A_17, %dma_start3A_63] : memref<10000x128xf32, #tpu.memory_space<vmem_shared>> -> memref<120x128xf32, #tpu.memory_space<vmem_shared>>
        %dma_start3A_65 = arith.constant 0 : i32
        %dma_start3A_66 = arith.constant 0 : i32
        %dma_start3A_67 = tpu.memref_slice %arg8[%dma_start3A_65, %dma_start3A_66] : memref<128x128xf32, #tpu.memory_space<vmem>> -> memref<120x128xf32, #tpu.memory_space<vmem>>
        tpu.enqueue_dma source(%dma_start3A_67 : memref<120x128xf32, #tpu.memory_space<vmem>>) target(%dma_start3A_64 : memref<120x128xf32, #tpu.memory_space<vmem_shared>>) target_semaphore(%run_scoped3A : memref<!tpu.dma_semaphore, #tpu.memory_space<semaphore_mem>>)
        %dma_wait3A = arith.constant 0 : i32
        %dma_wait3A_68 = arith.constant 0 : i32
        %dma_wait3A_69 = tpu.memref_slice %arg8[%dma_wait3A, %dma_wait3A_68] : memref<128x128xf32, #tpu.memory_space<vmem>> -> memref<120x128xf32, #tpu.memory_space<vmem>>
        %dma_wait3A_70 = arith.constant 0 : i32
        %dma_wait3A_71 = tpu.memref_slice %arg10[%add3A_17, %dma_wait3A_70] : memref<10000x128xf32, #tpu.memory_space<vmem_shared>> -> memref<120x128xf32, #tpu.memory_space<vmem_shared>>
        %dma_wait3A_72 = arith.constant 0 : i32
        %dma_wait3A_73 = tpu.memref_slice %arg10[%add3A_17, %dma_wait3A_72] : memref<10000x128xf32, #tpu.memory_space<vmem_shared>> -> memref<120x128xf32, #tpu.memory_space<vmem_shared>>
        %dma_wait3A_74 = arith.constant 0 : i32
        %dma_wait3A_75 = arith.constant 0 : i32
        %dma_wait3A_76 = tpu.memref_slice %arg8[%dma_wait3A_74, %dma_wait3A_75] : memref<128x128xf32, #tpu.memory_space<vmem>> -> memref<120x128xf32, #tpu.memory_space<vmem>>
        tpu.wait_dma2 semaphore(%run_scoped3A : memref<!tpu.dma_semaphore, #tpu.memory_space<semaphore_mem>>) src(%dma_wait3A_76 : memref<120x128xf32, #tpu.memory_space<vmem>>) dst(%dma_wait3A_73 : memref<120x128xf32, #tpu.memory_space<vmem_shared>>)
        tpu.yield
      }) : () -> ()
    } else {
    }
    %eq3A = arith.constant 15 : i32
    %eq3A_20 = arith.cmpi eq, %arg1, %eq3A : i32
    %convert_element_type3A_21 = arith.extui %eq3A_20 : i1 to i32
    %cond3A_22 = arith.constant 0 : i32
    %cond3A_23 = arith.cmpi ne, %convert_element_type3A_21, %cond3A_22 : i32
    scf.if %cond3A_23 {
      "tpu.region"() ({
        %run_scoped3A = tpu.sem_alloc : memref<!tpu.dma_semaphore, #tpu.memory_space<semaphore_mem>>
        %dma_start3A = arith.constant 0 : i32
        %dma_start3A_59 = arith.constant 0 : i32
        %dma_start3A_60 = tpu.memref_slice %arg8[%dma_start3A, %dma_start3A_59] : memref<128x128xf32, #tpu.memory_space<vmem>> -> memref<8x128xf32, #tpu.memory_space<vmem>>
        %dma_start3A_61 = arith.constant 0 : i32
        %dma_start3A_62 = tpu.memref_slice %arg10[%add3A_17, %dma_start3A_61] : memref<10000x128xf32, #tpu.memory_space<vmem_shared>> -> memref<8x128xf32, #tpu.memory_space<vmem_shared>>
        %dma_start3A_63 = arith.constant 0 : i32
        %dma_start3A_64 = tpu.memref_slice %arg10[%add3A_17, %dma_start3A_63] : memref<10000x128xf32, #tpu.memory_space<vmem_shared>> -> memref<8x128xf32, #tpu.memory_space<vmem_shared>>
        %dma_start3A_65 = arith.constant 0 : i32
        %dma_start3A_66 = arith.constant 0 : i32
        %dma_start3A_67 = tpu.memref_slice %arg8[%dma_start3A_65, %dma_start3A_66] : memref<128x128xf32, #tpu.memory_space<vmem>> -> memref<8x128xf32, #tpu.memory_space<vmem>>
        tpu.enqueue_dma source(%dma_start3A_67 : memref<8x128xf32, #tpu.memory_space<vmem>>) target(%dma_start3A_64 : memref<8x128xf32, #tpu.memory_space<vmem_shared>>) target_semaphore(%run_scoped3A : memref<!tpu.dma_semaphore, #tpu.memory_space<semaphore_mem>>)
        %dma_wait3A = arith.constant 0 : i32
        %dma_wait3A_68 = arith.constant 0 : i32
        %dma_wait3A_69 = tpu.memref_slice %arg8[%dma_wait3A, %dma_wait3A_68] : memref<128x128xf32, #tpu.memory_space<vmem>> -> memref<8x128xf32, #tpu.memory_space<vmem>>
        %dma_wait3A_70 = arith.constant 0 : i32
        %dma_wait3A_71 = tpu.memref_slice %arg10[%add3A_17, %dma_wait3A_70] : memref<10000x128xf32, #tpu.memory_space<vmem_shared>> -> memref<8x128xf32, #tpu.memory_space<vmem_shared>>
        %dma_wait3A_72 = arith.constant 0 : i32
        %dma_wait3A_73 = tpu.memref_slice %arg10[%add3A_17, %dma_wait3A_72] : memref<10000x128xf32, #tpu.memory_space<vmem_shared>> -> memref<8x128xf32, #tpu.memory_space<vmem_shared>>
        %dma_wait3A_74 = arith.constant 0 : i32
        %dma_wait3A_75 = arith.constant 0 : i32
        %dma_wait3A_76 = tpu.memref_slice %arg8[%dma_wait3A_74, %dma_wait3A_75] : memref<128x128xf32, #tpu.memory_space<vmem>> -> memref<8x128xf32, #tpu.memory_space<vmem>>
        tpu.wait_dma2 semaphore(%run_scoped3A : memref<!tpu.dma_semaphore, #tpu.memory_space<semaphore_mem>>) src(%dma_wait3A_76 : memref<8x128xf32, #tpu.memory_space<vmem>>) dst(%dma_wait3A_73 : memref<8x128xf32, #tpu.memory_space<vmem_shared>>)
        tpu.yield
      }) : () -> ()
    } else {
    }
    %barrier3A = arith.constant 0 : index
    tpu.barrier barrier_id(%barrier3A)
    %scan3A_24 = arith.constant 0 : i32
    %scan3A_25 = arith.constant 0 : i32
    %scan3A_26 = arith.constant 10 : i32
    %scan3A_27 = arith.addi %scan3A_25, %scan3A_26 : i32
    %scan3A_28 = arith.constant 1 : i32
    scf.for %scan3A_59 = %scan3A_25 to %scan3A_27 step %scan3A_28  : i32 {
      %mul3A_60 = arith.constant 10 : i32
      %mul3A_61 = arith.muli %add3A, %mul3A_60 : i32
      %add3A_62 = arith.addi %mul3A_61, %scan3A_59 : i32
      "tpu.region"() ({
        %run_scoped3A_180 = tpu.sem_alloc : memref<!tpu.dma_semaphore, #tpu.memory_space<semaphore_mem>>
        %dma_start3A_181 = arith.constant 0 : i32
        %dma_start3A_182 = arith.constant 0 : i32
        %dma_start3A_183 = tpu.memref_slice %arg3[%add3A_62, %dma_start3A_181, %dma_start3A_182] : memref<320x8x128xi32, #tpu.memory_space<hbm>> -> memref<1x8x128xi32, #tpu.memory_space<hbm>>
        %dma_start3A_184 = tpu.memref_squeeze %dma_start3A_183 : memref<1x8x128xi32, #tpu.memory_space<hbm>> -> memref<8x128xi32, #tpu.memory_space<hbm>>
        %dma_start3A_185 = arith.constant 0 : i32
        %dma_start3A_186 = arith.constant 0 : i32
        %dma_start3A_187 = tpu.memref_slice %arg3[%add3A_62, %dma_start3A_185, %dma_start3A_186] : memref<320x8x128xi32, #tpu.memory_space<hbm>> -> memref<1x8x128xi32, #tpu.memory_space<hbm>>
        %dma_start3A_188 = tpu.memref_squeeze %dma_start3A_187 : memref<1x8x128xi32, #tpu.memory_space<hbm>> -> memref<8x128xi32, #tpu.memory_space<hbm>>
        tpu.enqueue_dma source(%dma_start3A_188 : memref<8x128xi32, #tpu.memory_space<hbm>>) target(%arg6 : memref<8x128xi32, #tpu.memory_space<vmem>>) target_semaphore(%run_scoped3A_180 : memref<!tpu.dma_semaphore, #tpu.memory_space<semaphore_mem>>)
        %dma_wait3A_189 = arith.constant 0 : i32
        %dma_wait3A_190 = arith.constant 0 : i32
        %dma_wait3A_191 = tpu.memref_slice %arg3[%add3A_62, %dma_wait3A_189, %dma_wait3A_190] : memref<320x8x128xi32, #tpu.memory_space<hbm>> -> memref<1x8x128xi32, #tpu.memory_space<hbm>>
        %dma_wait3A_192 = tpu.memref_squeeze %dma_wait3A_191 : memref<1x8x128xi32, #tpu.memory_space<hbm>> -> memref<8x128xi32, #tpu.memory_space<hbm>>
        %dma_wait3A_193 = arith.constant 0 : i32
        %dma_wait3A_194 = arith.constant 0 : i32
        %dma_wait3A_195 = tpu.memref_slice %arg3[%add3A_62, %dma_wait3A_193, %dma_wait3A_194] : memref<320x8x128xi32, #tpu.memory_space<hbm>> -> memref<1x8x128xi32, #tpu.memory_space<hbm>>
        %dma_wait3A_196 = tpu.memref_squeeze %dma_wait3A_195 : memref<1x8x128xi32, #tpu.memory_space<hbm>> -> memref<8x128xi32, #tpu.memory_space<hbm>>
        tpu.wait_dma2 semaphore(%run_scoped3A_180 : memref<!tpu.dma_semaphore, #tpu.memory_space<semaphore_mem>>) src(%dma_wait3A_196 : memref<8x128xi32, #tpu.memory_space<hbm>>) dst(%arg6 : memref<8x128xi32, #tpu.memory_space<vmem>>)
        tpu.yield
      }) : () -> ()
      "tpu.region"() ({
        %run_scoped3A_180 = tpu.sem_alloc : memref<!tpu.dma_semaphore, #tpu.memory_space<semaphore_mem>>
        %dma_start3A_181 = arith.constant 0 : i32
        %dma_start3A_182 = arith.constant 0 : i32
        %dma_start3A_183 = tpu.memref_slice %arg4[%add3A_62, %dma_start3A_181, %dma_start3A_182] : memref<320x8x128xi32, #tpu.memory_space<hbm>> -> memref<1x8x128xi32, #tpu.memory_space<hbm>>
        %dma_start3A_184 = tpu.memref_squeeze %dma_start3A_183 : memref<1x8x128xi32, #tpu.memory_space<hbm>> -> memref<8x128xi32, #tpu.memory_space<hbm>>
        %dma_start3A_185 = arith.constant 0 : i32
        %dma_start3A_186 = arith.constant 0 : i32
        %dma_start3A_187 = tpu.memref_slice %arg4[%add3A_62, %dma_start3A_185, %dma_start3A_186] : memref<320x8x128xi32, #tpu.memory_space<hbm>> -> memref<1x8x128xi32, #tpu.memory_space<hbm>>
        %dma_start3A_188 = tpu.memref_squeeze %dma_start3A_187 : memref<1x8x128xi32, #tpu.memory_space<hbm>> -> memref<8x128xi32, #tpu.memory_space<hbm>>
        tpu.enqueue_dma source(%dma_start3A_188 : memref<8x128xi32, #tpu.memory_space<hbm>>) target(%arg7 : memref<8x128xi32, #tpu.memory_space<vmem>>) target_semaphore(%run_scoped3A_180 : memref<!tpu.dma_semaphore, #tpu.memory_space<semaphore_mem>>)
        %dma_wait3A_189 = arith.constant 0 : i32
        %dma_wait3A_190 = arith.constant 0 : i32
        %dma_wait3A_191 = tpu.memref_slice %arg4[%add3A_62, %dma_wait3A_189, %dma_wait3A_190] : memref<320x8x128xi32, #tpu.memory_space<hbm>> -> memref<1x8x128xi32, #tpu.memory_space<hbm>>
        %dma_wait3A_192 = tpu.memref_squeeze %dma_wait3A_191 : memref<1x8x128xi32, #tpu.memory_space<hbm>> -> memref<8x128xi32, #tpu.memory_space<hbm>>
        %dma_wait3A_193 = arith.constant 0 : i32
        %dma_wait3A_194 = arith.constant 0 : i32
        %dma_wait3A_195 = tpu.memref_slice %arg4[%add3A_62, %dma_wait3A_193, %dma_wait3A_194] : memref<320x8x128xi32, #tpu.memory_space<hbm>> -> memref<1x8x128xi32, #tpu.memory_space<hbm>>
        %dma_wait3A_196 = tpu.memref_squeeze %dma_wait3A_195 : memref<1x8x128xi32, #tpu.memory_space<hbm>> -> memref<8x128xi32, #tpu.memory_space<hbm>>
        tpu.wait_dma2 semaphore(%run_scoped3A_180 : memref<!tpu.dma_semaphore, #tpu.memory_space<semaphore_mem>>) src(%dma_wait3A_196 : memref<8x128xi32, #tpu.memory_space<hbm>>) dst(%arg7 : memref<8x128xi32, #tpu.memory_space<vmem>>)
        tpu.yield
      }) : () -> ()
      %dma_start3A = arith.constant 0 : i32
      %dma_start3A_63 = arith.constant 0 : i32
      %dma_start3A_64 = tpu.memref_slice %arg6[%dma_start3A, %dma_start3A_63] : memref<8x128xi32, #tpu.memory_space<vmem>> -> memref<1x128xi32, #tpu.memory_space<vmem>>
      %dma_start3A_65 = tpu.memref_squeeze %dma_start3A_64 : memref<1x128xi32, #tpu.memory_space<vmem>> -> memref<128xi32, #tpu.memory_space<vmem>>
      %dma_start3A_66 = arith.constant 0 : i32
      %dma_start3A_67 = arith.constant 0 : i32
      %dma_start3A_68 = tpu.memref_slice %arg2[%dma_start3A_66, %dma_start3A_67] : memref<20000x128xf32, #tpu.memory_space<hbm>> -> memref<20000x128xf32, #tpu.memory_space<hbm>>
      tpu.enqueue_indirect_dma source(%dma_start3A_68 : memref<20000x128xf32, #tpu.memory_space<hbm>>) target(%arg8 : memref<128x128xf32, #tpu.memory_space<vmem>>) offsets(%dma_start3A_65 : memref<128xi32, #tpu.memory_space<vmem>>) semaphore(%arg11 : memref<!tpu.dma_semaphore, #tpu.memory_space<semaphore_mem>>)
      %dma_start3A_69 = arith.constant 1 : i32
      %dma_start3A_70 = arith.constant 0 : i32
      %dma_start3A_71 = tpu.memref_slice %arg6[%dma_start3A_69, %dma_start3A_70] : memref<8x128xi32, #tpu.memory_space<vmem>> -> memref<1x128xi32, #tpu.memory_space<vmem>>
      %dma_start3A_72 = tpu.memref_squeeze %dma_start3A_71 : memref<1x128xi32, #tpu.memory_space<vmem>> -> memref<128xi32, #tpu.memory_space<vmem>>
      %dma_start3A_73 = arith.constant 0 : i32
      %dma_start3A_74 = arith.constant 0 : i32
      %dma_start3A_75 = tpu.memref_slice %arg2[%dma_start3A_73, %dma_start3A_74] : memref<20000x128xf32, #tpu.memory_space<hbm>> -> memref<20000x128xf32, #tpu.memory_space<hbm>>
      tpu.enqueue_indirect_dma source(%dma_start3A_75 : memref<20000x128xf32, #tpu.memory_space<hbm>>) target(%arg9 : memref<128x128xf32, #tpu.memory_space<vmem>>) offsets(%dma_start3A_72 : memref<128xi32, #tpu.memory_space<vmem>>) semaphore(%arg12 : memref<!tpu.dma_semaphore, #tpu.memory_space<semaphore_mem>>)
      %dma_wait3A = arith.constant 0 : i32
      %dma_wait3A_76 = arith.constant 0 : i32
      %dma_wait3A_77 = tpu.memref_slice %arg6[%dma_wait3A, %dma_wait3A_76] : memref<8x128xi32, #tpu.memory_space<vmem>> -> memref<1x128xi32, #tpu.memory_space<vmem>>
      %dma_wait3A_78 = tpu.memref_squeeze %dma_wait3A_77 : memref<1x128xi32, #tpu.memory_space<vmem>> -> memref<128xi32, #tpu.memory_space<vmem>>
      %dma_wait3A_79 = arith.constant 0 : i32
      %dma_wait3A_80 = arith.constant 0 : i32
      %dma_wait3A_81 = tpu.memref_slice %arg2[%dma_wait3A_79, %dma_wait3A_80] : memref<20000x128xf32, #tpu.memory_space<hbm>> -> memref<20000x128xf32, #tpu.memory_space<hbm>>
      tpu.wait_indirect_dma semaphore(%arg11 : memref<!tpu.dma_semaphore, #tpu.memory_space<semaphore_mem>>) src(%dma_wait3A_81 : memref<20000x128xf32, #tpu.memory_space<hbm>>) dst(%arg8 : memref<128x128xf32, #tpu.memory_space<vmem>>)
      %run_scoped3A = arith.constant 0 : i32
      "tpu.region"() ({
        %run_scoped3A_180 = tpu.sem_alloc : memref<!tpu.dma_semaphore, #tpu.memory_space<semaphore_mem>>
        %dma_start3A_181 = arith.constant 0 : i32
        %dma_start3A_182 = tpu.memref_slice %arg7[%run_scoped3A, %dma_start3A_181] : memref<8x128xi32, #tpu.memory_space<vmem>> -> memref<1x128xi32, #tpu.memory_space<vmem>>
        %dma_start3A_183 = tpu.memref_squeeze %dma_start3A_182 : memref<1x128xi32, #tpu.memory_space<vmem>> -> memref<128xi32, #tpu.memory_space<vmem>>
        %dma_start3A_184 = arith.constant 0 : i32
        %dma_start3A_185 = arith.constant 0 : i32
        %dma_start3A_186 = tpu.memref_slice %arg10[%dma_start3A_184, %dma_start3A_185] : memref<10000x128xf32, #tpu.memory_space<vmem_shared>> -> memref<10000x128xf32, #tpu.memory_space<vmem_shared>>
        tpu.enqueue_indirect_dma source(%arg8 : memref<128x128xf32, #tpu.memory_space<vmem>>) target(%dma_start3A_186 : memref<10000x128xf32, #tpu.memory_space<vmem_shared>>) offsets(%dma_start3A_183 : memref<128xi32, #tpu.memory_space<vmem>>) semaphore(%run_scoped3A_180 : memref<!tpu.dma_semaphore, #tpu.memory_space<semaphore_mem>>) {add = true}
        %dma_wait3A_187 = arith.constant 0 : i32
        %dma_wait3A_188 = tpu.memref_slice %arg7[%run_scoped3A, %dma_wait3A_187] : memref<8x128xi32, #tpu.memory_space<vmem>> -> memref<1x128xi32, #tpu.memory_space<vmem>>
        %dma_wait3A_189 = tpu.memref_squeeze %dma_wait3A_188 : memref<1x128xi32, #tpu.memory_space<vmem>> -> memref<128xi32, #tpu.memory_space<vmem>>
        %dma_wait3A_190 = arith.constant 0 : i32
        %dma_wait3A_191 = arith.constant 0 : i32
        %dma_wait3A_192 = tpu.memref_slice %arg10[%dma_wait3A_190, %dma_wait3A_191] : memref<10000x128xf32, #tpu.memory_space<vmem_shared>> -> memref<10000x128xf32, #tpu.memory_space<vmem_shared>>
        tpu.wait_indirect_dma semaphore(%run_scoped3A_180 : memref<!tpu.dma_semaphore, #tpu.memory_space<semaphore_mem>>) src(%arg8 : memref<128x128xf32, #tpu.memory_space<vmem>>) dst(%dma_wait3A_192 : memref<10000x128xf32, #tpu.memory_space<vmem_shared>>)
        tpu.yield
      }) : () -> ()
      %dma_start3A_82 = arith.constant 2 : i32
      %dma_start3A_83 = arith.constant 0 : i32
      %dma_start3A_84 = tpu.memref_slice %arg6[%dma_start3A_82, %dma_start3A_83] : memref<8x128xi32, #tpu.memory_space<vmem>> -> memref<1x128xi32, #tpu.memory_space<vmem>>
      %dma_start3A_85 = tpu.memref_squeeze %dma_start3A_84 : memref<1x128xi32, #tpu.memory_space<vmem>> -> memref<128xi32, #tpu.memory_space<vmem>>
      %dma_start3A_86 = arith.constant 0 : i32
      %dma_start3A_87 = arith.constant 0 : i32
      %dma_start3A_88 = tpu.memref_slice %arg2[%dma_start3A_86, %dma_start3A_87] : memref<20000x128xf32, #tpu.memory_space<hbm>> -> memref<20000x128xf32, #tpu.memory_space<hbm>>
      tpu.enqueue_indirect_dma source(%dma_start3A_88 : memref<20000x128xf32, #tpu.memory_space<hbm>>) target(%arg8 : memref<128x128xf32, #tpu.memory_space<vmem>>) offsets(%dma_start3A_85 : memref<128xi32, #tpu.memory_space<vmem>>) semaphore(%arg11 : memref<!tpu.dma_semaphore, #tpu.memory_space<semaphore_mem>>)
      %dma_wait3A_89 = arith.constant 1 : i32
      %dma_wait3A_90 = arith.constant 0 : i32
      %dma_wait3A_91 = tpu.memref_slice %arg6[%dma_wait3A_89, %dma_wait3A_90] : memref<8x128xi32, #tpu.memory_space<vmem>> -> memref<1x128xi32, #tpu.memory_space<vmem>>
      %dma_wait3A_92 = tpu.memref_squeeze %dma_wait3A_91 : memref<1x128xi32, #tpu.memory_space<vmem>> -> memref<128xi32, #tpu.memory_space<vmem>>
      %dma_wait3A_93 = arith.constant 0 : i32
      %dma_wait3A_94 = arith.constant 0 : i32
      %dma_wait3A_95 = tpu.memref_slice %arg2[%dma_wait3A_93, %dma_wait3A_94] : memref<20000x128xf32, #tpu.memory_space<hbm>> -> memref<20000x128xf32, #tpu.memory_space<hbm>>
      tpu.wait_indirect_dma semaphore(%arg12 : memref<!tpu.dma_semaphore, #tpu.memory_space<semaphore_mem>>) src(%dma_wait3A_95 : memref<20000x128xf32, #tpu.memory_space<hbm>>) dst(%arg9 : memref<128x128xf32, #tpu.memory_space<vmem>>)
      %run_scoped3A_96 = arith.constant 1 : i32
      "tpu.region"() ({
        %run_scoped3A_180 = tpu.sem_alloc : memref<!tpu.dma_semaphore, #tpu.memory_space<semaphore_mem>>
        %dma_start3A_181 = arith.constant 0 : i32
        %dma_start3A_182 = tpu.memref_slice %arg7[%run_scoped3A_96, %dma_start3A_181] : memref<8x128xi32, #tpu.memory_space<vmem>> -> memref<1x128xi32, #tpu.memory_space<vmem>>
        %dma_start3A_183 = tpu.memref_squeeze %dma_start3A_182 : memref<1x128xi32, #tpu.memory_space<vmem>> -> memref<128xi32, #tpu.memory_space<vmem>>
        %dma_start3A_184 = arith.constant 0 : i32
        %dma_start3A_185 = arith.constant 0 : i32
        %dma_start3A_186 = tpu.memref_slice %arg10[%dma_start3A_184, %dma_start3A_185] : memref<10000x128xf32, #tpu.memory_space<vmem_shared>> -> memref<10000x128xf32, #tpu.memory_space<vmem_shared>>
        tpu.enqueue_indirect_dma source(%arg9 : memref<128x128xf32, #tpu.memory_space<vmem>>) target(%dma_start3A_186 : memref<10000x128xf32, #tpu.memory_space<vmem_shared>>) offsets(%dma_start3A_183 : memref<128xi32, #tpu.memory_space<vmem>>) semaphore(%run_scoped3A_180 : memref<!tpu.dma_semaphore, #tpu.memory_space<semaphore_mem>>) {add = true}
        %dma_wait3A_187 = arith.constant 0 : i32
        %dma_wait3A_188 = tpu.memref_slice %arg7[%run_scoped3A_96, %dma_wait3A_187] : memref<8x128xi32, #tpu.memory_space<vmem>> -> memref<1x128xi32, #tpu.memory_space<vmem>>
        %dma_wait3A_189 = tpu.memref_squeeze %dma_wait3A_188 : memref<1x128xi32, #tpu.memory_space<vmem>> -> memref<128xi32, #tpu.memory_space<vmem>>
        %dma_wait3A_190 = arith.constant 0 : i32
        %dma_wait3A_191 = arith.constant 0 : i32
        %dma_wait3A_192 = tpu.memref_slice %arg10[%dma_wait3A_190, %dma_wait3A_191] : memref<10000x128xf32, #tpu.memory_space<vmem_shared>> -> memref<10000x128xf32, #tpu.memory_space<vmem_shared>>
        tpu.wait_indirect_dma semaphore(%run_scoped3A_180 : memref<!tpu.dma_semaphore, #tpu.memory_space<semaphore_mem>>) src(%arg9 : memref<128x128xf32, #tpu.memory_space<vmem>>) dst(%dma_wait3A_192 : memref<10000x128xf32, #tpu.memory_space<vmem_shared>>)
        tpu.yield
      }) : () -> ()
      %dma_start3A_97 = arith.constant 3 : i32
      %dma_start3A_98 = arith.constant 0 : i32
      %dma_start3A_99 = tpu.memref_slice %arg6[%dma_start3A_97, %dma_start3A_98] : memref<8x128xi32, #tpu.memory_space<vmem>> -> memref<1x128xi32, #tpu.memory_space<vmem>>
      %dma_start3A_100 = tpu.memref_squeeze %dma_start3A_99 : memref<1x128xi32, #tpu.memory_space<vmem>> -> memref<128xi32, #tpu.memory_space<vmem>>
      %dma_start3A_101 = arith.constant 0 : i32
      %dma_start3A_102 = arith.constant 0 : i32
      %dma_start3A_103 = tpu.memref_slice %arg2[%dma_start3A_101, %dma_start3A_102] : memref<20000x128xf32, #tpu.memory_space<hbm>> -> memref<20000x128xf32, #tpu.memory_space<hbm>>
      tpu.enqueue_indirect_dma source(%dma_start3A_103 : memref<20000x128xf32, #tpu.memory_space<hbm>>) target(%arg9 : memref<128x128xf32, #tpu.memory_space<vmem>>) offsets(%dma_start3A_100 : memref<128xi32, #tpu.memory_space<vmem>>) semaphore(%arg12 : memref<!tpu.dma_semaphore, #tpu.memory_space<semaphore_mem>>)
      %dma_wait3A_104 = arith.constant 2 : i32
      %dma_wait3A_105 = arith.constant 0 : i32
      %dma_wait3A_106 = tpu.memref_slice %arg6[%dma_wait3A_104, %dma_wait3A_105] : memref<8x128xi32, #tpu.memory_space<vmem>> -> memref<1x128xi32, #tpu.memory_space<vmem>>
      %dma_wait3A_107 = tpu.memref_squeeze %dma_wait3A_106 : memref<1x128xi32, #tpu.memory_space<vmem>> -> memref<128xi32, #tpu.memory_space<vmem>>
      %dma_wait3A_108 = arith.constant 0 : i32
      %dma_wait3A_109 = arith.constant 0 : i32
      %dma_wait3A_110 = tpu.memref_slice %arg2[%dma_wait3A_108, %dma_wait3A_109] : memref<20000x128xf32, #tpu.memory_space<hbm>> -> memref<20000x128xf32, #tpu.memory_space<hbm>>
      tpu.wait_indirect_dma semaphore(%arg11 : memref<!tpu.dma_semaphore, #tpu.memory_space<semaphore_mem>>) src(%dma_wait3A_110 : memref<20000x128xf32, #tpu.memory_space<hbm>>) dst(%arg8 : memref<128x128xf32, #tpu.memory_space<vmem>>)
      %run_scoped3A_111 = arith.constant 2 : i32
      "tpu.region"() ({
        %run_scoped3A_180 = tpu.sem_alloc : memref<!tpu.dma_semaphore, #tpu.memory_space<semaphore_mem>>
        %dma_start3A_181 = arith.constant 0 : i32
        %dma_start3A_182 = tpu.memref_slice %arg7[%run_scoped3A_111, %dma_start3A_181] : memref<8x128xi32, #tpu.memory_space<vmem>> -> memref<1x128xi32, #tpu.memory_space<vmem>>
        %dma_start3A_183 = tpu.memref_squeeze %dma_start3A_182 : memref<1x128xi32, #tpu.memory_space<vmem>> -> memref<128xi32, #tpu.memory_space<vmem>>
        %dma_start3A_184 = arith.constant 0 : i32
        %dma_start3A_185 = arith.constant 0 : i32
        %dma_start3A_186 = tpu.memref_slice %arg10[%dma_start3A_184, %dma_start3A_185] : memref<10000x128xf32, #tpu.memory_space<vmem_shared>> -> memref<10000x128xf32, #tpu.memory_space<vmem_shared>>
        tpu.enqueue_indirect_dma source(%arg8 : memref<128x128xf32, #tpu.memory_space<vmem>>) target(%dma_start3A_186 : memref<10000x128xf32, #tpu.memory_space<vmem_shared>>) offsets(%dma_start3A_183 : memref<128xi32, #tpu.memory_space<vmem>>) semaphore(%run_scoped3A_180 : memref<!tpu.dma_semaphore, #tpu.memory_space<semaphore_mem>>) {add = true}
        %dma_wait3A_187 = arith.constant 0 : i32
        %dma_wait3A_188 = tpu.memref_slice %arg7[%run_scoped3A_111, %dma_wait3A_187] : memref<8x128xi32, #tpu.memory_space<vmem>> -> memref<1x128xi32, #tpu.memory_space<vmem>>
        %dma_wait3A_189 = tpu.memref_squeeze %dma_wait3A_188 : memref<1x128xi32, #tpu.memory_space<vmem>> -> memref<128xi32, #tpu.memory_space<vmem>>
        %dma_wait3A_190 = arith.constant 0 : i32
        %dma_wait3A_191 = arith.constant 0 : i32
        %dma_wait3A_192 = tpu.memref_slice %arg10[%dma_wait3A_190, %dma_wait3A_191] : memref<10000x128xf32, #tpu.memory_space<vmem_shared>> -> memref<10000x128xf32, #tpu.memory_space<vmem_shared>>
        tpu.wait_indirect_dma semaphore(%run_scoped3A_180 : memref<!tpu.dma_semaphore, #tpu.memory_space<semaphore_mem>>) src(%arg8 : memref<128x128xf32, #tpu.memory_space<vmem>>) dst(%dma_wait3A_192 : memref<10000x128xf32, #tpu.memory_space<vmem_shared>>)
        tpu.yield
      }) : () -> ()
      %dma_start3A_112 = arith.constant 4 : i32
      %dma_start3A_113 = arith.constant 0 : i32
      %dma_start3A_114 = tpu.memref_slice %arg6[%dma_start3A_112, %dma_start3A_113] : memref<8x128xi32, #tpu.memory_space<vmem>> -> memref<1x128xi32, #tpu.memory_space<vmem>>
      %dma_start3A_115 = tpu.memref_squeeze %dma_start3A_114 : memref<1x128xi32, #tpu.memory_space<vmem>> -> memref<128xi32, #tpu.memory_space<vmem>>
      %dma_start3A_116 = arith.constant 0 : i32
      %dma_start3A_117 = arith.constant 0 : i32
      %dma_start3A_118 = tpu.memref_slice %arg2[%dma_start3A_116, %dma_start3A_117] : memref<20000x128xf32, #tpu.memory_space<hbm>> -> memref<20000x128xf32, #tpu.memory_space<hbm>>
      tpu.enqueue_indirect_dma source(%dma_start3A_118 : memref<20000x128xf32, #tpu.memory_space<hbm>>) target(%arg8 : memref<128x128xf32, #tpu.memory_space<vmem>>) offsets(%dma_start3A_115 : memref<128xi32, #tpu.memory_space<vmem>>) semaphore(%arg11 : memref<!tpu.dma_semaphore, #tpu.memory_space<semaphore_mem>>)
      %dma_wait3A_119 = arith.constant 3 : i32
      %dma_wait3A_120 = arith.constant 0 : i32
      %dma_wait3A_121 = tpu.memref_slice %arg6[%dma_wait3A_119, %dma_wait3A_120] : memref<8x128xi32, #tpu.memory_space<vmem>> -> memref<1x128xi32, #tpu.memory_space<vmem>>
      %dma_wait3A_122 = tpu.memref_squeeze %dma_wait3A_121 : memref<1x128xi32, #tpu.memory_space<vmem>> -> memref<128xi32, #tpu.memory_space<vmem>>
      %dma_wait3A_123 = arith.constant 0 : i32
      %dma_wait3A_124 = arith.constant 0 : i32
      %dma_wait3A_125 = tpu.memref_slice %arg2[%dma_wait3A_123, %dma_wait3A_124] : memref<20000x128xf32, #tpu.memory_space<hbm>> -> memref<20000x128xf32, #tpu.memory_space<hbm>>
      tpu.wait_indirect_dma semaphore(%arg12 : memref<!tpu.dma_semaphore, #tpu.memory_space<semaphore_mem>>) src(%dma_wait3A_125 : memref<20000x128xf32, #tpu.memory_space<hbm>>) dst(%arg9 : memref<128x128xf32, #tpu.memory_space<vmem>>)
      %run_scoped3A_126 = arith.constant 3 : i32
      "tpu.region"() ({
        %run_scoped3A_180 = tpu.sem_alloc : memref<!tpu.dma_semaphore, #tpu.memory_space<semaphore_mem>>
        %dma_start3A_181 = arith.constant 0 : i32
        %dma_start3A_182 = tpu.memref_slice %arg7[%run_scoped3A_126, %dma_start3A_181] : memref<8x128xi32, #tpu.memory_space<vmem>> -> memref<1x128xi32, #tpu.memory_space<vmem>>
        %dma_start3A_183 = tpu.memref_squeeze %dma_start3A_182 : memref<1x128xi32, #tpu.memory_space<vmem>> -> memref<128xi32, #tpu.memory_space<vmem>>
        %dma_start3A_184 = arith.constant 0 : i32
        %dma_start3A_185 = arith.constant 0 : i32
        %dma_start3A_186 = tpu.memref_slice %arg10[%dma_start3A_184, %dma_start3A_185] : memref<10000x128xf32, #tpu.memory_space<vmem_shared>> -> memref<10000x128xf32, #tpu.memory_space<vmem_shared>>
        tpu.enqueue_indirect_dma source(%arg9 : memref<128x128xf32, #tpu.memory_space<vmem>>) target(%dma_start3A_186 : memref<10000x128xf32, #tpu.memory_space<vmem_shared>>) offsets(%dma_start3A_183 : memref<128xi32, #tpu.memory_space<vmem>>) semaphore(%run_scoped3A_180 : memref<!tpu.dma_semaphore, #tpu.memory_space<semaphore_mem>>) {add = true}
        %dma_wait3A_187 = arith.constant 0 : i32
        %dma_wait3A_188 = tpu.memref_slice %arg7[%run_scoped3A_126, %dma_wait3A_187] : memref<8x128xi32, #tpu.memory_space<vmem>> -> memref<1x128xi32, #tpu.memory_space<vmem>>
        %dma_wait3A_189 = tpu.memref_squeeze %dma_wait3A_188 : memref<1x128xi32, #tpu.memory_space<vmem>> -> memref<128xi32, #tpu.memory_space<vmem>>
        %dma_wait3A_190 = arith.constant 0 : i32
        %dma_wait3A_191 = arith.constant 0 : i32
        %dma_wait3A_192 = tpu.memref_slice %arg10[%dma_wait3A_190, %dma_wait3A_191] : memref<10000x128xf32, #tpu.memory_space<vmem_shared>> -> memref<10000x128xf32, #tpu.memory_space<vmem_shared>>
        tpu.wait_indirect_dma semaphore(%run_scoped3A_180 : memref<!tpu.dma_semaphore, #tpu.memory_space<semaphore_mem>>) src(%arg9 : memref<128x128xf32, #tpu.memory_space<vmem>>) dst(%dma_wait3A_192 : memref<10000x128xf32, #tpu.memory_space<vmem_shared>>)
        tpu.yield
      }) : () -> ()
      %dma_start3A_127 = arith.constant 5 : i32
      %dma_start3A_128 = arith.constant 0 : i32
      %dma_start3A_129 = tpu.memref_slice %arg6[%dma_start3A_127, %dma_start3A_128] : memref<8x128xi32, #tpu.memory_space<vmem>> -> memref<1x128xi32, #tpu.memory_space<vmem>>
      %dma_start3A_130 = tpu.memref_squeeze %dma_start3A_129 : memref<1x128xi32, #tpu.memory_space<vmem>> -> memref<128xi32, #tpu.memory_space<vmem>>
      %dma_start3A_131 = arith.constant 0 : i32
      %dma_start3A_132 = arith.constant 0 : i32
      %dma_start3A_133 = tpu.memref_slice %arg2[%dma_start3A_131, %dma_start3A_132] : memref<20000x128xf32, #tpu.memory_space<hbm>> -> memref<20000x128xf32, #tpu.memory_space<hbm>>
      tpu.enqueue_indirect_dma source(%dma_start3A_133 : memref<20000x128xf32, #tpu.memory_space<hbm>>) target(%arg9 : memref<128x128xf32, #tpu.memory_space<vmem>>) offsets(%dma_start3A_130 : memref<128xi32, #tpu.memory_space<vmem>>) semaphore(%arg12 : memref<!tpu.dma_semaphore, #tpu.memory_space<semaphore_mem>>)
      %dma_wait3A_134 = arith.constant 4 : i32
      %dma_wait3A_135 = arith.constant 0 : i32
      %dma_wait3A_136 = tpu.memref_slice %arg6[%dma_wait3A_134, %dma_wait3A_135] : memref<8x128xi32, #tpu.memory_space<vmem>> -> memref<1x128xi32, #tpu.memory_space<vmem>>
      %dma_wait3A_137 = tpu.memref_squeeze %dma_wait3A_136 : memref<1x128xi32, #tpu.memory_space<vmem>> -> memref<128xi32, #tpu.memory_space<vmem>>
      %dma_wait3A_138 = arith.constant 0 : i32
      %dma_wait3A_139 = arith.constant 0 : i32
      %dma_wait3A_140 = tpu.memref_slice %arg2[%dma_wait3A_138, %dma_wait3A_139] : memref<20000x128xf32, #tpu.memory_space<hbm>> -> memref<20000x128xf32, #tpu.memory_space<hbm>>
      tpu.wait_indirect_dma semaphore(%arg11 : memref<!tpu.dma_semaphore, #tpu.memory_space<semaphore_mem>>) src(%dma_wait3A_140 : memref<20000x128xf32, #tpu.memory_space<hbm>>) dst(%arg8 : memref<128x128xf32, #tpu.memory_space<vmem>>)
      %run_scoped3A_141 = arith.constant 4 : i32
      "tpu.region"() ({
        %run_scoped3A_180 = tpu.sem_alloc : memref<!tpu.dma_semaphore, #tpu.memory_space<semaphore_mem>>
        %dma_start3A_181 = arith.constant 0 : i32
        %dma_start3A_182 = tpu.memref_slice %arg7[%run_scoped3A_141, %dma_start3A_181] : memref<8x128xi32, #tpu.memory_space<vmem>> -> memref<1x128xi32, #tpu.memory_space<vmem>>
        %dma_start3A_183 = tpu.memref_squeeze %dma_start3A_182 : memref<1x128xi32, #tpu.memory_space<vmem>> -> memref<128xi32, #tpu.memory_space<vmem>>
        %dma_start3A_184 = arith.constant 0 : i32
        %dma_start3A_185 = arith.constant 0 : i32
        %dma_start3A_186 = tpu.memref_slice %arg10[%dma_start3A_184, %dma_start3A_185] : memref<10000x128xf32, #tpu.memory_space<vmem_shared>> -> memref<10000x128xf32, #tpu.memory_space<vmem_shared>>
        tpu.enqueue_indirect_dma source(%arg8 : memref<128x128xf32, #tpu.memory_space<vmem>>) target(%dma_start3A_186 : memref<10000x128xf32, #tpu.memory_space<vmem_shared>>) offsets(%dma_start3A_183 : memref<128xi32, #tpu.memory_space<vmem>>) semaphore(%run_scoped3A_180 : memref<!tpu.dma_semaphore, #tpu.memory_space<semaphore_mem>>) {add = true}
        %dma_wait3A_187 = arith.constant 0 : i32
        %dma_wait3A_188 = tpu.memref_slice %arg7[%run_scoped3A_141, %dma_wait3A_187] : memref<8x128xi32, #tpu.memory_space<vmem>> -> memref<1x128xi32, #tpu.memory_space<vmem>>
        %dma_wait3A_189 = tpu.memref_squeeze %dma_wait3A_188 : memref<1x128xi32, #tpu.memory_space<vmem>> -> memref<128xi32, #tpu.memory_space<vmem>>
        %dma_wait3A_190 = arith.constant 0 : i32
        %dma_wait3A_191 = arith.constant 0 : i32
        %dma_wait3A_192 = tpu.memref_slice %arg10[%dma_wait3A_190, %dma_wait3A_191] : memref<10000x128xf32, #tpu.memory_space<vmem_shared>> -> memref<10000x128xf32, #tpu.memory_space<vmem_shared>>
        tpu.wait_indirect_dma semaphore(%run_scoped3A_180 : memref<!tpu.dma_semaphore, #tpu.memory_space<semaphore_mem>>) src(%arg8 : memref<128x128xf32, #tpu.memory_space<vmem>>) dst(%dma_wait3A_192 : memref<10000x128xf32, #tpu.memory_space<vmem_shared>>)
        tpu.yield
      }) : () -> ()
      %dma_start3A_142 = arith.constant 6 : i32
      %dma_start3A_143 = arith.constant 0 : i32
      %dma_start3A_144 = tpu.memref_slice %arg6[%dma_start3A_142, %dma_start3A_143] : memref<8x128xi32, #tpu.memory_space<vmem>> -> memref<1x128xi32, #tpu.memory_space<vmem>>
      %dma_start3A_145 = tpu.memref_squeeze %dma_start3A_144 : memref<1x128xi32, #tpu.memory_space<vmem>> -> memref<128xi32, #tpu.memory_space<vmem>>
      %dma_start3A_146 = arith.constant 0 : i32
      %dma_start3A_147 = arith.constant 0 : i32
      %dma_start3A_148 = tpu.memref_slice %arg2[%dma_start3A_146, %dma_start3A_147] : memref<20000x128xf32, #tpu.memory_space<hbm>> -> memref<20000x128xf32, #tpu.memory_space<hbm>>
      tpu.enqueue_indirect_dma source(%dma_start3A_148 : memref<20000x128xf32, #tpu.memory_space<hbm>>) target(%arg8 : memref<128x128xf32, #tpu.memory_space<vmem>>) offsets(%dma_start3A_145 : memref<128xi32, #tpu.memory_space<vmem>>) semaphore(%arg11 : memref<!tpu.dma_semaphore, #tpu.memory_space<semaphore_mem>>)
      %dma_wait3A_149 = arith.constant 5 : i32
      %dma_wait3A_150 = arith.constant 0 : i32
      %dma_wait3A_151 = tpu.memref_slice %arg6[%dma_wait3A_149, %dma_wait3A_150] : memref<8x128xi32, #tpu.memory_space<vmem>> -> memref<1x128xi32, #tpu.memory_space<vmem>>
      %dma_wait3A_152 = tpu.memref_squeeze %dma_wait3A_151 : memref<1x128xi32, #tpu.memory_space<vmem>> -> memref<128xi32, #tpu.memory_space<vmem>>
      %dma_wait3A_153 = arith.constant 0 : i32
      %dma_wait3A_154 = arith.constant 0 : i32
      %dma_wait3A_155 = tpu.memref_slice %arg2[%dma_wait3A_153, %dma_wait3A_154] : memref<20000x128xf32, #tpu.memory_space<hbm>> -> memref<20000x128xf32, #tpu.memory_space<hbm>>
      tpu.wait_indirect_dma semaphore(%arg12 : memref<!tpu.dma_semaphore, #tpu.memory_space<semaphore_mem>>) src(%dma_wait3A_155 : memref<20000x128xf32, #tpu.memory_space<hbm>>) dst(%arg9 : memref<128x128xf32, #tpu.memory_space<vmem>>)
      %run_scoped3A_156 = arith.constant 5 : i32
      "tpu.region"() ({
        %run_scoped3A_180 = tpu.sem_alloc : memref<!tpu.dma_semaphore, #tpu.memory_space<semaphore_mem>>
        %dma_start3A_181 = arith.constant 0 : i32
        %dma_start3A_182 = tpu.memref_slice %arg7[%run_scoped3A_156, %dma_start3A_181] : memref<8x128xi32, #tpu.memory_space<vmem>> -> memref<1x128xi32, #tpu.memory_space<vmem>>
        %dma_start3A_183 = tpu.memref_squeeze %dma_start3A_182 : memref<1x128xi32, #tpu.memory_space<vmem>> -> memref<128xi32, #tpu.memory_space<vmem>>
        %dma_start3A_184 = arith.constant 0 : i32
        %dma_start3A_185 = arith.constant 0 : i32
        %dma_start3A_186 = tpu.memref_slice %arg10[%dma_start3A_184, %dma_start3A_185] : memref<10000x128xf32, #tpu.memory_space<vmem_shared>> -> memref<10000x128xf32, #tpu.memory_space<vmem_shared>>
        tpu.enqueue_indirect_dma source(%arg9 : memref<128x128xf32, #tpu.memory_space<vmem>>) target(%dma_start3A_186 : memref<10000x128xf32, #tpu.memory_space<vmem_shared>>) offsets(%dma_start3A_183 : memref<128xi32, #tpu.memory_space<vmem>>) semaphore(%run_scoped3A_180 : memref<!tpu.dma_semaphore, #tpu.memory_space<semaphore_mem>>) {add = true}
        %dma_wait3A_187 = arith.constant 0 : i32
        %dma_wait3A_188 = tpu.memref_slice %arg7[%run_scoped3A_156, %dma_wait3A_187] : memref<8x128xi32, #tpu.memory_space<vmem>> -> memref<1x128xi32, #tpu.memory_space<vmem>>
        %dma_wait3A_189 = tpu.memref_squeeze %dma_wait3A_188 : memref<1x128xi32, #tpu.memory_space<vmem>> -> memref<128xi32, #tpu.memory_space<vmem>>
        %dma_wait3A_190 = arith.constant 0 : i32
        %dma_wait3A_191 = arith.constant 0 : i32
        %dma_wait3A_192 = tpu.memref_slice %arg10[%dma_wait3A_190, %dma_wait3A_191] : memref<10000x128xf32, #tpu.memory_space<vmem_shared>> -> memref<10000x128xf32, #tpu.memory_space<vmem_shared>>
        tpu.wait_indirect_dma semaphore(%run_scoped3A_180 : memref<!tpu.dma_semaphore, #tpu.memory_space<semaphore_mem>>) src(%arg9 : memref<128x128xf32, #tpu.memory_space<vmem>>) dst(%dma_wait3A_192 : memref<10000x128xf32, #tpu.memory_space<vmem_shared>>)
        tpu.yield
      }) : () -> ()
      %dma_start3A_157 = arith.constant 7 : i32
      %dma_start3A_158 = arith.constant 0 : i32
      %dma_start3A_159 = tpu.memref_slice %arg6[%dma_start3A_157, %dma_start3A_158] : memref<8x128xi32, #tpu.memory_space<vmem>> -> memref<1x128xi32, #tpu.memory_space<vmem>>
      %dma_start3A_160 = tpu.memref_squeeze %dma_start3A_159 : memref<1x128xi32, #tpu.memory_space<vmem>> -> memref<128xi32, #tpu.memory_space<vmem>>
      %dma_start3A_161 = arith.constant 0 : i32
      %dma_start3A_162 = arith.constant 0 : i32
      %dma_start3A_163 = tpu.memref_slice %arg2[%dma_start3A_161, %dma_start3A_162] : memref<20000x128xf32, #tpu.memory_space<hbm>> -> memref<20000x128xf32, #tpu.memory_space<hbm>>
      tpu.enqueue_indirect_dma source(%dma_start3A_163 : memref<20000x128xf32, #tpu.memory_space<hbm>>) target(%arg9 : memref<128x128xf32, #tpu.memory_space<vmem>>) offsets(%dma_start3A_160 : memref<128xi32, #tpu.memory_space<vmem>>) semaphore(%arg12 : memref<!tpu.dma_semaphore, #tpu.memory_space<semaphore_mem>>)
      %dma_wait3A_164 = arith.constant 6 : i32
      %dma_wait3A_165 = arith.constant 0 : i32
      %dma_wait3A_166 = tpu.memref_slice %arg6[%dma_wait3A_164, %dma_wait3A_165] : memref<8x128xi32, #tpu.memory_space<vmem>> -> memref<1x128xi32, #tpu.memory_space<vmem>>
      %dma_wait3A_167 = tpu.memref_squeeze %dma_wait3A_166 : memref<1x128xi32, #tpu.memory_space<vmem>> -> memref<128xi32, #tpu.memory_space<vmem>>
      %dma_wait3A_168 = arith.constant 0 : i32
      %dma_wait3A_169 = arith.constant 0 : i32
      %dma_wait3A_170 = tpu.memref_slice %arg2[%dma_wait3A_168, %dma_wait3A_169] : memref<20000x128xf32, #tpu.memory_space<hbm>> -> memref<20000x128xf32, #tpu.memory_space<hbm>>
      tpu.wait_indirect_dma semaphore(%arg11 : memref<!tpu.dma_semaphore, #tpu.memory_space<semaphore_mem>>) src(%dma_wait3A_170 : memref<20000x128xf32, #tpu.memory_space<hbm>>) dst(%arg8 : memref<128x128xf32, #tpu.memory_space<vmem>>)
      %run_scoped3A_171 = arith.constant 6 : i32
      "tpu.region"() ({
        %run_scoped3A_180 = tpu.sem_alloc : memref<!tpu.dma_semaphore, #tpu.memory_space<semaphore_mem>>
        %dma_start3A_181 = arith.constant 0 : i32
        %dma_start3A_182 = tpu.memref_slice %arg7[%run_scoped3A_171, %dma_start3A_181] : memref<8x128xi32, #tpu.memory_space<vmem>> -> memref<1x128xi32, #tpu.memory_space<vmem>>
        %dma_start3A_183 = tpu.memref_squeeze %dma_start3A_182 : memref<1x128xi32, #tpu.memory_space<vmem>> -> memref<128xi32, #tpu.memory_space<vmem>>
        %dma_start3A_184 = arith.constant 0 : i32
        %dma_start3A_185 = arith.constant 0 : i32
        %dma_start3A_186 = tpu.memref_slice %arg10[%dma_start3A_184, %dma_start3A_185] : memref<10000x128xf32, #tpu.memory_space<vmem_shared>> -> memref<10000x128xf32, #tpu.memory_space<vmem_shared>>
        tpu.enqueue_indirect_dma source(%arg8 : memref<128x128xf32, #tpu.memory_space<vmem>>) target(%dma_start3A_186 : memref<10000x128xf32, #tpu.memory_space<vmem_shared>>) offsets(%dma_start3A_183 : memref<128xi32, #tpu.memory_space<vmem>>) semaphore(%run_scoped3A_180 : memref<!tpu.dma_semaphore, #tpu.memory_space<semaphore_mem>>) {add = true}
        %dma_wait3A_187 = arith.constant 0 : i32
        %dma_wait3A_188 = tpu.memref_slice %arg7[%run_scoped3A_171, %dma_wait3A_187] : memref<8x128xi32, #tpu.memory_space<vmem>> -> memref<1x128xi32, #tpu.memory_space<vmem>>
        %dma_wait3A_189 = tpu.memref_squeeze %dma_wait3A_188 : memref<1x128xi32, #tpu.memory_space<vmem>> -> memref<128xi32, #tpu.memory_space<vmem>>
        %dma_wait3A_190 = arith.constant 0 : i32
        %dma_wait3A_191 = arith.constant 0 : i32
        %dma_wait3A_192 = tpu.memref_slice %arg10[%dma_wait3A_190, %dma_wait3A_191] : memref<10000x128xf32, #tpu.memory_space<vmem_shared>> -> memref<10000x128xf32, #tpu.memory_space<vmem_shared>>
        tpu.wait_indirect_dma semaphore(%run_scoped3A_180 : memref<!tpu.dma_semaphore, #tpu.memory_space<semaphore_mem>>) src(%arg8 : memref<128x128xf32, #tpu.memory_space<vmem>>) dst(%dma_wait3A_192 : memref<10000x128xf32, #tpu.memory_space<vmem_shared>>)
        tpu.yield
      }) : () -> ()
      %dma_wait3A_172 = arith.constant 7 : i32
      %dma_wait3A_173 = arith.constant 0 : i32
      %dma_wait3A_174 = tpu.memref_slice %arg6[%dma_wait3A_172, %dma_wait3A_173] : memref<8x128xi32, #tpu.memory_space<vmem>> -> memref<1x128xi32, #tpu.memory_space<vmem>>
      %dma_wait3A_175 = tpu.memref_squeeze %dma_wait3A_174 : memref<1x128xi32, #tpu.memory_space<vmem>> -> memref<128xi32, #tpu.memory_space<vmem>>
      %dma_wait3A_176 = arith.constant 0 : i32
      %dma_wait3A_177 = arith.constant 0 : i32
      %dma_wait3A_178 = tpu.memref_slice %arg2[%dma_wait3A_176, %dma_wait3A_177] : memref<20000x128xf32, #tpu.memory_space<hbm>> -> memref<20000x128xf32, #tpu.memory_space<hbm>>
      tpu.wait_indirect_dma semaphore(%arg12 : memref<!tpu.dma_semaphore, #tpu.memory_space<semaphore_mem>>) src(%dma_wait3A_178 : memref<20000x128xf32, #tpu.memory_space<hbm>>) dst(%arg9 : memref<128x128xf32, #tpu.memory_space<vmem>>)
      %run_scoped3A_179 = arith.constant 7 : i32
      "tpu.region"() ({
        %run_scoped3A_180 = tpu.sem_alloc : memref<!tpu.dma_semaphore, #tpu.memory_space<semaphore_mem>>
        %dma_start3A_181 = arith.constant 0 : i32
        %dma_start3A_182 = tpu.memref_slice %arg7[%run_scoped3A_179, %dma_start3A_181] : memref<8x128xi32, #tpu.memory_space<vmem>> -> memref<1x128xi32, #tpu.memory_space<vmem>>
        %dma_start3A_183 = tpu.memref_squeeze %dma_start3A_182 : memref<1x128xi32, #tpu.memory_space<vmem>> -> memref<128xi32, #tpu.memory_space<vmem>>
        %dma_start3A_184 = arith.constant 0 : i32
        %dma_start3A_185 = arith.constant 0 : i32
        %dma_start3A_186 = tpu.memref_slice %arg10[%dma_start3A_184, %dma_start3A_185] : memref<10000x128xf32, #tpu.memory_space<vmem_shared>> -> memref<10000x128xf32, #tpu.memory_space<vmem_shared>>
        tpu.enqueue_indirect_dma source(%arg9 : memref<128x128xf32, #tpu.memory_space<vmem>>) target(%dma_start3A_186 : memref<10000x128xf32, #tpu.memory_space<vmem_shared>>) offsets(%dma_start3A_183 : memref<128xi32, #tpu.memory_space<vmem>>) semaphore(%run_scoped3A_180 : memref<!tpu.dma_semaphore, #tpu.memory_space<semaphore_mem>>) {add = true}
        %dma_wait3A_187 = arith.constant 0 : i32
        %dma_wait3A_188 = tpu.memref_slice %arg7[%run_scoped3A_179, %dma_wait3A_187] : memref<8x128xi32, #tpu.memory_space<vmem>> -> memref<1x128xi32, #tpu.memory_space<vmem>>
        %dma_wait3A_189 = tpu.memref_squeeze %dma_wait3A_188 : memref<1x128xi32, #tpu.memory_space<vmem>> -> memref<128xi32, #tpu.memory_space<vmem>>
        %dma_wait3A_190 = arith.constant 0 : i32
        %dma_wait3A_191 = arith.constant 0 : i32
        %dma_wait3A_192 = tpu.memref_slice %arg10[%dma_wait3A_190, %dma_wait3A_191] : memref<10000x128xf32, #tpu.memory_space<vmem_shared>> -> memref<10000x128xf32, #tpu.memory_space<vmem_shared>>
        tpu.wait_indirect_dma semaphore(%run_scoped3A_180 : memref<!tpu.dma_semaphore, #tpu.memory_space<semaphore_mem>>) src(%arg9 : memref<128x128xf32, #tpu.memory_space<vmem>>) dst(%dma_wait3A_192 : memref<10000x128xf32, #tpu.memory_space<vmem_shared>>)
        tpu.yield
      }) : () -> ()
    }
    %scan3A_29 = arith.constant 10 : i32
    %barrier3A_30 = arith.constant 0 : index
    tpu.barrier barrier_id(%barrier3A_30)
    %mul3A_31 = arith.constant 632 : i32
    %mul3A_32 = arith.muli %arg1, %mul3A_31 : i32
    %mul3A_33 = arith.constant 10000 : i32
    %mul3A_34 = arith.muli %arg0, %mul3A_33 : i32
    %add3A_35 = arith.constant 0 : i32
    %add3A_36 = arith.addi %mul3A_32, %add3A_35 : i32
    "tpu.region"() ({
      %run_scoped3A = tpu.sem_alloc : memref<!tpu.dma_semaphore, #tpu.memory_space<semaphore_mem>>
      %dma_start3A = arith.constant 0 : i32
      %dma_start3A_59 = tpu.memref_slice %arg10[%add3A_36, %dma_start3A] : memref<10000x128xf32, #tpu.memory_space<vmem_shared>> -> memref<128x128xf32, #tpu.memory_space<vmem_shared>>
      %dma_start3A_60 = arith.constant 0 : i32
      %dma_start3A_61 = tpu.memref_slice %arg10[%add3A_36, %dma_start3A_60] : memref<10000x128xf32, #tpu.memory_space<vmem_shared>> -> memref<128x128xf32, #tpu.memory_space<vmem_shared>>
      tpu.enqueue_dma source(%dma_start3A_61 : memref<128x128xf32, #tpu.memory_space<vmem_shared>>) target(%arg8 : memref<128x128xf32, #tpu.memory_space<vmem>>) target_semaphore(%run_scoped3A : memref<!tpu.dma_semaphore, #tpu.memory_space<semaphore_mem>>)
      %dma_wait3A = arith.constant 0 : i32
      %dma_wait3A_62 = tpu.memref_slice %arg10[%add3A_36, %dma_wait3A] : memref<10000x128xf32, #tpu.memory_space<vmem_shared>> -> memref<128x128xf32, #tpu.memory_space<vmem_shared>>
      %dma_wait3A_63 = arith.constant 0 : i32
      %dma_wait3A_64 = tpu.memref_slice %arg10[%add3A_36, %dma_wait3A_63] : memref<10000x128xf32, #tpu.memory_space<vmem_shared>> -> memref<128x128xf32, #tpu.memory_space<vmem_shared>>
      tpu.wait_dma2 semaphore(%run_scoped3A : memref<!tpu.dma_semaphore, #tpu.memory_space<semaphore_mem>>) src(%dma_wait3A_64 : memref<128x128xf32, #tpu.memory_space<vmem_shared>>) dst(%arg8 : memref<128x128xf32, #tpu.memory_space<vmem>>)
      tpu.yield
    }) : () -> ()
    %add3A_37 = arith.addi %mul3A_34, %add3A_36 : i32
    "tpu.region"() ({
      %run_scoped3A = tpu.sem_alloc : memref<!tpu.dma_semaphore, #tpu.memory_space<semaphore_mem>>
      %dma_start3A = arith.constant 0 : i32
      %dma_start3A_59 = tpu.memref_slice %arg5[%add3A_37, %dma_start3A] : memref<20000x128xf32, #tpu.memory_space<hbm>> -> memref<128x128xf32, #tpu.memory_space<hbm>>
      %dma_start3A_60 = arith.constant 0 : i32
      %dma_start3A_61 = tpu.memref_slice %arg5[%add3A_37, %dma_start3A_60] : memref<20000x128xf32, #tpu.memory_space<hbm>> -> memref<128x128xf32, #tpu.memory_space<hbm>>
      tpu.enqueue_dma source(%arg8 : memref<128x128xf32, #tpu.memory_space<vmem>>) target(%dma_start3A_61 : memref<128x128xf32, #tpu.memory_space<hbm>>) target_semaphore(%run_scoped3A : memref<!tpu.dma_semaphore, #tpu.memory_space<semaphore_mem>>)
      %dma_wait3A = arith.constant 0 : i32
      %dma_wait3A_62 = tpu.memref_slice %arg5[%add3A_37, %dma_wait3A] : memref<20000x128xf32, #tpu.memory_space<hbm>> -> memref<128x128xf32, #tpu.memory_space<hbm>>
      %dma_wait3A_63 = arith.constant 0 : i32
      %dma_wait3A_64 = tpu.memref_slice %arg5[%add3A_37, %dma_wait3A_63] : memref<20000x128xf32, #tpu.memory_space<hbm>> -> memref<128x128xf32, #tpu.memory_space<hbm>>
      tpu.wait_dma2 semaphore(%run_scoped3A : memref<!tpu.dma_semaphore, #tpu.memory_space<semaphore_mem>>) src(%arg8 : memref<128x128xf32, #tpu.memory_space<vmem>>) dst(%dma_wait3A_64 : memref<128x128xf32, #tpu.memory_space<hbm>>)
      tpu.yield
    }) : () -> ()
    %add3A_38 = arith.constant 128 : i32
    %add3A_39 = arith.addi %mul3A_32, %add3A_38 : i32
    "tpu.region"() ({
      %run_scoped3A = tpu.sem_alloc : memref<!tpu.dma_semaphore, #tpu.memory_space<semaphore_mem>>
      %dma_start3A = arith.constant 0 : i32
      %dma_start3A_59 = tpu.memref_slice %arg10[%add3A_39, %dma_start3A] : memref<10000x128xf32, #tpu.memory_space<vmem_shared>> -> memref<128x128xf32, #tpu.memory_space<vmem_shared>>
      %dma_start3A_60 = arith.constant 0 : i32
      %dma_start3A_61 = tpu.memref_slice %arg10[%add3A_39, %dma_start3A_60] : memref<10000x128xf32, #tpu.memory_space<vmem_shared>> -> memref<128x128xf32, #tpu.memory_space<vmem_shared>>
      tpu.enqueue_dma source(%dma_start3A_61 : memref<128x128xf32, #tpu.memory_space<vmem_shared>>) target(%arg8 : memref<128x128xf32, #tpu.memory_space<vmem>>) target_semaphore(%run_scoped3A : memref<!tpu.dma_semaphore, #tpu.memory_space<semaphore_mem>>)
      %dma_wait3A = arith.constant 0 : i32
      %dma_wait3A_62 = tpu.memref_slice %arg10[%add3A_39, %dma_wait3A] : memref<10000x128xf32, #tpu.memory_space<vmem_shared>> -> memref<128x128xf32, #tpu.memory_space<vmem_shared>>
      %dma_wait3A_63 = arith.constant 0 : i32
      %dma_wait3A_64 = tpu.memref_slice %arg10[%add3A_39, %dma_wait3A_63] : memref<10000x128xf32, #tpu.memory_space<vmem_shared>> -> memref<128x128xf32, #tpu.memory_space<vmem_shared>>
      tpu.wait_dma2 semaphore(%run_scoped3A : memref<!tpu.dma_semaphore, #tpu.memory_space<semaphore_mem>>) src(%dma_wait3A_64 : memref<128x128xf32, #tpu.memory_space<vmem_shared>>) dst(%arg8 : memref<128x128xf32, #tpu.memory_space<vmem>>)
      tpu.yield
    }) : () -> ()
    %add3A_40 = arith.addi %mul3A_34, %add3A_39 : i32
    "tpu.region"() ({
      %run_scoped3A = tpu.sem_alloc : memref<!tpu.dma_semaphore, #tpu.memory_space<semaphore_mem>>
      %dma_start3A = arith.constant 0 : i32
      %dma_start3A_59 = tpu.memref_slice %arg5[%add3A_40, %dma_start3A] : memref<20000x128xf32, #tpu.memory_space<hbm>> -> memref<128x128xf32, #tpu.memory_space<hbm>>
      %dma_start3A_60 = arith.constant 0 : i32
      %dma_start3A_61 = tpu.memref_slice %arg5[%add3A_40, %dma_start3A_60] : memref<20000x128xf32, #tpu.memory_space<hbm>> -> memref<128x128xf32, #tpu.memory_space<hbm>>
      tpu.enqueue_dma source(%arg8 : memref<128x128xf32, #tpu.memory_space<vmem>>) target(%dma_start3A_61 : memref<128x128xf32, #tpu.memory_space<hbm>>) target_semaphore(%run_scoped3A : memref<!tpu.dma_semaphore, #tpu.memory_space<semaphore_mem>>)
      %dma_wait3A = arith.constant 0 : i32
      %dma_wait3A_62 = tpu.memref_slice %arg5[%add3A_40, %dma_wait3A] : memref<20000x128xf32, #tpu.memory_space<hbm>> -> memref<128x128xf32, #tpu.memory_space<hbm>>
      %dma_wait3A_63 = arith.constant 0 : i32
      %dma_wait3A_64 = tpu.memref_slice %arg5[%add3A_40, %dma_wait3A_63] : memref<20000x128xf32, #tpu.memory_space<hbm>> -> memref<128x128xf32, #tpu.memory_space<hbm>>
      tpu.wait_dma2 semaphore(%run_scoped3A : memref<!tpu.dma_semaphore, #tpu.memory_space<semaphore_mem>>) src(%arg8 : memref<128x128xf32, #tpu.memory_space<vmem>>) dst(%dma_wait3A_64 : memref<128x128xf32, #tpu.memory_space<hbm>>)
      tpu.yield
    }) : () -> ()
    %add3A_41 = arith.constant 256 : i32
    %add3A_42 = arith.addi %mul3A_32, %add3A_41 : i32
    "tpu.region"() ({
      %run_scoped3A = tpu.sem_alloc : memref<!tpu.dma_semaphore, #tpu.memory_space<semaphore_mem>>
      %dma_start3A = arith.constant 0 : i32
      %dma_start3A_59 = tpu.memref_slice %arg10[%add3A_42, %dma_start3A] : memref<10000x128xf32, #tpu.memory_space<vmem_shared>> -> memref<128x128xf32, #tpu.memory_space<vmem_shared>>
      %dma_start3A_60 = arith.constant 0 : i32
      %dma_start3A_61 = tpu.memref_slice %arg10[%add3A_42, %dma_start3A_60] : memref<10000x128xf32, #tpu.memory_space<vmem_shared>> -> memref<128x128xf32, #tpu.memory_space<vmem_shared>>
      tpu.enqueue_dma source(%dma_start3A_61 : memref<128x128xf32, #tpu.memory_space<vmem_shared>>) target(%arg8 : memref<128x128xf32, #tpu.memory_space<vmem>>) target_semaphore(%run_scoped3A : memref<!tpu.dma_semaphore, #tpu.memory_space<semaphore_mem>>)
      %dma_wait3A = arith.constant 0 : i32
      %dma_wait3A_62 = tpu.memref_slice %arg10[%add3A_42, %dma_wait3A] : memref<10000x128xf32, #tpu.memory_space<vmem_shared>> -> memref<128x128xf32, #tpu.memory_space<vmem_shared>>
      %dma_wait3A_63 = arith.constant 0 : i32
      %dma_wait3A_64 = tpu.memref_slice %arg10[%add3A_42, %dma_wait3A_63] : memref<10000x128xf32, #tpu.memory_space<vmem_shared>> -> memref<128x128xf32, #tpu.memory_space<vmem_shared>>
      tpu.wait_dma2 semaphore(%run_scoped3A : memref<!tpu.dma_semaphore, #tpu.memory_space<semaphore_mem>>) src(%dma_wait3A_64 : memref<128x128xf32, #tpu.memory_space<vmem_shared>>) dst(%arg8 : memref<128x128xf32, #tpu.memory_space<vmem>>)
      tpu.yield
    }) : () -> ()
    %add3A_43 = arith.addi %mul3A_34, %add3A_42 : i32
    "tpu.region"() ({
      %run_scoped3A = tpu.sem_alloc : memref<!tpu.dma_semaphore, #tpu.memory_space<semaphore_mem>>
      %dma_start3A = arith.constant 0 : i32
      %dma_start3A_59 = tpu.memref_slice %arg5[%add3A_43, %dma_start3A] : memref<20000x128xf32, #tpu.memory_space<hbm>> -> memref<128x128xf32, #tpu.memory_space<hbm>>
      %dma_start3A_60 = arith.constant 0 : i32
      %dma_start3A_61 = tpu.memref_slice %arg5[%add3A_43, %dma_start3A_60] : memref<20000x128xf32, #tpu.memory_space<hbm>> -> memref<128x128xf32, #tpu.memory_space<hbm>>
      tpu.enqueue_dma source(%arg8 : memref<128x128xf32, #tpu.memory_space<vmem>>) target(%dma_start3A_61 : memref<128x128xf32, #tpu.memory_space<hbm>>) target_semaphore(%run_scoped3A : memref<!tpu.dma_semaphore, #tpu.memory_space<semaphore_mem>>)
      %dma_wait3A = arith.constant 0 : i32
      %dma_wait3A_62 = tpu.memref_slice %arg5[%add3A_43, %dma_wait3A] : memref<20000x128xf32, #tpu.memory_space<hbm>> -> memref<128x128xf32, #tpu.memory_space<hbm>>
      %dma_wait3A_63 = arith.constant 0 : i32
      %dma_wait3A_64 = tpu.memref_slice %arg5[%add3A_43, %dma_wait3A_63] : memref<20000x128xf32, #tpu.memory_space<hbm>> -> memref<128x128xf32, #tpu.memory_space<hbm>>
      tpu.wait_dma2 semaphore(%run_scoped3A : memref<!tpu.dma_semaphore, #tpu.memory_space<semaphore_mem>>) src(%arg8 : memref<128x128xf32, #tpu.memory_space<vmem>>) dst(%dma_wait3A_64 : memref<128x128xf32, #tpu.memory_space<hbm>>)
      tpu.yield
    }) : () -> ()
    %add3A_44 = arith.constant 384 : i32
    %add3A_45 = arith.addi %mul3A_32, %add3A_44 : i32
    "tpu.region"() ({
      %run_scoped3A = tpu.sem_alloc : memref<!tpu.dma_semaphore, #tpu.memory_space<semaphore_mem>>
      %dma_start3A = arith.constant 0 : i32
      %dma_start3A_59 = tpu.memref_slice %arg10[%add3A_45, %dma_start3A] : memref<10000x128xf32, #tpu.memory_space<vmem_shared>> -> memref<128x128xf32, #tpu.memory_space<vmem_shared>>
      %dma_start3A_60 = arith.constant 0 : i32
      %dma_start3A_61 = tpu.memref_slice %arg10[%add3A_45, %dma_start3A_60] : memref<10000x128xf32, #tpu.memory_space<vmem_shared>> -> memref<128x128xf32, #tpu.memory_space<vmem_shared>>
      tpu.enqueue_dma source(%dma_start3A_61 : memref<128x128xf32, #tpu.memory_space<vmem_shared>>) target(%arg8 : memref<128x128xf32, #tpu.memory_space<vmem>>) target_semaphore(%run_scoped3A : memref<!tpu.dma_semaphore, #tpu.memory_space<semaphore_mem>>)
      %dma_wait3A = arith.constant 0 : i32
      %dma_wait3A_62 = tpu.memref_slice %arg10[%add3A_45, %dma_wait3A] : memref<10000x128xf32, #tpu.memory_space<vmem_shared>> -> memref<128x128xf32, #tpu.memory_space<vmem_shared>>
      %dma_wait3A_63 = arith.constant 0 : i32
      %dma_wait3A_64 = tpu.memref_slice %arg10[%add3A_45, %dma_wait3A_63] : memref<10000x128xf32, #tpu.memory_space<vmem_shared>> -> memref<128x128xf32, #tpu.memory_space<vmem_shared>>
      tpu.wait_dma2 semaphore(%run_scoped3A : memref<!tpu.dma_semaphore, #tpu.memory_space<semaphore_mem>>) src(%dma_wait3A_64 : memref<128x128xf32, #tpu.memory_space<vmem_shared>>) dst(%arg8 : memref<128x128xf32, #tpu.memory_space<vmem>>)
      tpu.yield
    }) : () -> ()
    %add3A_46 = arith.addi %mul3A_34, %add3A_45 : i32
    "tpu.region"() ({
      %run_scoped3A = tpu.sem_alloc : memref<!tpu.dma_semaphore, #tpu.memory_space<semaphore_mem>>
      %dma_start3A = arith.constant 0 : i32
      %dma_start3A_59 = tpu.memref_slice %arg5[%add3A_46, %dma_start3A] : memref<20000x128xf32, #tpu.memory_space<hbm>> -> memref<128x128xf32, #tpu.memory_space<hbm>>
      %dma_start3A_60 = arith.constant 0 : i32
      %dma_start3A_61 = tpu.memref_slice %arg5[%add3A_46, %dma_start3A_60] : memref<20000x128xf32, #tpu.memory_space<hbm>> -> memref<128x128xf32, #tpu.memory_space<hbm>>
      tpu.enqueue_dma source(%arg8 : memref<128x128xf32, #tpu.memory_space<vmem>>) target(%dma_start3A_61 : memref<128x128xf32, #tpu.memory_space<hbm>>) target_semaphore(%run_scoped3A : memref<!tpu.dma_semaphore, #tpu.memory_space<semaphore_mem>>)
      %dma_wait3A = arith.constant 0 : i32
      %dma_wait3A_62 = tpu.memref_slice %arg5[%add3A_46, %dma_wait3A] : memref<20000x128xf32, #tpu.memory_space<hbm>> -> memref<128x128xf32, #tpu.memory_space<hbm>>
      %dma_wait3A_63 = arith.constant 0 : i32
      %dma_wait3A_64 = tpu.memref_slice %arg5[%add3A_46, %dma_wait3A_63] : memref<20000x128xf32, #tpu.memory_space<hbm>> -> memref<128x128xf32, #tpu.memory_space<hbm>>
      tpu.wait_dma2 semaphore(%run_scoped3A : memref<!tpu.dma_semaphore, #tpu.memory_space<semaphore_mem>>) src(%arg8 : memref<128x128xf32, #tpu.memory_space<vmem>>) dst(%dma_wait3A_64 : memref<128x128xf32, #tpu.memory_space<hbm>>)
      tpu.yield
    }) : () -> ()
    %add3A_47 = arith.constant 512 : i32
    %add3A_48 = arith.addi %mul3A_32, %add3A_47 : i32
    %lt3A_49 = arith.constant 15 : i32
    %lt3A_50 = arith.cmpi slt, %arg1, %lt3A_49 : i32
    %convert_element_type3A_51 = arith.extui %lt3A_50 : i1 to i32
    %cond3A_52 = arith.constant 0 : i32
    %cond3A_53 = arith.cmpi ne, %convert_element_type3A_51, %cond3A_52 : i32
    scf.if %cond3A_53 {
      "tpu.region"() ({
        %run_scoped3A = tpu.sem_alloc : memref<!tpu.dma_semaphore, #tpu.memory_space<semaphore_mem>>
        %dma_start3A = arith.constant 0 : i32
        %dma_start3A_60 = arith.constant 0 : i32
        %dma_start3A_61 = tpu.memref_slice %arg8[%dma_start3A, %dma_start3A_60] : memref<128x128xf32, #tpu.memory_space<vmem>> -> memref<120x128xf32, #tpu.memory_space<vmem>>
        %dma_start3A_62 = arith.constant 0 : i32
        %dma_start3A_63 = tpu.memref_slice %arg10[%add3A_48, %dma_start3A_62] : memref<10000x128xf32, #tpu.memory_space<vmem_shared>> -> memref<120x128xf32, #tpu.memory_space<vmem_shared>>
        %dma_start3A_64 = arith.constant 0 : i32
        %dma_start3A_65 = arith.constant 0 : i32
        %dma_start3A_66 = tpu.memref_slice %arg8[%dma_start3A_64, %dma_start3A_65] : memref<128x128xf32, #tpu.memory_space<vmem>> -> memref<120x128xf32, #tpu.memory_space<vmem>>
        %dma_start3A_67 = arith.constant 0 : i32
        %dma_start3A_68 = tpu.memref_slice %arg10[%add3A_48, %dma_start3A_67] : memref<10000x128xf32, #tpu.memory_space<vmem_shared>> -> memref<120x128xf32, #tpu.memory_space<vmem_shared>>
        tpu.enqueue_dma source(%dma_start3A_68 : memref<120x128xf32, #tpu.memory_space<vmem_shared>>) target(%dma_start3A_66 : memref<120x128xf32, #tpu.memory_space<vmem>>) target_semaphore(%run_scoped3A : memref<!tpu.dma_semaphore, #tpu.memory_space<semaphore_mem>>)
        %dma_wait3A = arith.constant 0 : i32
        %dma_wait3A_69 = arith.constant 0 : i32
        %dma_wait3A_70 = tpu.memref_slice %arg8[%dma_wait3A, %dma_wait3A_69] : memref<128x128xf32, #tpu.memory_space<vmem>> -> memref<120x128xf32, #tpu.memory_space<vmem>>
        %dma_wait3A_71 = arith.constant 0 : i32
        %dma_wait3A_72 = tpu.memref_slice %arg10[%add3A_48, %dma_wait3A_71] : memref<10000x128xf32, #tpu.memory_space<vmem_shared>> -> memref<120x128xf32, #tpu.memory_space<vmem_shared>>
        %dma_wait3A_73 = arith.constant 0 : i32
        %dma_wait3A_74 = arith.constant 0 : i32
        %dma_wait3A_75 = tpu.memref_slice %arg8[%dma_wait3A_73, %dma_wait3A_74] : memref<128x128xf32, #tpu.memory_space<vmem>> -> memref<120x128xf32, #tpu.memory_space<vmem>>
        %dma_wait3A_76 = arith.constant 0 : i32
        %dma_wait3A_77 = tpu.memref_slice %arg10[%add3A_48, %dma_wait3A_76] : memref<10000x128xf32, #tpu.memory_space<vmem_shared>> -> memref<120x128xf32, #tpu.memory_space<vmem_shared>>
        tpu.wait_dma2 semaphore(%run_scoped3A : memref<!tpu.dma_semaphore, #tpu.memory_space<semaphore_mem>>) src(%dma_wait3A_77 : memref<120x128xf32, #tpu.memory_space<vmem_shared>>) dst(%dma_wait3A_75 : memref<120x128xf32, #tpu.memory_space<vmem>>)
        tpu.yield
      }) : () -> ()
      %add3A_59 = arith.addi %mul3A_34, %add3A_48 : i32
      "tpu.region"() ({
        %run_scoped3A = tpu.sem_alloc : memref<!tpu.dma_semaphore, #tpu.memory_space<semaphore_mem>>
        %dma_start3A = arith.constant 0 : i32
        %dma_start3A_60 = arith.constant 0 : i32
        %dma_start3A_61 = tpu.memref_slice %arg8[%dma_start3A, %dma_start3A_60] : memref<128x128xf32, #tpu.memory_space<vmem>> -> memref<120x128xf32, #tpu.memory_space<vmem>>
        %dma_start3A_62 = arith.constant 0 : i32
        %dma_start3A_63 = tpu.memref_slice %arg5[%add3A_59, %dma_start3A_62] : memref<20000x128xf32, #tpu.memory_space<hbm>> -> memref<120x128xf32, #tpu.memory_space<hbm>>
        %dma_start3A_64 = arith.constant 0 : i32
        %dma_start3A_65 = tpu.memref_slice %arg5[%add3A_59, %dma_start3A_64] : memref<20000x128xf32, #tpu.memory_space<hbm>> -> memref<120x128xf32, #tpu.memory_space<hbm>>
        %dma_start3A_66 = arith.constant 0 : i32
        %dma_start3A_67 = arith.constant 0 : i32
        %dma_start3A_68 = tpu.memref_slice %arg8[%dma_start3A_66, %dma_start3A_67] : memref<128x128xf32, #tpu.memory_space<vmem>> -> memref<120x128xf32, #tpu.memory_space<vmem>>
        tpu.enqueue_dma source(%dma_start3A_68 : memref<120x128xf32, #tpu.memory_space<vmem>>) target(%dma_start3A_65 : memref<120x128xf32, #tpu.memory_space<hbm>>) target_semaphore(%run_scoped3A : memref<!tpu.dma_semaphore, #tpu.memory_space<semaphore_mem>>)
        %dma_wait3A = arith.constant 0 : i32
        %dma_wait3A_69 = arith.constant 0 : i32
        %dma_wait3A_70 = tpu.memref_slice %arg8[%dma_wait3A, %dma_wait3A_69] : memref<128x128xf32, #tpu.memory_space<vmem>> -> memref<120x128xf32, #tpu.memory_space<vmem>>
        %dma_wait3A_71 = arith.constant 0 : i32
        %dma_wait3A_72 = tpu.memref_slice %arg5[%add3A_59, %dma_wait3A_71] : memref<20000x128xf32, #tpu.memory_space<hbm>> -> memref<120x128xf32, #tpu.memory_space<hbm>>
        %dma_wait3A_73 = arith.constant 0 : i32
        %dma_wait3A_74 = tpu.memref_slice %arg5[%add3A_59, %dma_wait3A_73] : memref<20000x128xf32, #tpu.memory_space<hbm>> -> memref<120x128xf32, #tpu.memory_space<hbm>>
        %dma_wait3A_75 = arith.constant 0 : i32
        %dma_wait3A_76 = arith.constant 0 : i32
        %dma_wait3A_77 = tpu.memref_slice %arg8[%dma_wait3A_75, %dma_wait3A_76] : memref<128x128xf32, #tpu.memory_space<vmem>> -> memref<120x128xf32, #tpu.memory_space<vmem>>
        tpu.wait_dma2 semaphore(%run_scoped3A : memref<!tpu.dma_semaphore, #tpu.memory_space<semaphore_mem>>) src(%dma_wait3A_77 : memref<120x128xf32, #tpu.memory_space<vmem>>) dst(%dma_wait3A_74 : memref<120x128xf32, #tpu.memory_space<hbm>>)
        tpu.yield
      }) : () -> ()
    } else {
    }
    %eq3A_54 = arith.constant 15 : i32
    %eq3A_55 = arith.cmpi eq, %arg1, %eq3A_54 : i32
    %convert_element_type3A_56 = arith.extui %eq3A_55 : i1 to i32
    %cond3A_57 = arith.constant 0 : i32
    %cond3A_58 = arith.cmpi ne, %convert_element_type3A_56, %cond3A_57 : i32
    scf.if %cond3A_58 {
      "tpu.region"() ({
        %run_scoped3A = tpu.sem_alloc : memref<!tpu.dma_semaphore, #tpu.memory_space<semaphore_mem>>
        %dma_start3A = arith.constant 0 : i32
        %dma_start3A_60 = arith.constant 0 : i32
        %dma_start3A_61 = tpu.memref_slice %arg8[%dma_start3A, %dma_start3A_60] : memref<128x128xf32, #tpu.memory_space<vmem>> -> memref<8x128xf32, #tpu.memory_space<vmem>>
        %dma_start3A_62 = arith.constant 0 : i32
        %dma_start3A_63 = tpu.memref_slice %arg10[%add3A_48, %dma_start3A_62] : memref<10000x128xf32, #tpu.memory_space<vmem_shared>> -> memref<8x128xf32, #tpu.memory_space<vmem_shared>>
        %dma_start3A_64 = arith.constant 0 : i32
        %dma_start3A_65 = arith.constant 0 : i32
        %dma_start3A_66 = tpu.memref_slice %arg8[%dma_start3A_64, %dma_start3A_65] : memref<128x128xf32, #tpu.memory_space<vmem>> -> memref<8x128xf32, #tpu.memory_space<vmem>>
        %dma_start3A_67 = arith.constant 0 : i32
        %dma_start3A_68 = tpu.memref_slice %arg10[%add3A_48, %dma_start3A_67] : memref<10000x128xf32, #tpu.memory_space<vmem_shared>> -> memref<8x128xf32, #tpu.memory_space<vmem_shared>>
        tpu.enqueue_dma source(%dma_start3A_68 : memref<8x128xf32, #tpu.memory_space<vmem_shared>>) target(%dma_start3A_66 : memref<8x128xf32, #tpu.memory_space<vmem>>) target_semaphore(%run_scoped3A : memref<!tpu.dma_semaphore, #tpu.memory_space<semaphore_mem>>)
        %dma_wait3A = arith.constant 0 : i32
        %dma_wait3A_69 = arith.constant 0 : i32
        %dma_wait3A_70 = tpu.memref_slice %arg8[%dma_wait3A, %dma_wait3A_69] : memref<128x128xf32, #tpu.memory_space<vmem>> -> memref<8x128xf32, #tpu.memory_space<vmem>>
        %dma_wait3A_71 = arith.constant 0 : i32
        %dma_wait3A_72 = tpu.memref_slice %arg10[%add3A_48, %dma_wait3A_71] : memref<10000x128xf32, #tpu.memory_space<vmem_shared>> -> memref<8x128xf32, #tpu.memory_space<vmem_shared>>
        %dma_wait3A_73 = arith.constant 0 : i32
        %dma_wait3A_74 = arith.constant 0 : i32
        %dma_wait3A_75 = tpu.memref_slice %arg8[%dma_wait3A_73, %dma_wait3A_74] : memref<128x128xf32, #tpu.memory_space<vmem>> -> memref<8x128xf32, #tpu.memory_space<vmem>>
        %dma_wait3A_76 = arith.constant 0 : i32
        %dma_wait3A_77 = tpu.memref_slice %arg10[%add3A_48, %dma_wait3A_76] : memref<10000x128xf32, #tpu.memory_space<vmem_shared>> -> memref<8x128xf32, #tpu.memory_space<vmem_shared>>
        tpu.wait_dma2 semaphore(%run_scoped3A : memref<!tpu.dma_semaphore, #tpu.memory_space<semaphore_mem>>) src(%dma_wait3A_77 : memref<8x128xf32, #tpu.memory_space<vmem_shared>>) dst(%dma_wait3A_75 : memref<8x128xf32, #tpu.memory_space<vmem>>)
        tpu.yield
      }) : () -> ()
      %add3A_59 = arith.addi %mul3A_34, %add3A_48 : i32
      "tpu.region"() ({
        %run_scoped3A = tpu.sem_alloc : memref<!tpu.dma_semaphore, #tpu.memory_space<semaphore_mem>>
        %dma_start3A = arith.constant 0 : i32
        %dma_start3A_60 = arith.constant 0 : i32
        %dma_start3A_61 = tpu.memref_slice %arg8[%dma_start3A, %dma_start3A_60] : memref<128x128xf32, #tpu.memory_space<vmem>> -> memref<8x128xf32, #tpu.memory_space<vmem>>
        %dma_start3A_62 = arith.constant 0 : i32
        %dma_start3A_63 = tpu.memref_slice %arg5[%add3A_59, %dma_start3A_62] : memref<20000x128xf32, #tpu.memory_space<hbm>> -> memref<8x128xf32, #tpu.memory_space<hbm>>
        %dma_start3A_64 = arith.constant 0 : i32
        %dma_start3A_65 = tpu.memref_slice %arg5[%add3A_59, %dma_start3A_64] : memref<20000x128xf32, #tpu.memory_space<hbm>> -> memref<8x128xf32, #tpu.memory_space<hbm>>
        %dma_start3A_66 = arith.constant 0 : i32
        %dma_start3A_67 = arith.constant 0 : i32
        %dma_start3A_68 = tpu.memref_slice %arg8[%dma_start3A_66, %dma_start3A_67] : memref<128x128xf32, #tpu.memory_space<vmem>> -> memref<8x128xf32, #tpu.memory_space<vmem>>
        tpu.enqueue_dma source(%dma_start3A_68 : memref<8x128xf32, #tpu.memory_space<vmem>>) target(%dma_start3A_65 : memref<8x128xf32, #tpu.memory_space<hbm>>) target_semaphore(%run_scoped3A : memref<!tpu.dma_semaphore, #tpu.memory_space<semaphore_mem>>)
        %dma_wait3A = arith.constant 0 : i32
        %dma_wait3A_69 = arith.constant 0 : i32
        %dma_wait3A_70 = tpu.memref_slice %arg8[%dma_wait3A, %dma_wait3A_69] : memref<128x128xf32, #tpu.memory_space<vmem>> -> memref<8x128xf32, #tpu.memory_space<vmem>>
        %dma_wait3A_71 = arith.constant 0 : i32
        %dma_wait3A_72 = tpu.memref_slice %arg5[%add3A_59, %dma_wait3A_71] : memref<20000x128xf32, #tpu.memory_space<hbm>> -> memref<8x128xf32, #tpu.memory_space<hbm>>
        %dma_wait3A_73 = arith.constant 0 : i32
        %dma_wait3A_74 = tpu.memref_slice %arg5[%add3A_59, %dma_wait3A_73] : memref<20000x128xf32, #tpu.memory_space<hbm>> -> memref<8x128xf32, #tpu.memory_space<hbm>>
        %dma_wait3A_75 = arith.constant 0 : i32
        %dma_wait3A_76 = arith.constant 0 : i32
        %dma_wait3A_77 = tpu.memref_slice %arg8[%dma_wait3A_75, %dma_wait3A_76] : memref<128x128xf32, #tpu.memory_space<vmem>> -> memref<8x128xf32, #tpu.memory_space<vmem>>
        tpu.wait_dma2 semaphore(%run_scoped3A : memref<!tpu.dma_semaphore, #tpu.memory_space<semaphore_mem>>) src(%dma_wait3A_77 : memref<8x128xf32, #tpu.memory_space<vmem>>) dst(%dma_wait3A_74 : memref<8x128xf32, #tpu.memory_space<hbm>>)
        tpu.yield
      }) : () -> ()
    } else {
    }
    return
  }
}

module attributes {stable_mosaic.version = 14 : i64} {
  func.func @_tc_body(%arg0: i32, %arg1: memref<2000x128xf32, #tpu.memory_space<vmem>>, %arg2: memref<2x2000x128xf32, #tpu.memory_space<vmem>>, %arg3: memref<2x2000x128xf32, #tpu.memory_space<vmem>>, %arg4: memref<128x128xf32, #tpu.memory_space<vmem>>, %arg5: memref<1x128xf32, #tpu.memory_space<vmem>>, %arg6: memref<128x128xf32, #tpu.memory_space<vmem>>, %arg7: memref<1x128xf32, #tpu.memory_space<vmem>>, %arg8: memref<1x128xf32, #tpu.memory_space<vmem>>, %arg9: memref<1x128xf32, #tpu.memory_space<vmem>>, %arg10: memref<2000x128xf32, #tpu.memory_space<vmem>>) attributes {dimension_semantics = [#tpu.dimension_semantics<arbitrary>], iteration_bounds = array<i64: 5>, scalar_prefetch = 0 : i64, scratch_operands = 0 : i64, tpu.core_type = #tpu.core_type<tc>, window_params = [{transform_indices = @transform_0, window_bounds = array<i64: 2000, 128>}, {transform_indices = @transform_1, window_bounds = array<i64: 2, 2000, 128>}, {transform_indices = @transform_2, window_bounds = array<i64: 2, 2000, 128>}, {pipeline_mode = #tpu.pipeline_mode<synchronous>, transform_indices = @transform_3, window_bounds = array<i64: 128, 128>}, {pipeline_mode = #tpu.pipeline_mode<synchronous>, transform_indices = @transform_4, window_bounds = array<i64: 1, 128>}, {pipeline_mode = #tpu.pipeline_mode<synchronous>, transform_indices = @transform_5, window_bounds = array<i64: 128, 128>}, {pipeline_mode = #tpu.pipeline_mode<synchronous>, transform_indices = @transform_6, window_bounds = array<i64: 1, 128>}, {pipeline_mode = #tpu.pipeline_mode<synchronous>, transform_indices = @transform_7, window_bounds = array<i64: 1, 128>}, {pipeline_mode = #tpu.pipeline_mode<synchronous>, transform_indices = @transform_8, window_bounds = array<i64: 1, 128>}, {transform_indices = @transform_9, window_bounds = array<i64: 2000, 128>}]} {
    %get3A = arith.constant 0 : index
    %get3A_0 = arith.constant 0 : index
    %get3A_1 = vector.load %arg1[%get3A, %get3A_0] : memref<2000x128xf32, #tpu.memory_space<vmem>>, vector<2000x128xf32>
    %get3A_2 = arith.constant 0 : index
    %get3A_3 = arith.constant 0 : index
    %get3A_4 = arith.constant 0 : index
    %get3A_5 = vector.load %arg2[%get3A_2, %get3A_3, %get3A_4] : memref<2x2000x128xf32, #tpu.memory_space<vmem>>, vector<1x2000x128xf32>
    %get3A_6 = vector.shape_cast %get3A_5 : vector<1x2000x128xf32> to vector<2000x128xf32>
    %get3A_7 = arith.constant 1 : index
    %get3A_8 = arith.constant 0 : index
    %get3A_9 = arith.constant 0 : index
    %get3A_10 = vector.load %arg2[%get3A_7, %get3A_8, %get3A_9] : memref<2x2000x128xf32, #tpu.memory_space<vmem>>, vector<1x2000x128xf32>
    %get3A_11 = vector.shape_cast %get3A_10 : vector<1x2000x128xf32> to vector<2000x128xf32>
    %add3A = arith.addf %get3A_6, %get3A_11 : vector<2000x128xf32>
    %get3A_12 = arith.constant 0 : index
    %get3A_13 = arith.constant 0 : index
    %get3A_14 = arith.constant 0 : index
    %get3A_15 = vector.load %arg3[%get3A_12, %get3A_13, %get3A_14] : memref<2x2000x128xf32, #tpu.memory_space<vmem>>, vector<1x2000x1xf32>
    %get3A_16 = vector.shape_cast %get3A_15 : vector<1x2000x1xf32> to vector<2000x1xf32>
    %get3A_17 = arith.constant 1 : index
    %get3A_18 = arith.constant 0 : index
    %get3A_19 = arith.constant 0 : index
    %get3A_20 = vector.load %arg3[%get3A_17, %get3A_18, %get3A_19] : memref<2x2000x128xf32, #tpu.memory_space<vmem>>, vector<1x2000x1xf32>
    %get3A_21 = vector.shape_cast %get3A_20 : vector<1x2000x1xf32> to vector<2000x1xf32>
    %add3A_22 = arith.addf %get3A_16, %get3A_21 : vector<2000x1xf32>
    %iota3A = tpu.iota {dimensions = array<i32: 0>} : vector<2000x1xi32>
    %eq3A = arith.constant 0 : i32
    %eq3A_23 = vector.broadcast %eq3A : i32 to vector<2000x1xi32>
    %eq3A_24 = arith.cmpi eq, %iota3A, %eq3A_23 : vector<2000x1xi32>
    %convert_element_type3A = arith.extui %eq3A_24 : vector<2000x1xi1> to vector<2000x1xi32>
    %convert_element_type3A_25 = arith.sitofp %convert_element_type3A : vector<2000x1xi32> to vector<2000x1xf32>
    %eq3A_26 = arith.constant 0 : i32
    %eq3A_27 = arith.cmpi eq, %arg0, %eq3A_26 : i32
    %convert_element_type3A_28 = arith.extui %eq3A_27 : i1 to i32
    %convert_element_type3A_29 = arith.sitofp %convert_element_type3A_28 : i32 to f32
    %mul3A = vector.broadcast %convert_element_type3A_29 : f32 to vector<2000x1xf32>
    %mul3A_30 = arith.mulf %convert_element_type3A_25, %mul3A : vector<2000x1xf32>
    %slice3A = vector.extract_strided_slice %get3A_1 {offsets = [0, 0], sizes = [1, 128], strides = [1, 1]} : vector<2000x128xf32> to vector<1x128xf32>
    %mul3A_31 = arith.constant 7.680000e+03 : f32
    %mul3A_32 = vector.broadcast %mul3A_31 : f32 to vector<1x128xf32>
    %mul3A_33 = arith.mulf %mul3A_32, %slice3A : vector<1x128xf32>
    %mul3A_34 = vector.broadcast %mul3A_30 : vector<2000x1xf32> to vector<2000x128xf32>
    %mul3A_35 = vector.broadcast %mul3A_33 : vector<1x128xf32> to vector<2000x128xf32>
    %mul3A_36 = arith.mulf %mul3A_34, %mul3A_35 : vector<2000x128xf32>
    %sub3A = arith.subf %add3A, %mul3A_36 : vector<2000x128xf32>
    %mul3A_37 = arith.constant 7.680000e+03 : f32
    %mul3A_38 = vector.broadcast %mul3A_37 : f32 to vector<2000x1xf32>
    %mul3A_39 = arith.mulf %mul3A_30, %mul3A_38 : vector<2000x1xf32>
    %sub3A_40 = arith.subf %add3A_22, %mul3A_39 : vector<2000x1xf32>
    %get3A_41 = arith.constant 0 : index
    %get3A_42 = arith.constant 0 : index
    %get3A_43 = vector.load %arg4[%get3A_41, %get3A_42] : memref<128x128xf32, #tpu.memory_space<vmem>>, vector<128x128xf32>
    %dot_general3A = arith.constant dense<0.000000e+00> : vector<2000x128xf32>
    %dot_general3A_44 = tpu.matmul %sub3A, %get3A_43, %dot_general3A {dimension_numbers = #tpu.dot_dimension_numbers<[1], [1], [0], [0], [0, 0, 1, 0], [], []>, precision = #tpu.contract_precision<fp32>, transpose_lhs_hint = false} : vector<2000x128xf32>, vector<128x128xf32>, vector<2000x128xf32> -> vector<2000x128xf32>
    %get3A_45 = arith.constant 0 : index
    %get3A_46 = arith.constant 0 : index
    %get3A_47 = vector.load %arg5[%get3A_45, %get3A_46] : memref<1x128xf32, #tpu.memory_space<vmem>>, vector<1x128xf32>
    %mul3A_48 = vector.broadcast %sub3A_40 : vector<2000x1xf32> to vector<2000x128xf32>
    %mul3A_49 = vector.broadcast %get3A_47 : vector<1x128xf32> to vector<2000x128xf32>
    %mul3A_50 = arith.mulf %mul3A_48, %mul3A_49 : vector<2000x128xf32>
    %add3A_51 = arith.addf %dot_general3A_44, %mul3A_50 : vector<2000x128xf32>
    %max3A = arith.constant 1.000000e+00 : f32
    %max3A_52 = vector.broadcast %max3A : f32 to vector<2000x1xf32>
    %max3A_53 = arith.maximumf %sub3A_40, %max3A_52 : vector<2000x1xf32>
    %div3A = vector.broadcast %max3A_53 : vector<2000x1xf32> to vector<2000x128xf32>
    %div3A_54 = arith.divf %add3A_51, %div3A : vector<2000x128xf32>
    %get3A_55 = arith.constant 0 : index
    %get3A_56 = arith.constant 0 : index
    %get3A_57 = vector.load %arg6[%get3A_55, %get3A_56] : memref<128x128xf32, #tpu.memory_space<vmem>>, vector<128x128xf32>
    %dot_general3A_58 = arith.constant dense<0.000000e+00> : vector<2000x128xf32>
    %dot_general3A_59 = tpu.matmul %get3A_1, %get3A_57, %dot_general3A_58 {dimension_numbers = #tpu.dot_dimension_numbers<[1], [1], [0], [0], [0, 0, 1, 0], [], []>, precision = #tpu.contract_precision<fp32>, transpose_lhs_hint = false} : vector<2000x128xf32>, vector<128x128xf32>, vector<2000x128xf32> -> vector<2000x128xf32>
    %get3A_60 = arith.constant 0 : index
    %get3A_61 = arith.constant 0 : index
    %get3A_62 = vector.load %arg7[%get3A_60, %get3A_61] : memref<1x128xf32, #tpu.memory_space<vmem>>, vector<1x128xf32>
    %add3A_63 = vector.broadcast %get3A_62 : vector<1x128xf32> to vector<2000x128xf32>
    %add3A_64 = arith.addf %dot_general3A_59, %add3A_63 : vector<2000x128xf32>
    %add3A_65 = arith.addf %add3A_64, %div3A_54 : vector<2000x128xf32>
    %mul3A_66 = arith.constant 5.000000e-01 : f32
    %mul3A_67 = vector.broadcast %mul3A_66 : f32 to vector<2000x128xf32>
    %mul3A_68 = arith.mulf %mul3A_67, %add3A_65 : vector<2000x128xf32>
    %mul3A_69 = arith.constant 0.707106769 : f32
    %mul3A_70 = vector.broadcast %mul3A_69 : f32 to vector<2000x128xf32>
    %mul3A_71 = arith.mulf %add3A_65, %mul3A_70 : vector<2000x128xf32>
    %erf3A = math.erf %mul3A_71 : vector<2000x128xf32>
    %add3A_72 = arith.constant 1.000000e+00 : f32
    %add3A_73 = vector.broadcast %add3A_72 : f32 to vector<2000x128xf32>
    %add3A_74 = arith.addf %add3A_73, %erf3A : vector<2000x128xf32>
    %mul3A_75 = arith.mulf %mul3A_68, %add3A_74 : vector<2000x128xf32>
    %add3A_76 = arith.addf %get3A_1, %mul3A_75 : vector<2000x128xf32>
    %reduce_sum3A = arith.constant dense<0.000000e+00> : vector<2000xf32>
    %reduce_sum3A_77 = vector.multi_reduction <add>, %add3A_76, %reduce_sum3A [1] : vector<2000x128xf32> to vector<2000xf32>
    %broadcast_in_dim3A = vector.shape_cast %reduce_sum3A_77 : vector<2000xf32> to vector<2000x1xf32>
    %div3A_78 = arith.constant 1.280000e+02 : f32
    %div3A_79 = vector.broadcast %div3A_78 : f32 to vector<2000x1xf32>
    %div3A_80 = arith.divf %broadcast_in_dim3A, %div3A_79 : vector<2000x1xf32>
    %sub3A_81 = vector.broadcast %div3A_80 : vector<2000x1xf32> to vector<2000x128xf32>
    %sub3A_82 = arith.subf %add3A_76, %sub3A_81 : vector<2000x128xf32>
    %mul3A_83 = arith.mulf %sub3A_82, %sub3A_82 : vector<2000x128xf32>
    %reduce_sum3A_84 = arith.constant dense<0.000000e+00> : vector<2000xf32>
    %reduce_sum3A_85 = vector.multi_reduction <add>, %mul3A_83, %reduce_sum3A_84 [1] : vector<2000x128xf32> to vector<2000xf32>
    %broadcast_in_dim3A_86 = vector.shape_cast %reduce_sum3A_85 : vector<2000xf32> to vector<2000x1xf32>
    %div3A_87 = arith.constant 1.280000e+02 : f32
    %div3A_88 = vector.broadcast %div3A_87 : f32 to vector<2000x1xf32>
    %div3A_89 = arith.divf %broadcast_in_dim3A_86, %div3A_88 : vector<2000x1xf32>
    %add3A_90 = arith.constant 9.99999974E-6 : f32
    %add3A_91 = vector.broadcast %add3A_90 : f32 to vector<2000x1xf32>
    %add3A_92 = arith.addf %div3A_89, %add3A_91 : vector<2000x1xf32>
    %rsqrt3A = math.rsqrt %add3A_92 : vector<2000x1xf32>
    %mul3A_93 = vector.broadcast %rsqrt3A : vector<2000x1xf32> to vector<2000x128xf32>
    %mul3A_94 = arith.mulf %sub3A_82, %mul3A_93 : vector<2000x128xf32>
    %get3A_95 = arith.constant 0 : index
    %get3A_96 = arith.constant 0 : index
    %get3A_97 = vector.load %arg8[%get3A_95, %get3A_96] : memref<1x128xf32, #tpu.memory_space<vmem>>, vector<1x128xf32>
    %mul3A_98 = vector.broadcast %get3A_97 : vector<1x128xf32> to vector<2000x128xf32>
    %mul3A_99 = arith.mulf %mul3A_94, %mul3A_98 : vector<2000x128xf32>
    %get3A_100 = arith.constant 0 : index
    %get3A_101 = arith.constant 0 : index
    %get3A_102 = vector.load %arg9[%get3A_100, %get3A_101] : memref<1x128xf32, #tpu.memory_space<vmem>>, vector<1x128xf32>
    %add3A_103 = vector.broadcast %get3A_102 : vector<1x128xf32> to vector<2000x128xf32>
    %add3A_104 = arith.addf %mul3A_99, %add3A_103 : vector<2000x128xf32>
    %swap3A = arith.constant 0 : index
    %swap3A_105 = arith.constant 0 : index
    %swap3A_106 = vector.load %arg10[%swap3A, %swap3A_105] : memref<2000x128xf32, #tpu.memory_space<vmem>>, vector<2000x128xf32>
    tpu.vector_store %arg10[%swap3A, %swap3A_105], %add3A_104 {strides = array<i32>} : memref<2000x128xf32, #tpu.memory_space<vmem>>, vector<2000x128xf32>,
    return
  }
  func.func @transform_0(%arg0: i32) -> (i32, i32) {
    %c0_i32 = arith.constant 0 : i32
    %c0_i32_0 = arith.constant 0 : i32
    return %arg0, %c0_i32 : i32, i32
  }
  func.func @transform_1(%arg0: i32) -> (i32, i32, i32) {
    %c0_i32 = arith.constant 0 : i32
    %c0_i32_0 = arith.constant 0 : i32
    %c0_i32_1 = arith.constant 0 : i32
    return %c0_i32, %arg0, %c0_i32_0 : i32, i32, i32
  }
  func.func @transform_2(%arg0: i32) -> (i32, i32, i32) {
    %c0_i32 = arith.constant 0 : i32
    %c0_i32_0 = arith.constant 0 : i32
    %c0_i32_1 = arith.constant 0 : i32
    return %c0_i32, %arg0, %c0_i32_0 : i32, i32, i32
  }
  func.func @transform_3(%arg0: i32) -> (i32, i32) {
    %c0_i32 = arith.constant 0 : i32
    %c0_i32_0 = arith.constant 0 : i32
    %c0_i32_1 = arith.constant 0 : i32
    return %c0_i32, %c0_i32_0 : i32, i32
  }
  func.func @transform_4(%arg0: i32) -> (i32, i32) {
    %c0_i32 = arith.constant 0 : i32
    %c0_i32_0 = arith.constant 0 : i32
    %c0_i32_1 = arith.constant 0 : i32
    return %c0_i32, %c0_i32_0 : i32, i32
  }
  func.func @transform_5(%arg0: i32) -> (i32, i32) {
    %c0_i32 = arith.constant 0 : i32
    %c0_i32_0 = arith.constant 0 : i32
    %c0_i32_1 = arith.constant 0 : i32
    return %c0_i32, %c0_i32_0 : i32, i32
  }
  func.func @transform_6(%arg0: i32) -> (i32, i32) {
    %c0_i32 = arith.constant 0 : i32
    %c0_i32_0 = arith.constant 0 : i32
    %c0_i32_1 = arith.constant 0 : i32
    return %c0_i32, %c0_i32_0 : i32, i32
  }
  func.func @transform_7(%arg0: i32) -> (i32, i32) {
    %c0_i32 = arith.constant 0 : i32
    %c0_i32_0 = arith.constant 0 : i32
    %c0_i32_1 = arith.constant 0 : i32
    return %c0_i32, %c0_i32_0 : i32, i32
  }
  func.func @transform_8(%arg0: i32) -> (i32, i32) {
    %c0_i32 = arith.constant 0 : i32
    %c0_i32_0 = arith.constant 0 : i32
    %c0_i32_1 = arith.constant 0 : i32
    return %c0_i32, %c0_i32_0 : i32, i32
  }
  func.func @transform_9(%arg0: i32) -> (i32, i32) {
    %c0_i32 = arith.constant 0 : i32
    %c0_i32_0 = arith.constant 0 : i32
    return %arg0, %c0_i32 : i32, i32
  }
}

</mosaic_0001>

<sc_bundles>
// kernel: kernel.5.cloned.1.call-start
scs
__scs_entry_jumppad:
0x0: {  	(pc) =	sbr.rel $0x88, $3  }
0x1: {  	(tag) =	ssettag $0x0;
	lr =	simm.s32 $0x1  }
0x2: {  	[smem:$0x3F99] =	sst lr;
	_ =	strace $0xD0000000  }
0x3: {  	_ = 	snop  }
0x4: {  	_ = 	snop  }
0x5: {  	_ = 	snop  }
0x6: {  	_ = 	snop  }
0x7: {  	_ = 	snop  }
__scs_overlays_trampoline_lowered:
0x8: {  	[smem:$0x3FA8] =	sst s0  }
0x9: {  	[smem:$0x3FA9] =	sst s1  }
0xa: {  	[smem:$0x3FAA] =	sst s2  }
0xb: {  	[smem:$0x3FAB] =	sst s3  }
0xc: {  	[smem:$0x3FAC] =	sst s4  }
0xd: {  	[smem:$0x3FAD] =	sst s5  }
0xe: {  	[smem:$0x3FAE] =	sst s6  }
0xf: {  	[smem:$0x3FAF] =	sst s7  }
0x10: {  	[smem:$0x3FB0] =	sst s8  }
0x11: {  	[smem:$0x3FB1] =	sst s9;
	s0 =	simm.s32 @!p0 $0x0  }
0x12: {  	s1 =	sld [smem:$0x3F97];
	s0 =	simm.s32 @p0 $0x1  }
0x13: {  	[smem:$0x3FB2] =	sst s0;
	s0 =	simm.s32 @!p1 $0x0  }
0x14: {  	s2 =	sld [smem:$0x3F96];
	s0 =	simm.s32 @p1 $0x1  }
0x15: {  	[smem:$0x3FB3] =	sst s0;
	s0 =	simm.s32 @!p2 $0x0  }
0x16: {  	s3 =	sld [smem:$0x3FDB];
	s0 =	simm.s32 @p2 $0x1  }
0x17: {  	s4 =	simm.s32 $0x1BF5;
	[smem:$0x3FB5] =	sst s0  }
0x18: {  	s0 =	sld [smem:$0x3F98];
	_ =	swait.ge [sflag:s4], $0x0  }
0x19: {  	s7 =	sld [smem:$0x3F99]  }
0x1a: {  	s8 =	sadd.s32 $0xFFFFE003, lr  }
0x1b: {  	s9 =	sadd.s32 $0xFFFFFEF7, lr;
	s5 =	simm.s32 $0xFFFFFFFF;
	p2 =	slt.u32 s8, $0xFFFFF086  }
0x1c: {  	p1 =	slt.u32 s9, $0xF7A;
	s5 =	simm.s32 @!p2 $0x0  }
0x1d: {  	s5 =	simm.s32 @p1 $0x1;
	p0 =	seq.s32 s7, s2  }
0x1e: {  	s7 =	smul.u32 @!p0 $0xF7A, s2;
	p2 =	seq.s32 @!p0 s5, $0x0  }
0x1f: {  	s9 =	smul.u32 $0xF7A, s1;
	s8 =	simm.s32 @!p0 $0x1BF5;
	p2 =	por !p2, p0  }
0x20: {  	[sflag:s8] =	ssyncset.s32 @!p0 $0xFFFFF086;
	s6 =	sadd.s32 @!p0 s3, s7;
	s7 =	simm.s32 @!p0 $0x108  }
0x21: {  	s3 =	sadd.s32 s3, s9;
	s6 =	sadd.s32 @!p0 $0x88, s6;
	s7 =	simm.s32 @p2 $0x1082  }
0x22: {  	[simem:s7], [sflag:s8] =	dma.local @!p0 [hbm:s6], $0xF7A  }
0x23: {  	s9 =	sor.u32 $0xD0000000, s2;
	s6 =	simm.s32 $0x108;
	_ =	swait.ge @!p0 [sflag:s8], $0x0  }
0x24: {  	s3 =	sadd.s32 $0x88, s3;
	s6 =	simm.s32 @!p1 $0x1082;
	[sflag:s4] =	ssyncset.s32 $0xFFFFF086  }
0x25: {  	[simem:s6], [sflag:s4] =	dma.local [hbm:s3], $0xF7A  }
0x26: {  	[smem:$0x3F99] =	sst s1;
	(tag) =	ssettag s2;
	_ =	strace s9  }
0x27: {  	s1 =	sld [smem:$0x3FA9]  }
0x28: {  	s2 =	sld [smem:$0x3FAA]  }
0x29: {  	s4 =	sld [smem:$0x3FAC]  }
0x2a: {  	p0 =	seq.s32 s5, $0x0;
	s5 =	sld [smem:$0x3FAD]  }
0x2b: {  	s6 =	sld [smem:$0x3FAE]  }
0x2c: {  	s7 =	sld [smem:$0x3FAF]  }
0x2d: {  	s3 =	simm.s32 $0x108;
	s8 =	sld [smem:$0x3FB0]  }
0x2e: {  	s3 =	simm.s32 @!p0 $0x1082;
	s9 =	sld [smem:$0x3FB1]  }
0x2f: {  	lr =	sadd.s32 s0, s3;
	s0 =	sld [smem:$0x3FA8]  }
0x30: {  	s3 =	sld [smem:$0x3FAB]  }
0x31: {  	[smem:$0x3FB4] =	sst s10  }
0x32: {  	s10 =	sld [smem:$0x3FB2];
	_ =	sdelay $0x3  }
0x33: {  	p0 =	seq.s32 s10, $0x1;
	s10 =	sld [smem:$0x3FB4];
	_ =	sdelay $0x3  }
0x34: {  	[smem:$0x3FB4] =	sst s10  }
0x35: {  	s10 =	sld [smem:$0x3FB3];
	_ =	sdelay $0x3  }
0x36: {  	p1 =	seq.s32 s10, $0x1;
	s10 =	sld [smem:$0x3FB4];
	_ =	sdelay $0x3  }
0x37: {  	[smem:$0x3FB4] =	sst s10  }
0x38: {  	s10 =	sld [smem:$0x3FB5]  }
0x39: {  	_ = 	snop;
	(pc) =	sbr.ind lr, $3  }
0x3a: {  	_ = 	snop  }
0x3b: {  	_ = 	snop  }
0x3c: {  	p2 =	seq.s32 s10, $0x1;
	s10 =	sld [smem:$0x3FB4]  }
0x3d: {  	_ =	shalt  }
0x3e: {  	_ =	shalt  }
0x3f: {  	_ =	shalt  }
0x40: {  	_ =	shalt  }
0x41: {  	_ =	shalt  }
0x42: {  	_ =	shalt  }
0x43: {  	_ =	shalt  }
0x44: {  	_ =	shalt  }
0x45: {  	_ =	shalt  }
0x46: {  	_ =	shalt  }
0x47: {  	_ =	shalt  }
0x48: {  	_ =	shalt  }
0x49: {  	_ =	shalt  }
0x4a: {  	_ =	shalt  }
0x4b: {  	_ =	shalt  }
0x4c: {  	_ =	shalt  }
0x4d: {  	_ =	shalt  }
0x4e: {  	_ =	shalt  }
0x4f: {  	_ =	shalt  }
0x50: {  	_ =	shalt  }
0x51: {  	_ =	shalt  }
0x52: {  	_ =	shalt  }
0x53: {  	_ =	shalt  }
0x54: {  	_ =	shalt  }
0x55: {  	_ =	shalt  }
0x56: {  	_ =	shalt  }
0x57: {  	_ =	shalt  }
0x58: {  	_ =	shalt  }
0x59: {  	_ =	shalt  }
0x5a: {  	_ =	shalt  }
0x5b: {  	_ =	shalt  }
0x5c: {  	_ =	shalt  }
0x5d: {  	_ =	shalt  }
0x5e: {  	_ =	shalt  }
0x5f: {  	_ =	shalt  }
0x60: {  	_ =	shalt  }
0x61: {  	_ =	shalt  }
0x62: {  	_ =	shalt  }
0x63: {  	_ =	shalt  }
0x64: {  	_ =	shalt  }
0x65: {  	_ =	shalt  }
0x66: {  	_ =	shalt  }
0x67: {  	_ =	shalt  }
0x68: {  	_ =	shalt  }
0x69: {  	_ =	shalt  }
0x6a: {  	_ =	shalt  }
0x6b: {  	_ =	shalt  }
0x6c: {  	_ =	shalt  }
0x6d: {  	_ =	shalt  }
0x6e: {  	_ =	shalt  }
0x6f: {  	_ =	shalt  }
0x70: {  	_ =	shalt  }
0x71: {  	_ =	shalt  }
0x72: {  	_ =	shalt  }
0x73: {  	_ =	shalt  }
0x74: {  	_ =	shalt  }
0x75: {  	_ =	shalt  }
0x76: {  	_ =	shalt  }
0x77: {  	_ =	shalt  }
0x78: {  	_ =	shalt  }
0x79: {  	_ =	shalt  }
0x7a: {  	_ =	shalt  }
0x7b: {  	_ =	shalt  }
0x7c: {  	_ =	shalt  }
0x7d: {  	_ =	shalt  }
0x7e: {  	_ =	shalt  }
0x7f: {  	_ =	shalt  }
0x80: {  	_ =	shalt  }
0x81: {  	_ =	shalt  }
0x82: {  	_ =	shalt  }
0x83: {  	_ =	shalt  }
0x84: {  	_ =	shalt  }
0x85: {  	_ =	shalt  }
0x86: {  	_ =	shalt  }
0x87: {  	_ =	shalt  }
.Lfunc_end0:
.L_simem_size_0:
called_computation_lowered:
.L_overlay_start_0:
0x88: {  	s2 =	sld [smem:$0x3FD9]  }
0x89: {  	s3 =	sld [smem:$0x3FFE];
	_ =	sdelay $0x1  }
0x8a: {  	s1 =	srdreg.scid  }
0x8b: {  	s0 =	sand.u32 $0x1, s1  }
0x8c: {  	s17 =	sshll.u32 s0, $0xA;
	s2 =	sadd.s32 s3, s2  }
0x8d: {  	s2 =	sadd.s32 s2, s17  }
0x8e: {  	[smem:$0x3FC0] =	sst s2  }
0x8f: {  	_ = 	snop  }
0x90: {  	s2 =	sld [smem:$0x3FD0];
	(tm) =	ssettm $0x1  }
0x91: {  	s18 =	sld [smem:$0x3FFB];
	_ =	sdelay $0x3  }
0x92: {  	_ =	strace s18  }
0x93: {  	s3 =	sld [smem:$0x3FFC];
	_ =	sdelay $0x3  }
0x94: {  	_ =	strace s3  }
0x95: {  	s3 =	sld [smem:$0x3FFD];
	_ =	sdelay $0x3  }
0x96: {  	_ =	strace s3  }
0x97: {  	_ =	strace $0x8FFFFFFF  }
0x98: {  	s19 =	sld [smem:$0x3FDB];
	_ =	sdelay $0x1  }
0x99: {  	s4 =	simm.s32 $_scs_section_size  }
0x9a: {  	s5 =	simm.s32 $_size__tile_overlayer_lowered;
	s6 =	simm.s32 $_tile_overlayer_lowered  }
0x9b: {  	s22 =	simm.s32 $0x1BFF;
	s21 =	sshll.u32 s6, $0x1;
	s3 =	sadd.s32 s4, s19  }
0x9c: {  	s7 =	simm.s32 $0x0;
	s20 =	sshll.u32 s5, $0x1;
	s5 =	sadd.s32 s21, s3  }
0x9d: {  	[timem:s7], [sflag:s22] =	dma.local [hbm:s5], s20  }
0x9e: {  	_ =	swait.ge [sflag:s22], s20  }
0x9f: {  	s4 =	ssub.s32 $0x0, s20;
	[sflag:s22] =	ssyncset.done $0x0  }
0xa0: {  	[sflag:s22] =	ssyncadd.s32 s4;
	_ =	sdelay $0x1  }
0xa1: {  	s23 =	simm.s32 $0x1B8B  }
0xa2: {  	_ =	swait.ge [sflag:s23], $0x1  }
0xa3: {  	[sflag:s23] =	ssyncset.done $0x0  }
0xa4: {  	s25 =	simm.s32 $0x1B8E;
	s24 =	sld [smem:$0x3FFE];
	[sflag:s23] =	ssyncadd.s32 $0xFFFFFFFF  }
0xa5: {  	s26 =	simm.s32 $execute0_lowered;
	[smem:$0x3FD2] =	sst s25  }
0xa6: {  	s5 =	sshll.u32 s26, $0x1;
	_ =	strace $0x80000046;
	[dreg:$0x1] =	wrdreg $0xFFFFFFFF  }
0xa7: {  	s28 =	simm.s32 $_size_execute0_lowered;
	s3 =	sadd.s32 s3, s5;
	[dreg:$0x0] =	wrdreg $0x0  }
0xa8: {  	s5 =	sshll.u32 s28, $0x1;
	[dreg:$0x2] =	wrdreg s3  }
0xa9: {  	[dreg:$0x3] =	wrdreg s5  }
0xaa: {  	[dreg:$0x4] =	wrdreg $0xC0  }
0xab: {  	_ =	task [dreg:s7], $0x5FFFF  }
0xac: {  	[dreg:$0x1] =	wrdreg $0xFFFFFFFF  }
0xad: {  	[dreg:$0x0] =	wrdreg $0x60  }
0xae: {  	[dreg:$0x2] =	wrdreg s24  }
0xaf: {  	[dreg:$0x3] =	wrdreg s2  }
0xb0: {  	[dreg:$0x4] =	wrdreg $0x88000  }
0xb1: {  	[dreg:$0x5] =	wrdreg $0x9  }
0xb2: {  	_ =	task.clear_ibuf [dreg:s7], $0x6FFFF;
	_ =	strace $0x90000046  }
0xb3: {  	s29 =	simm.s32 $0x9;
	_ =	strace $0x80000048  }
0xb4: {  	_ =	swait.ge [sflag:s29], $0x1  }
0xb5: {  	[sflag:s29] =	ssyncadd.s32 $0xFFFFFFFF  }
0xb6: {  	_ =	strace $0x90000048  }
0xb7: {  	_ =	sfence  }
0xb8: {  	s30 =	sld [smem:$0x0];
	_ =	sdelay $0x2  }
0xb9: {  	s31 =	sshll.u32 s1, $0xD;
	s1 =	sshrl.u32 s1, $0x2  }
0xba: {  	s3 =	sand.u32 $0x4000, s31;
	s1 =	sadd.s32 s1, s30  }
0xbb: {  	s0 =	sor.u32 s3, s0;
	s1 =	sshll.u32 s1, $0x11  }
0xbc: {  	s0 =	sor.u32 s1, s0  }
0xbd: {  	s0 =	sadd.s32 $0x8F2B, s0  }
0xbe: {  	[sflag:s0] =	ssyncadd.remote.s32 $0x1  }
0xbf: {  	_ =	sfence.sel $0xFFFF  }
0xc0: {  	[dreg:$0x0] =	wrdreg $0xFFFFFFFF;
	(pc) =	sbr.abs _section_cstart, $3  }
0xc1: {  	[dreg:$0x1] =	wrdreg $0xFFFFFFFF  }
0xc2: {  	_ =	task.clear_ibuf [dreg:s7], $0x2FFFF;
	_ =	strace $0x9FFFFFFF  }
0xc3: {  	(tm) =	ssettm $0x7FFFFFFF  }
tec
execute0_lowered:
.L_overlay_start_1:
0x0: {  	(tag) =	ssettag $0x1  }
0x1: {  	s0 =	rddreg [dreg:$0x0]  }
0x2: {  	s3 =	rddreg [dreg:$0x1]  }
0x3: {  	s1 =	rddreg [dreg:$0x2];
	s2 =	simm.s32 $0x0;
	s4 =	srdreg.scid  }
0x4: {  	s16 =	stileid.u32;
	s28 =	simm.s32 $0x480;
	s29 =	simm.s32 $0x180  }
0x5: {  	s30 =	simm.s32 $0x500;
	s31 =	simm.s32 $0x200;
	s7 =	smul.u32 $0x278, s16  }
0x6: {  	[smem:$0x7FF] =	sst s2;
	s5 =	sand.u32 $0x1, s4;
	s9 =	smul.u32 $0x4F000, s16  }
0x7: {  	s4 =	sadd.s32 $0xB000, s0;
	s23 =	smul.u32 $0x500, s16;
	p0 =	seq.s32 s16, $0xF  }
0x8: {  	s16 =	simm.s32 $0x700;
	s6 =	smul.u32 $0x5000, s5;
	s8 =	ssub.s32 $0x2, s5  }
0x9: {  	_ =	strace $0x80000047;
	s5 =	smul.u32 $0x2710, s5;
	s10 =	sshrl.u32 s8, $0x1  }
0xa: {  	s9 =	sshrl.u32 s9, $0x2;
	s24 =	sadd.s32 $0x80, s7;
	s12 =	sadd.s32 $0x100, s7  }
0xb: {  	s13 =	sadd.s32 $0x180, s7;
	s15 =	sadd.s32 $0x200, s7;
	s11 =	sadd.s32 s6, s0  }
0xc: {  	s0 =	sadd.s32 $0x59200, s0;
	s8 =	ssub.s32 s8, s10;
	s9 =	sadd.s32 s9, s1  }
0xd: {  	s25 =	sshll.u32 s24, $0x7;
	s26 =	sshll.u32 s12, $0x7;
	s14 =	sshll.u32 s13, $0x7  }
0xe: {  	s18 =	sshll.u32 s15, $0x7;
	s7 =	sadd.s32 s7, s5;
	s19 =	sadd.s32 s5, s24  }
0xf: {  	s10 =	sadd.s32 $0x138400, s1;
	s21 =	sadd.s32 s5, s12;
	s22 =	sadd.s32 s5, s13  }
0x10: {  	s5 =	sadd.s32 s5, s15;
	s3 =	sadd.s32 s6, s3;
	s12 =	simm.s32 $0x300  }
0x11: {  	s13 =	simm.s32 $0x680;
	s6 =	simm.s32 $0x0;
	[dreg:$0x4] =	wrdreg s9  }
0x12: {  	s9 =	sadd.s32 s25, s1;
	s17 =	sadd.s32 s14, s1;
	[dreg:$0x9] =	wrdreg s10  }
0x13: {  	s7 =	sshll.u32 s7, $0x4;
	s5 =	sshll.u32 s5, $0x4;
	[dreg:$0x5] =	wrdreg s9  }
0x14: {  	s25 =	smax.u32 s8, $0x1;
	s14 =	simm.s32 $0x380;
	[dreg:$0x7] =	wrdreg s17  }
0x15: {  	s9 =	sadd.s32 s26, s1;
	s7 =	sadd.s32 s0, s7;
	[dreg:$0xf] =	wrdreg s25  }
0x16: {  	s26 =	sadd.s32 s23, s11;
	s25 =	simm.s32 $0x100;
	[dreg:$0x6] =	wrdreg s9  }
0x17: {  	s11 =	simm.s32 $0x600;
	s9 =	sadd.s32 s18, s1;
	[dreg:$0xa] =	wrdreg s7  }
0x18: {  	s7 =	sshll.u32 s21, $0x4;
	s17 =	sadd.s32 $0x1000, s26;
	s18 =	sadd.s32 s23, s3  }
0x19: {  	s21 =	simm.s32 $0x400;
	s23 =	simm.s32 $0x4800;
	s26 =	simm.s32 $0x2  }
0x1a: {  	s3 =	simm.s32 $0x280;
	[dreg:$0x8] =	wrdreg s9;
	s9 =	sshll.u32 s19, $0x4  }
0x1b: {  	s7 =	sadd.s32 s0, s7;
	s19 =	simm.s32 $0x800;
	s20 =	sadd.s32 s0, s9  }
0x1c: {  	s9 =	sshll.u32 s22, $0x4;
	[dreg:$0xc] =	wrdreg s7;
	s22 =	simm.s32 $0x80  }
0x1d: {  	[dreg:$0xb] =	wrdreg s20;
	s24 =	sadd.s32 s0, s9;
	s0 =	sadd.s32 s0, s5  }
0x1e: {  	s20 =	simm.s32 $0x3;
	s5 =	simm.s32 $0x780;
	[dreg:$0xd] =	wrdreg s24  }
0x1f: {  	v0 =	vimm.f32 $0.0e+00;
	[dreg:$0xe] =	wrdreg s0;
	s24 =	simm.s32 $0x1;
	s0 =	simm.s32 $0x580  }
.LBB2_1:
0x20: {  	s7 =	simm.s32 $0x0;
	s8 =	simm.s32 $0x200  }
.LBB2_2:
0x21: {  	p1 =	sne.s32 s8, $0xFE00;
	[tilespmem:s7+$0x870] =	vst v0  }
0x22: {  	[tilespmem:s7+$0x800] =	vst v0  }
0x23: {  	[tilespmem:s7+$0x810] =	vst v0  }
.Ltmp0:
0x24: {  	[tilespmem:s7+$0x820] =	vst v0;
	(pc) =	sbr.rel @p1 .LBB2_2-.Ltmp0, $4  }
0x25: {  	[tilespmem:s7+$0x830] =	vst v0  }
0x26: {  	[tilespmem:s7+$0x840] =	vst v0  }
0x27: {  	[tilespmem:s7+$0x850] =	vst v0  }
0x28: {  	[tilespmem:s7+$0x860] =	vst v0;
	s7 =	sshra.s32 s8, $0x2;
	s8 =	sadd.s32 $0x200, s8  }
0x29: {  	[tilespmem:s7+$0x870] =	vst v0  }
0x2a: {  	[tilespmem:s7+$0x800] =	vst v0  }
0x2b: {  	[tilespmem:s7+$0x810] =	vst v0  }
0x2c: {  	[tilespmem:s7+$0x820] =	vst v0  }
0x2d: {  	[tilespmem:s7+$0x830] =	vst v0  }
0x2e: {  	[tilespmem:s7+$0x840] =	vst v0  }
0x2f: {  	[tilespmem:s7+$0x850] =	vst v0  }
0x30: {  	[tilespmem:s7+$0x860] =	vst v0;
	s9 =	rddreg [dreg:$0x4]  }
0x31: {  	[spmem:s9] =	stream.linear.scatter [tilespmem:s19], [sflag:$0x3], $0x4000, $0x38;
	[tilespmem:$0x1C080] =	vst v63  }
0x32: {  	_ =	swait.ge [sflag:s20], $0x4000  }
0x33: {  	[sflag:s20] =	ssyncset.done $0x0  }
0x34: {  	s15 =	rddreg [dreg:$0x5];
	[sflag:s20] =	ssyncadd.s32 $0xFFFFC000  }
0x35: {  	[spmem:s15] =	stream.linear.scatter [tilespmem:s19], [sflag:$0x3], $0x4000, $0x38;
	[tilespmem:$0x1C080] =	vst v63  }
0x36: {  	_ =	swait.ge [sflag:s20], $0x4000  }
0x37: {  	[sflag:s20] =	ssyncset.done $0x0  }
0x38: {  	s8 =	rddreg [dreg:$0x6];
	[sflag:s20] =	ssyncadd.s32 $0xFFFFC000  }
0x39: {  	[spmem:s8] =	stream.linear.scatter [tilespmem:s19], [sflag:$0x3], $0x4000, $0x38;
	[tilespmem:$0x1C080] =	vst v63  }
0x3a: {  	_ =	swait.ge [sflag:s20], $0x4000  }
0x3b: {  	[sflag:s20] =	ssyncset.done $0x0  }
0x3c: {  	s9 =	rddreg [dreg:$0x7];
	[sflag:s20] =	ssyncadd.s32 $0xFFFFC000  }
0x3d: {  	[spmem:s9] =	stream.linear.scatter [tilespmem:s19], [sflag:$0x3], $0x4000, $0x38;
	[tilespmem:$0x1C080] =	vst v63  }
0x3e: {  	_ =	swait.ge [sflag:s20], $0x4000  }
0x3f: {  	[sflag:s20] =	ssyncset.done $0x0  }
0x40: {  	s7 =	simm.s32 @p0 $0x800;
	[sflag:s20] =	ssyncadd.s32 $0xFFFFC000  }
0x41: {  	[spmem:s10] =	stream.linear.scatter @p0 [tilespmem:s7], [sflag:$0x3], $0x400, $0x38;
	[tilespmem:$0x1C080] =	vst v63  }
0x42: {  	s7 =	simm.s32 @p0 $0x3  }
0x43: {  	_ =	swait.ge @p0 [sflag:s7], $0x400  }
0x44: {  	[sflag:s7] =	ssyncset.done @p0 $0x0  }
0x45: {  	s8 =	rddreg [dreg:$0x8];
	[sflag:s7] =	ssyncadd.s32 @p0 $0xFFFFFC00;
	s7 =	simm.s32 @!p0 $0x800  }
0x46: {  	[spmem:s8] =	stream.linear.scatter @!p0 [tilespmem:s7], [sflag:$0x3], $0x3C00, $0x38;
	[tilespmem:$0x1C080] =	vst v63  }
0x47: {  	s7 =	simm.s32 @!p0 $0x3  }
0x48: {  	_ =	swait.ge @!p0 [sflag:s7], $0x3C00  }
0x49: {  	[sflag:s7] =	ssyncset.done @!p0 $0x0  }
0x4a: {  	[sflag:s7] =	ssyncadd.s32 @!p0 $0xFFFFC400  }
0x4b: {  	s10 =	sadd.s32 $0x0, s18;
	[bflag:$0x0] =	sbarrier.arrive $0xFFFF  }
0x4c: {  	[tilespmem:s2], [sflag:$0x3] =	stream.linear.gather [hbm4b:s10+s2], $0x400, $0x38;
	[tilespmem:$0x1C080] =	vst v63  }
0x4d: {  	_ =	swait.ge [sflag:s20], $0x400  }
0x4e: {  	[sflag:s20] =	ssyncset.done $0x0  }
0x4f: {  	s15 =	sadd.s32 $0x0, s17;
	[sflag:s20] =	ssyncadd.s32 $0xFFFFFC00  }
0x50: {  	[tilespmem:s21], [sflag:$0x3] =	stream.linear.gather [hbm4b:s15+s2], $0x400, $0x38;
	[tilespmem:$0x1C080] =	vst v63  }
0x51: {  	_ =	swait.ge [sflag:s20], $0x400  }
0x52: {  	[sflag:s20] =	ssyncset.done $0x0  }
0x53: {  	[sflag:s20] =	ssyncadd.s32 $0xFFFFFC00  }
0x54: {  	[tilespmem:s19], [sflag:$0x1] =	stream.indirect.gather [hbm4b:s4+s22], $0x80, s2, s22, $0xb8;
	[tilespmem:$0x1C080] =	vst v63  }
0x55: {  	_ = 	snop  }
0x56: {  	[tilespmem:s23], [sflag:$0x2] =	stream.indirect.gather [hbm4b:s4+s22], $0x80, s22, s22, $0xb8;
	[tilespmem:$0x1C080] =	vst v63  }
0x57: {  	_ =	swait.ge [sflag:s24], $0x4000  }
0x58: {  	[sflag:s24] =	ssyncset.done $0x0  }
0x59: {  	[sflag:s24] =	ssyncadd.s32 $0xFFFFC000  }
0x5a: {  	[spmem:s1] =	stream.indirect.scatter.add.f32 [tilespmem:s19], [sflag:$0x3], $0x80, s21, s22, $0xb8;
	[tilespmem:$0x1C080] =	vst v63  }
0x5b: {  	_ =	swait.ge [sflag:s20], $0x4000  }
0x5c: {  	[sflag:s20] =	ssyncset.done $0x0  }
0x5d: {  	[sflag:s20] =	ssyncadd.s32 $0xFFFFC000  }
0x5e: {  	[tilespmem:s19], [sflag:$0x1] =	stream.indirect.gather [hbm4b:s4+s22], $0x80, s25, s22, $0xb8;
	[tilespmem:$0x1C080] =	vst v63  }
0x5f: {  	_ =	swait.ge [sflag:s26], $0x4000  }
0x60: {  	[sflag:s26] =	ssyncset.done $0x0  }
0x61: {  	[sflag:s26] =	ssyncadd.s32 $0xFFFFC000  }
0x62: {  	[spmem:s1] =	stream.indirect.scatter.add.f32 [tilespmem:s23], [sflag:$0x3], $0x80, s28, s22, $0xb8;
	[tilespmem:$0x1C080] =	vst v63  }
0x63: {  	_ =	swait.ge [sflag:s20], $0x4000  }
0x64: {  	[sflag:s20] =	ssyncset.done $0x0  }
0x65: {  	[sflag:s20] =	ssyncadd.s32 $0xFFFFC000  }
0x66: {  	[tilespmem:s23], [sflag:$0x2] =	stream.indirect.gather [hbm4b:s4+s22], $0x80, s29, s22, $0xb8;
	[tilespmem:$0x1C080] =	vst v63  }
0x67: {  	_ =	swait.ge [sflag:s24], $0x4000  }
0x68: {  	[sflag:s24] =	ssyncset.done $0x0  }
0x69: {  	[sflag:s24] =	ssyncadd.s32 $0xFFFFC000  }
0x6a: {  	[spmem:s1] =	stream.indirect.scatter.add.f32 [tilespmem:s19], [sflag:$0x3], $0x80, s30, s22, $0xb8;
	[tilespmem:$0x1C080] =	vst v63  }
0x6b: {  	_ =	swait.ge [sflag:s20], $0x4000  }
0x6c: {  	[sflag:s20] =	ssyncset.done $0x0  }
0x6d: {  	[sflag:s20] =	ssyncadd.s32 $0xFFFFC000  }
0x6e: {  	[tilespmem:s19], [sflag:$0x1] =	stream.indirect.gather [hbm4b:s4+s22], $0x80, s31, s22, $0xb8;
	[tilespmem:$0x1C080] =	vst v63  }
0x6f: {  	_ =	swait.ge [sflag:s26], $0x4000  }
0x70: {  	[sflag:s26] =	ssyncset.done $0x0  }
0x71: {  	[sflag:s26] =	ssyncadd.s32 $0xFFFFC000  }
0x72: {  	[spmem:s1] =	stream.indirect.scatter.add.f32 [tilespmem:s23], [sflag:$0x3], $0x80, s0, s22, $0xb8;
	[tilespmem:$0x1C080] =	vst v63  }
0x73: {  	_ =	swait.ge [sflag:s20], $0x4000  }
0x74: {  	[sflag:s20] =	ssyncset.done $0x0  }
0x75: {  	[sflag:s20] =	ssyncadd.s32 $0xFFFFC000  }
0x76: {  	[tilespmem:s23], [sflag:$0x2] =	stream.indirect.gather [hbm4b:s4+s22], $0x80, s3, s22, $0xb8;
	[tilespmem:$0x1C080] =	vst v63  }
0x77: {  	_ =	swait.ge [sflag:s24], $0x4000  }
0x78: {  	[sflag:s24] =	ssyncset.done $0x0  }
0x79: {  	[sflag:s24] =	ssyncadd.s32 $0xFFFFC000  }
0x7a: {  	[spmem:s1] =	stream.indirect.scatter.add.f32 [tilespmem:s19], [sflag:$0x3], $0x80, s11, s22, $0xb8;
	[tilespmem:$0x1C080] =	vst v63  }
0x7b: {  	_ =	swait.ge [sflag:s20], $0x4000  }
0x7c: {  	[sflag:s20] =	ssyncset.done $0x0  }
0x7d: {  	[sflag:s20] =	ssyncadd.s32 $0xFFFFC000  }
0x7e: {  	[tilespmem:s19], [sflag:$0x1] =	stream.indirect.gather [hbm4b:s4+s22], $0x80, s12, s22, $0xb8;
	[tilespmem:$0x1C080] =	vst v63  }
0x7f: {  	_ =	swait.ge [sflag:s26], $0x4000  }
0x80: {  	[sflag:s26] =	ssyncset.done $0x0  }
0x81: {  	[sflag:s26] =	ssyncadd.s32 $0xFFFFC000  }
0x82: {  	[spmem:s1] =	stream.indirect.scatter.add.f32 [tilespmem:s23], [sflag:$0x3], $0x80, s13, s22, $0xb8;
	[tilespmem:$0x1C080] =	vst v63  }
0x83: {  	_ =	swait.ge [sflag:s20], $0x4000  }
0x84: {  	[sflag:s20] =	ssyncset.done $0x0  }
0x85: {  	[sflag:s20] =	ssyncadd.s32 $0xFFFFC000  }
0x86: {  	[tilespmem:s23], [sflag:$0x2] =	stream.indirect.gather [hbm4b:s4+s22], $0x80, s14, s22, $0xb8;
	[tilespmem:$0x1C080] =	vst v63  }
0x87: {  	_ =	swait.ge [sflag:s24], $0x4000  }
0x88: {  	[sflag:s24] =	ssyncset.done $0x0  }
0x89: {  	[sflag:s24] =	ssyncadd.s32 $0xFFFFC000  }
0x8a: {  	[spmem:s1] =	stream.indirect.scatter.add.f32 [tilespmem:s19], [sflag:$0x3], $0x80, s16, s22, $0xb8;
	[tilespmem:$0x1C080] =	vst v63  }
0x8b: {  	_ =	swait.ge [sflag:s20], $0x4000  }
0x8c: {  	[sflag:s20] =	ssyncset.done $0x0  }
0x8d: {  	[sflag:s20] =	ssyncadd.s32 $0xFFFFC000  }
0x8e: {  	_ =	swait.ge [sflag:s26], $0x4000  }
0x8f: {  	[sflag:s26] =	ssyncset.done $0x0  }
0x90: {  	[sflag:s26] =	ssyncadd.s32 $0xFFFFC000  }
0x91: {  	[spmem:s1] =	stream.indirect.scatter.add.f32 [tilespmem:s23], [sflag:$0x3], $0x80, s5, s22, $0xb8;
	[tilespmem:$0x1C080] =	vst v63  }
0x92: {  	_ =	swait.ge [sflag:s20], $0x4000  }
0x93: {  	s8 =	simm.s32 $0x100;
	s7 =	simm.s32 $0x80;
	[sflag:s20] =	ssyncset.done $0x0  }
.LBB2_4:
0x94: {  	s10 =	sadd.s32 s7, s18  }
0x95: {  	[sflag:s20] =	ssyncadd.s32 $0xFFFFC000;
	s15 =	smov.u32 s8;
	s9 =	sadd.s32 $0x80, s8  }
0x96: {  	[tilespmem:s2], [sflag:$0x3] =	stream.linear.gather [hbm4b:s10+s2], $0x400, $0x38;
	[tilespmem:$0x1C080] =	vst v63  }
0x97: {  	p1 =	sne.s32 s8, $0x480;
	_ =	swait.ge [sflag:s20], $0x400  }
0x98: {  	[sflag:s20] =	ssyncset.done $0x0  }
0x99: {  	s8 =	sadd.s32 s7, s17;
	s7 =	smov.u32 s15;
	[sflag:s20] =	ssyncadd.s32 $0xFFFFFC00  }
0x9a: {  	[tilespmem:s21], [sflag:$0x3] =	stream.linear.gather [hbm4b:s8+s2], $0x400, $0x38;
	[tilespmem:$0x1C080] =	vst v63  }
0x9b: {  	_ =	swait.ge [sflag:s20], $0x400  }
0x9c: {  	[sflag:s20] =	ssyncset.done $0x0  }
0x9d: {  	[sflag:s20] =	ssyncadd.s32 $0xFFFFFC00  }
0x9e: {  	[tilespmem:s19], [sflag:$0x1] =	stream.indirect.gather [hbm4b:s4+s22], $0x80, s2, s22, $0xb8;
	[tilespmem:$0x1C080] =	vst v63  }
0x9f: {  	_ = 	snop  }
0xa0: {  	[tilespmem:s23], [sflag:$0x2] =	stream.indirect.gather [hbm4b:s4+s22], $0x80, s22, s22, $0xb8;
	[tilespmem:$0x1C080] =	vst v63  }
0xa1: {  	_ =	swait.ge [sflag:s24], $0x4000  }
0xa2: {  	[sflag:s24] =	ssyncset.done $0x0  }
0xa3: {  	[sflag:s24] =	ssyncadd.s32 $0xFFFFC000  }
0xa4: {  	[spmem:s1] =	stream.indirect.scatter.add.f32 [tilespmem:s19], [sflag:$0x3], $0x80, s21, s22, $0xb8;
	[tilespmem:$0x1C080] =	vst v63  }
0xa5: {  	_ =	swait.ge [sflag:s20], $0x4000  }
0xa6: {  	[sflag:s20] =	ssyncset.done $0x0  }
0xa7: {  	[sflag:s20] =	ssyncadd.s32 $0xFFFFC000  }
0xa8: {  	[tilespmem:s19], [sflag:$0x1] =	stream.indirect.gather [hbm4b:s4+s22], $0x80, s25, s22, $0xb8;
	[tilespmem:$0x1C080] =	vst v63  }
0xa9: {  	_ =	swait.ge [sflag:s26], $0x4000  }
0xaa: {  	[sflag:s26] =	ssyncset.done $0x0  }
0xab: {  	[sflag:s26] =	ssyncadd.s32 $0xFFFFC000  }
0xac: {  	[spmem:s1] =	stream.indirect.scatter.add.f32 [tilespmem:s23], [sflag:$0x3], $0x80, s28, s22, $0xb8;
	[tilespmem:$0x1C080] =	vst v63  }
0xad: {  	_ =	swait.ge [sflag:s20], $0x4000  }
0xae: {  	[sflag:s20] =	ssyncset.done $0x0  }
0xaf: {  	[sflag:s20] =	ssyncadd.s32 $0xFFFFC000  }
0xb0: {  	[tilespmem:s23], [sflag:$0x2] =	stream.indirect.gather [hbm4b:s4+s22], $0x80, s29, s22, $0xb8;
	[tilespmem:$0x1C080] =	vst v63  }
0xb1: {  	_ =	swait.ge [sflag:s24], $0x4000  }
0xb2: {  	[sflag:s24] =	ssyncset.done $0x0  }
0xb3: {  	[sflag:s24] =	ssyncadd.s32 $0xFFFFC000  }
0xb4: {  	[spmem:s1] =	stream.indirect.scatter.add.f32 [tilespmem:s19], [sflag:$0x3], $0x80, s30, s22, $0xb8;
	[tilespmem:$0x1C080] =	vst v63  }
0xb5: {  	_ =	swait.ge [sflag:s20], $0x4000  }
0xb6: {  	[sflag:s20] =	ssyncset.done $0x0  }
0xb7: {  	[sflag:s20] =	ssyncadd.s32 $0xFFFFC000  }
0xb8: {  	[tilespmem:s19], [sflag:$0x1] =	stream.indirect.gather [hbm4b:s4+s22], $0x80, s31, s22, $0xb8;
	[tilespmem:$0x1C080] =	vst v63  }
0xb9: {  	_ =	swait.ge [sflag:s26], $0x4000  }
0xba: {  	[sflag:s26] =	ssyncset.done $0x0  }
0xbb: {  	[sflag:s26] =	ssyncadd.s32 $0xFFFFC000  }
0xbc: {  	[spmem:s1] =	stream.indirect.scatter.add.f32 [tilespmem:s23], [sflag:$0x3], $0x80, s0, s22, $0xb8;
	[tilespmem:$0x1C080] =	vst v63  }
0xbd: {  	_ =	swait.ge [sflag:s20], $0x4000  }
0xbe: {  	[sflag:s20] =	ssyncset.done $0x0  }
0xbf: {  	[sflag:s20] =	ssyncadd.s32 $0xFFFFC000  }
0xc0: {  	[tilespmem:s23], [sflag:$0x2] =	stream.indirect.gather [hbm4b:s4+s22], $0x80, s3, s22, $0xb8;
	[tilespmem:$0x1C080] =	vst v63  }
0xc1: {  	_ =	swait.ge [sflag:s24], $0x4000  }
0xc2: {  	[sflag:s24] =	ssyncset.done $0x0  }
0xc3: {  	[sflag:s24] =	ssyncadd.s32 $0xFFFFC000  }
0xc4: {  	[spmem:s1] =	stream.indirect.scatter.add.f32 [tilespmem:s19], [sflag:$0x3], $0x80, s11, s22, $0xb8;
	[tilespmem:$0x1C080] =	vst v63  }
0xc5: {  	_ =	swait.ge [sflag:s20], $0x4000  }
0xc6: {  	[sflag:s20] =	ssyncset.done $0x0  }
0xc7: {  	[sflag:s20] =	ssyncadd.s32 $0xFFFFC000  }
0xc8: {  	[tilespmem:s19], [sflag:$0x1] =	stream.indirect.gather [hbm4b:s4+s22], $0x80, s12, s22, $0xb8;
	[tilespmem:$0x1C080] =	vst v63  }
0xc9: {  	_ =	swait.ge [sflag:s26], $0x4000  }
0xca: {  	[sflag:s26] =	ssyncset.done $0x0  }
0xcb: {  	[sflag:s26] =	ssyncadd.s32 $0xFFFFC000  }
0xcc: {  	[spmem:s1] =	stream.indirect.scatter.add.f32 [tilespmem:s23], [sflag:$0x3], $0x80, s13, s22, $0xb8;
	[tilespmem:$0x1C080] =	vst v63  }
0xcd: {  	_ =	swait.ge [sflag:s20], $0x4000  }
0xce: {  	[sflag:s20] =	ssyncset.done $0x0  }
0xcf: {  	[sflag:s20] =	ssyncadd.s32 $0xFFFFC000  }
0xd0: {  	[tilespmem:s23], [sflag:$0x2] =	stream.indirect.gather [hbm4b:s4+s22], $0x80, s14, s22, $0xb8;
	[tilespmem:$0x1C080] =	vst v63  }
0xd1: {  	_ =	swait.ge [sflag:s24], $0x4000  }
0xd2: {  	[sflag:s24] =	ssyncset.done $0x0  }
0xd3: {  	[sflag:s24] =	ssyncadd.s32 $0xFFFFC000  }
0xd4: {  	[spmem:s1] =	stream.indirect.scatter.add.f32 [tilespmem:s19], [sflag:$0x3], $0x80, s16, s22, $0xb8;
	[tilespmem:$0x1C080] =	vst v63  }
0xd5: {  	_ =	swait.ge [sflag:s20], $0x4000  }
0xd6: {  	[sflag:s20] =	ssyncset.done $0x0  }
0xd7: {  	[sflag:s20] =	ssyncadd.s32 $0xFFFFC000  }
0xd8: {  	_ =	swait.ge [sflag:s26], $0x4000  }
.Ltmp1:
0xd9: {  	[sflag:s26] =	ssyncset.done $0x0;
	(pc) =	sbr.rel @p1 .LBB2_4-.Ltmp1, $4  }
0xda: {  	[sflag:s26] =	ssyncadd.s32 $0xFFFFC000  }
0xdb: {  	[spmem:s1] =	stream.indirect.scatter.add.f32 [tilespmem:s23], [sflag:$0x3], $0x80, s5, s22, $0xb8;
	[tilespmem:$0x1C080] =	vst v63  }
0xdc: {  	_ =	swait.ge [sflag:s20], $0x4000  }
0xdd: {  	s8 =	smov.u32 s9;
	[sflag:s20] =	ssyncset.done $0x0  }
0xde: {  	s8 =	sadd.s32 s7, s18;
	[sflag:s20] =	ssyncadd.s32 $0xFFFFC000  }
0xdf: {  	[tilespmem:s2], [sflag:$0x3] =	stream.linear.gather [hbm4b:s8+s2], $0x400, $0x38;
	[tilespmem:$0x1C080] =	vst v63  }
0xe0: {  	_ =	swait.ge [sflag:s20], $0x400  }
0xe1: {  	[sflag:s20] =	ssyncset.done $0x0  }
0xe2: {  	s10 =	sadd.s32 s7, s17;
	[sflag:s20] =	ssyncadd.s32 $0xFFFFFC00  }
0xe3: {  	[tilespmem:s21], [sflag:$0x3] =	stream.linear.gather [hbm4b:s10+s2], $0x400, $0x38;
	[tilespmem:$0x1C080] =	vst v63  }
0xe4: {  	_ =	swait.ge [sflag:s20], $0x400  }
0xe5: {  	[sflag:s20] =	ssyncset.done $0x0  }
0xe6: {  	[sflag:s20] =	ssyncadd.s32 $0xFFFFFC00  }
0xe7: {  	[tilespmem:s19], [sflag:$0x1] =	stream.indirect.gather [hbm4b:s4+s22], $0x80, s2, s22, $0xb8;
	[tilespmem:$0x1C080] =	vst v63  }
0xe8: {  	_ = 	snop  }
0xe9: {  	[tilespmem:s23], [sflag:$0x2] =	stream.indirect.gather [hbm4b:s4+s22], $0x80, s22, s22, $0xb8;
	[tilespmem:$0x1C080] =	vst v63  }
0xea: {  	_ =	swait.ge [sflag:s24], $0x4000  }
0xeb: {  	[sflag:s24] =	ssyncset.done $0x0  }
0xec: {  	[sflag:s24] =	ssyncadd.s32 $0xFFFFC000  }
0xed: {  	[spmem:s1] =	stream.indirect.scatter.add.f32 [tilespmem:s19], [sflag:$0x3], $0x80, s21, s22, $0xb8;
	[tilespmem:$0x1C080] =	vst v63  }
0xee: {  	_ =	swait.ge [sflag:s20], $0x4000  }
0xef: {  	[sflag:s20] =	ssyncset.done $0x0  }
0xf0: {  	[sflag:s20] =	ssyncadd.s32 $0xFFFFC000  }
0xf1: {  	[tilespmem:s19], [sflag:$0x1] =	stream.indirect.gather [hbm4b:s4+s22], $0x80, s25, s22, $0xb8;
	[tilespmem:$0x1C080] =	vst v63  }
0xf2: {  	_ =	swait.ge [sflag:s26], $0x4000  }
0xf3: {  	[sflag:s26] =	ssyncset.done $0x0  }
0xf4: {  	[sflag:s26] =	ssyncadd.s32 $0xFFFFC000  }
0xf5: {  	[spmem:s1] =	stream.indirect.scatter.add.f32 [tilespmem:s23], [sflag:$0x3], $0x80, s28, s22, $0xb8;
	[tilespmem:$0x1C080] =	vst v63  }
0xf6: {  	_ =	swait.ge [sflag:s20], $0x4000  }
0xf7: {  	[sflag:s20] =	ssyncset.done $0x0  }
0xf8: {  	[sflag:s20] =	ssyncadd.s32 $0xFFFFC000  }
0xf9: {  	[tilespmem:s23], [sflag:$0x2] =	stream.indirect.gather [hbm4b:s4+s22], $0x80, s29, s22, $0xb8;
	[tilespmem:$0x1C080] =	vst v63  }
0xfa: {  	_ =	swait.ge [sflag:s24], $0x4000  }
0xfb: {  	[sflag:s24] =	ssyncset.done $0x0  }
0xfc: {  	[sflag:s24] =	ssyncadd.s32 $0xFFFFC000  }
0xfd: {  	[spmem:s1] =	stream.indirect.scatter.add.f32 [tilespmem:s19], [sflag:$0x3], $0x80, s30, s22, $0xb8;
	[tilespmem:$0x1C080] =	vst v63  }
0xfe: {  	_ =	swait.ge [sflag:s20], $0x4000  }
0xff: {  	[sflag:s20] =	ssyncset.done $0x0  }
0x100: {  	[sflag:s20] =	ssyncadd.s32 $0xFFFFC000  }
0x101: {  	[tilespmem:s19], [sflag:$0x1] =	stream.indirect.gather [hbm4b:s4+s22], $0x80, s31, s22, $0xb8;
	[tilespmem:$0x1C080] =	vst v63  }
0x102: {  	_ =	swait.ge [sflag:s26], $0x4000  }
0x103: {  	[sflag:s26] =	ssyncset.done $0x0  }
0x104: {  	[sflag:s26] =	ssyncadd.s32 $0xFFFFC000  }
0x105: {  	[spmem:s1] =	stream.indirect.scatter.add.f32 [tilespmem:s23], [sflag:$0x3], $0x80, s0, s22, $0xb8;
	[tilespmem:$0x1C080] =	vst v63  }
0x106: {  	_ =	swait.ge [sflag:s20], $0x4000  }
0x107: {  	[sflag:s20] =	ssyncset.done $0x0  }
0x108: {  	[sflag:s20] =	ssyncadd.s32 $0xFFFFC000  }
0x109: {  	[tilespmem:s23], [sflag:$0x2] =	stream.indirect.gather [hbm4b:s4+s22], $0x80, s3, s22, $0xb8;
	[tilespmem:$0x1C080] =	vst v63  }
0x10a: {  	_ =	swait.ge [sflag:s24], $0x4000  }
0x10b: {  	[sflag:s24] =	ssyncset.done $0x0  }
0x10c: {  	[sflag:s24] =	ssyncadd.s32 $0xFFFFC000  }
0x10d: {  	[spmem:s1] =	stream.indirect.scatter.add.f32 [tilespmem:s19], [sflag:$0x3], $0x80, s11, s22, $0xb8;
	[tilespmem:$0x1C080] =	vst v63  }
0x10e: {  	_ =	swait.ge [sflag:s20], $0x4000  }
0x10f: {  	[sflag:s20] =	ssyncset.done $0x0  }
0x110: {  	[sflag:s20] =	ssyncadd.s32 $0xFFFFC000  }
0x111: {  	[tilespmem:s19], [sflag:$0x1] =	stream.indirect.gather [hbm4b:s4+s22], $0x80, s12, s22, $0xb8;
	[tilespmem:$0x1C080] =	vst v63  }
0x112: {  	_ =	swait.ge [sflag:s26], $0x4000  }
0x113: {  	[sflag:s26] =	ssyncset.done $0x0  }
0x114: {  	[sflag:s26] =	ssyncadd.s32 $0xFFFFC000  }
0x115: {  	[spmem:s1] =	stream.indirect.scatter.add.f32 [tilespmem:s23], [sflag:$0x3], $0x80, s13, s22, $0xb8;
	[tilespmem:$0x1C080] =	vst v63  }
0x116: {  	_ =	swait.ge [sflag:s20], $0x4000  }
0x117: {  	[sflag:s20] =	ssyncset.done $0x0  }
0x118: {  	[sflag:s20] =	ssyncadd.s32 $0xFFFFC000  }
0x119: {  	[tilespmem:s23], [sflag:$0x2] =	stream.indirect.gather [hbm4b:s4+s22], $0x80, s14, s22, $0xb8;
	[tilespmem:$0x1C080] =	vst v63  }
0x11a: {  	_ =	swait.ge [sflag:s24], $0x4000  }
0x11b: {  	[sflag:s24] =	ssyncset.done $0x0  }
0x11c: {  	[sflag:s24] =	ssyncadd.s32 $0xFFFFC000  }
0x11d: {  	[spmem:s1] =	stream.indirect.scatter.add.f32 [tilespmem:s19], [sflag:$0x3], $0x80, s16, s22, $0xb8;
	[tilespmem:$0x1C080] =	vst v63  }
0x11e: {  	_ =	swait.ge [sflag:s20], $0x4000  }
0x11f: {  	[sflag:s20] =	ssyncset.done $0x0  }
0x120: {  	[sflag:s20] =	ssyncadd.s32 $0xFFFFC000  }
0x121: {  	_ =	swait.ge [sflag:s26], $0x4000  }
0x122: {  	[sflag:s26] =	ssyncset.done $0x0  }
0x123: {  	[sflag:s26] =	ssyncadd.s32 $0xFFFFC000  }
0x124: {  	[spmem:s1] =	stream.indirect.scatter.add.f32 [tilespmem:s23], [sflag:$0x3], $0x80, s5, s22, $0xb8;
	[tilespmem:$0x1C080] =	vst v63  }
0x125: {  	_ =	swait.ge [sflag:s20], $0x4000  }
0x126: {  	[sflag:s20] =	ssyncset.done $0x0  }
0x127: {  	[sflag:s20] =	ssyncadd.s32 $0xFFFFC000  }
0x128: {  	[bflag:$0x0] =	sbarrier.arrive $0xFFFF  }
0x129: {  	s15 =	rddreg [dreg:$0x4]  }
0x12a: {  	[tilespmem:s19], [sflag:$0x3] =	stream.linear.gather [spmem:s15], $0x4000, $0x38;
	[tilespmem:$0x1C080] =	vst v63  }
0x12b: {  	_ =	swait.ge [sflag:s20], $0x4000  }
0x12c: {  	[sflag:s20] =	ssyncset.done $0x0  }
0x12d: {  	s8 =	rddreg [dreg:$0xa];
	[sflag:s20] =	ssyncadd.s32 $0xFFFFC000  }
0x12e: {  	[hbm4b:s8+s2] =	stream.linear.scatter [tilespmem:s19], [sflag:$0x3], $0x4000, $0x38;
	[tilespmem:$0x1C080] =	vst v63  }
0x12f: {  	_ =	swait.ge [sflag:s20], $0x4000  }
0x130: {  	[sflag:s20] =	ssyncset.done $0x0  }
0x131: {  	s9 =	rddreg [dreg:$0x5];
	[sflag:s20] =	ssyncadd.s32 $0xFFFFC000  }
0x132: {  	[tilespmem:s19], [sflag:$0x3] =	stream.linear.gather [spmem:s9], $0x4000, $0x38;
	[tilespmem:$0x1C080] =	vst v63  }
0x133: {  	_ =	swait.ge [sflag:s20], $0x4000  }
0x134: {  	[sflag:s20] =	ssyncset.done $0x0  }
0x135: {  	s10 =	rddreg [dreg:$0xb];
	[sflag:s20] =	ssyncadd.s32 $0xFFFFC000  }
0x136: {  	[hbm4b:s10+s2] =	stream.linear.scatter [tilespmem:s19], [sflag:$0x3], $0x4000, $0x38;
	[tilespmem:$0x1C080] =	vst v63  }
0x137: {  	_ =	swait.ge [sflag:s20], $0x4000  }
0x138: {  	[sflag:s20] =	ssyncset.done $0x0  }
0x139: {  	s15 =	rddreg [dreg:$0x6];
	[sflag:s20] =	ssyncadd.s32 $0xFFFFC000  }
0x13a: {  	[tilespmem:s19], [sflag:$0x3] =	stream.linear.gather [spmem:s15], $0x4000, $0x38;
	[tilespmem:$0x1C080] =	vst v63  }
0x13b: {  	_ =	swait.ge [sflag:s20], $0x4000  }
0x13c: {  	[sflag:s20] =	ssyncset.done $0x0  }
0x13d: {  	s8 =	rddreg [dreg:$0xc];
	[sflag:s20] =	ssyncadd.s32 $0xFFFFC000  }
0x13e: {  	[hbm4b:s8+s2] =	stream.linear.scatter [tilespmem:s19], [sflag:$0x3], $0x4000, $0x38;
	[tilespmem:$0x1C080] =	vst v63  }
0x13f: {  	_ =	swait.ge [sflag:s20], $0x4000  }
0x140: {  	[sflag:s20] =	ssyncset.done $0x0  }
0x141: {  	s9 =	rddreg [dreg:$0x7];
	[sflag:s20] =	ssyncadd.s32 $0xFFFFC000  }
0x142: {  	[tilespmem:s19], [sflag:$0x3] =	stream.linear.gather [spmem:s9], $0x4000, $0x38;
	[tilespmem:$0x1C080] =	vst v63  }
0x143: {  	_ =	swait.ge [sflag:s20], $0x4000  }
0x144: {  	[sflag:s20] =	ssyncset.done $0x0  }
0x145: {  	s10 =	rddreg [dreg:$0xd];
	[sflag:s20] =	ssyncadd.s32 $0xFFFFC000  }
0x146: {  	[hbm4b:s10+s2] =	stream.linear.scatter [tilespmem:s19], [sflag:$0x3], $0x4000, $0x38;
	[tilespmem:$0x1C080] =	vst v63  }
0x147: {  	_ =	swait.ge [sflag:s20], $0x4000  }
0x148: {  	s7 =	simm.s32 @p0 $0x800;
	[sflag:s20] =	ssyncset.done $0x0  }
0x149: {  	s8 =	simm.s32 @p0 $0x3;
	s10 =	rddreg [dreg:$0x9];
	[sflag:s20] =	ssyncadd.s32 $0xFFFFC000  }
0x14a: {  	[tilespmem:s7], [sflag:$0x3] =	stream.linear.gather @p0 [spmem:s10], $0x400, $0x38;
	[tilespmem:$0x1C080] =	vst v63  }
0x14b: {  	_ =	swait.ge @p0 [sflag:s8], $0x400  }
0x14c: {  	[sflag:s8] =	ssyncset.done @p0 $0x0  }
0x14d: {  	s9 =	simm.s32 @p0 $0x0;
	s15 =	rddreg [dreg:$0xe];
	[sflag:s8] =	ssyncadd.s32 @p0 $0xFFFFFC00  }
0x14e: {  	[hbm4b:s15+s9] =	stream.linear.scatter @p0 [tilespmem:s7], [sflag:$0x3], $0x400, $0x38;
	[tilespmem:$0x1C080] =	vst v63  }
0x14f: {  	_ =	swait.ge @p0 [sflag:s8], $0x400  }
0x150: {  	[sflag:s8] =	ssyncset.done @p0 $0x0  }
0x151: {  	s7 =	simm.s32 @!p0 $0x800;
	[sflag:s8] =	ssyncadd.s32 @p0 $0xFFFFFC00;
	s8 =	rddreg [dreg:$0x8]  }
0x152: {  	[tilespmem:s7], [sflag:$0x3] =	stream.linear.gather @!p0 [spmem:s8], $0x3C00, $0x38;
	[tilespmem:$0x1C080] =	vst v63  }
0x153: {  	s8 =	simm.s32 @!p0 $0x3  }
0x154: {  	_ =	swait.ge @!p0 [sflag:s8], $0x3C00  }
0x155: {  	[sflag:s8] =	ssyncset.done @!p0 $0x0  }
0x156: {  	s9 =	simm.s32 @!p0 $0x0;
	[sflag:s8] =	ssyncadd.s32 @!p0 $0xFFFFC400  }
0x157: {  	[hbm4b:s15+s9] =	stream.linear.scatter @!p0 [tilespmem:s7], [sflag:$0x3], $0x3C00, $0x38;
	[tilespmem:$0x1C080] =	vst v63  }
0x158: {  	_ =	swait.ge @!p0 [sflag:s8], $0x3C00  }
0x159: {  	s6 =	sadd.s32 $0x1, s6;
	s15 =	rddreg [dreg:$0xf]  }
0x15a: {  	p1 =	sne.s32 s6, s15  }
.Ltmp2:
0x15b: {  	_ = 	snop;
	(pc) =	sbr.rel @p1 .LBB2_1-.Ltmp2, $3  }
0x15c: {  	_ =	sdelay $0x1  }
0x15d: {  	[sflag:s8] =	ssyncset.done @!p0 $0x0  }
0x15e: {  	[sflag:s8] =	ssyncadd.s32 @!p0 $0xFFFFC400  }
0x15f: {  	_ =	sfence.sel $0x180000  }
0x160: {  	[bflag:$0x0] =	sbarrier.arrive $0xFFFF  }
0x161: {  	_ =	strace $0x90000047  }
0x162: {  	s0 =	stileid.u32;
	[bflag:$0x2] =	sbarrier.arrive $0xFFFF  }
0x163: {  	p0 =	sne.s32 s0, $0x0;
	s0 =	rddreg [dreg:$0x3]  }
0x164: {  	s0 =	sadd.s32 @!p0 $0x100000, s0  }
0x165: {  	[sflag:s0] =	ssyncadd.tile.s32 @!p0 $0x1;
	_ =	shalt  }
.Lfunc_end2:
_tile_overlayer_lowered:
.L_overlay_start_2:
0x166: {  	(tag) =	ssettag $0x2  }
0x167: {  	s0 =	rddreg [dreg:$0x0];
	s2 =	stileid.u32  }
0x168: {  	s1 =	rddreg [dreg:$0x1];
	p0 =	sne.s32 s2, $0x0  }
0x169: {  	s3 =	rddreg [dreg:$0x2];
	[bflag:$0x3] =	sbarrier.arrive $0xFFFF;
	s2 =	simm.s32 @!p0 $0x1C03  }
0x16a: {  	[timem:s3], [sflag:s2] =	dma.local @!p0 [hbm:s0], s1  }
0x16b: {  	s0 =	simm.s32 @!p0 $0x3  }
0x16c: {  	_ =	swait.ge @!p0 [sflag:s0], s1  }
0x16d: {  	s1 =	ssub.s32 @!p0 $0x0, s1;
	[sflag:s0] =	ssyncset.done @!p0 $0x0  }
0x16e: {  	[sflag:s0] =	ssyncadd.s32 @!p0 s1  }
0x16f: {  	[bflag:$0x3] =	sbarrier.arrive $0xFFFF  }
0x170: {  	_ =	shalt  }

// kernel: kernel.8.cloned.1.call-start
scs
__scs_entry_jumppad:
0x0: {  	(pc) =	sbr.rel $0x88, $3  }
0x1: {  	(tag) =	ssettag $0x0;
	lr =	simm.s32 $0x1  }
0x2: {  	[smem:$0x3F99] =	sst lr;
	_ =	strace $0xD0000000  }
0x3: {  	_ = 	snop  }
0x4: {  	_ = 	snop  }
0x5: {  	_ = 	snop  }
0x6: {  	_ = 	snop  }
0x7: {  	_ = 	snop  }
__scs_overlays_trampoline_lowered:
0x8: {  	[smem:$0x3FA8] =	sst s0  }
0x9: {  	[smem:$0x3FA9] =	sst s1  }
0xa: {  	[smem:$0x3FAA] =	sst s2  }
0xb: {  	[smem:$0x3FAB] =	sst s3  }
0xc: {  	[smem:$0x3FAC] =	sst s4  }
0xd: {  	[smem:$0x3FAD] =	sst s5  }
0xe: {  	[smem:$0x3FAE] =	sst s6  }
0xf: {  	[smem:$0x3FAF] =	sst s7  }
0x10: {  	[smem:$0x3FB0] =	sst s8  }
0x11: {  	[smem:$0x3FB1] =	sst s9;
	s0 =	simm.s32 @!p0 $0x0  }
0x12: {  	s1 =	sld [smem:$0x3F97];
	s0 =	simm.s32 @p0 $0x1  }
0x13: {  	[smem:$0x3FB2] =	sst s0;
	s0 =	simm.s32 @!p1 $0x0  }
0x14: {  	s2 =	sld [smem:$0x3F96];
	s0 =	simm.s32 @p1 $0x1  }
0x15: {  	[smem:$0x3FB3] =	sst s0;
	s0 =	simm.s32 @!p2 $0x0  }
0x16: {  	s3 =	sld [smem:$0x3FDB];
	s0 =	simm.s32 @p2 $0x1  }
0x17: {  	s4 =	simm.s32 $0x1BF5;
	[smem:$0x3FB5] =	sst s0  }
0x18: {  	s0 =	sld [smem:$0x3F98];
	_ =	swait.ge [sflag:s4], $0x0  }
0x19: {  	s7 =	sld [smem:$0x3F99]  }
0x1a: {  	s8 =	sadd.s32 $0xFFFFE003, lr  }
0x1b: {  	s9 =	sadd.s32 $0xFFFFFEF7, lr;
	s5 =	simm.s32 $0xFFFFFFFF;
	p2 =	slt.u32 s8, $0xFFFFF086  }
0x1c: {  	p1 =	slt.u32 s9, $0xF7A;
	s5 =	simm.s32 @!p2 $0x0  }
0x1d: {  	s5 =	simm.s32 @p1 $0x1;
	p0 =	seq.s32 s7, s2  }
0x1e: {  	s7 =	smul.u32 @!p0 $0xF7A, s2;
	p2 =	seq.s32 @!p0 s5, $0x0  }
0x1f: {  	s9 =	smul.u32 $0xF7A, s1;
	s8 =	simm.s32 @!p0 $0x1BF5;
	p2 =	por !p2, p0  }
0x20: {  	[sflag:s8] =	ssyncset.s32 @!p0 $0xFFFFF086;
	s6 =	sadd.s32 @!p0 s3, s7;
	s7 =	simm.s32 @!p0 $0x108  }
0x21: {  	s3 =	sadd.s32 s3, s9;
	s6 =	sadd.s32 @!p0 $0x88, s6;
	s7 =	simm.s32 @p2 $0x1082  }
0x22: {  	[simem:s7], [sflag:s8] =	dma.local @!p0 [hbm:s6], $0xF7A  }
0x23: {  	s9 =	sor.u32 $0xD0000000, s2;
	s6 =	simm.s32 $0x108;
	_ =	swait.ge @!p0 [sflag:s8], $0x0  }
0x24: {  	s3 =	sadd.s32 $0x88, s3;
	s6 =	simm.s32 @!p1 $0x1082;
	[sflag:s4] =	ssyncset.s32 $0xFFFFF086  }
0x25: {  	[simem:s6], [sflag:s4] =	dma.local [hbm:s3], $0xF7A  }
0x26: {  	[smem:$0x3F99] =	sst s1;
	(tag) =	ssettag s2;
	_ =	strace s9  }
0x27: {  	s1 =	sld [smem:$0x3FA9]  }
0x28: {  	s2 =	sld [smem:$0x3FAA]  }
0x29: {  	s4 =	sld [smem:$0x3FAC]  }
0x2a: {  	p0 =	seq.s32 s5, $0x0;
	s5 =	sld [smem:$0x3FAD]  }
0x2b: {  	s6 =	sld [smem:$0x3FAE]  }
0x2c: {  	s7 =	sld [smem:$0x3FAF]  }
0x2d: {  	s3 =	simm.s32 $0x108;
	s8 =	sld [smem:$0x3FB0]  }
0x2e: {  	s3 =	simm.s32 @!p0 $0x1082;
	s9 =	sld [smem:$0x3FB1]  }
0x2f: {  	lr =	sadd.s32 s0, s3;
	s0 =	sld [smem:$0x3FA8]  }
0x30: {  	s3 =	sld [smem:$0x3FAB]  }
0x31: {  	[smem:$0x3FB4] =	sst s10  }
0x32: {  	s10 =	sld [smem:$0x3FB2];
	_ =	sdelay $0x3  }
0x33: {  	p0 =	seq.s32 s10, $0x1;
	s10 =	sld [smem:$0x3FB4];
	_ =	sdelay $0x3  }
0x34: {  	[smem:$0x3FB4] =	sst s10  }
0x35: {  	s10 =	sld [smem:$0x3FB3];
	_ =	sdelay $0x3  }
0x36: {  	p1 =	seq.s32 s10, $0x1;
	s10 =	sld [smem:$0x3FB4];
	_ =	sdelay $0x3  }
0x37: {  	[smem:$0x3FB4] =	sst s10  }
0x38: {  	s10 =	sld [smem:$0x3FB5]  }
0x39: {  	_ = 	snop;
	(pc) =	sbr.ind lr, $3  }
0x3a: {  	_ = 	snop  }
0x3b: {  	_ = 	snop  }
0x3c: {  	p2 =	seq.s32 s10, $0x1;
	s10 =	sld [smem:$0x3FB4]  }
0x3d: {  	_ =	shalt  }
0x3e: {  	_ =	shalt  }
0x3f: {  	_ =	shalt  }
0x40: {  	_ =	shalt  }
0x41: {  	_ =	shalt  }
0x42: {  	_ =	shalt  }
0x43: {  	_ =	shalt  }
0x44: {  	_ =	shalt  }
0x45: {  	_ =	shalt  }
0x46: {  	_ =	shalt  }
0x47: {  	_ =	shalt  }
0x48: {  	_ =	shalt  }
0x49: {  	_ =	shalt  }
0x4a: {  	_ =	shalt  }
0x4b: {  	_ =	shalt  }
0x4c: {  	_ =	shalt  }
0x4d: {  	_ =	shalt  }
0x4e: {  	_ =	shalt  }
0x4f: {  	_ =	shalt  }
0x50: {  	_ =	shalt  }
0x51: {  	_ =	shalt  }
0x52: {  	_ =	shalt  }
0x53: {  	_ =	shalt  }
0x54: {  	_ =	shalt  }
0x55: {  	_ =	shalt  }
0x56: {  	_ =	shalt  }
0x57: {  	_ =	shalt  }
0x58: {  	_ =	shalt  }
0x59: {  	_ =	shalt  }
0x5a: {  	_ =	shalt  }
0x5b: {  	_ =	shalt  }
0x5c: {  	_ =	shalt  }
0x5d: {  	_ =	shalt  }
0x5e: {  	_ =	shalt  }
0x5f: {  	_ =	shalt  }
0x60: {  	_ =	shalt  }
0x61: {  	_ =	shalt  }
0x62: {  	_ =	shalt  }
0x63: {  	_ =	shalt  }
0x64: {  	_ =	shalt  }
0x65: {  	_ =	shalt  }
0x66: {  	_ =	shalt  }
0x67: {  	_ =	shalt  }
0x68: {  	_ =	shalt  }
0x69: {  	_ =	shalt  }
0x6a: {  	_ =	shalt  }
0x6b: {  	_ =	shalt  }
0x6c: {  	_ =	shalt  }
0x6d: {  	_ =	shalt  }
0x6e: {  	_ =	shalt  }
0x6f: {  	_ =	shalt  }
0x70: {  	_ =	shalt  }
0x71: {  	_ =	shalt  }
0x72: {  	_ =	shalt  }
0x73: {  	_ =	shalt  }
0x74: {  	_ =	shalt  }
0x75: {  	_ =	shalt  }
0x76: {  	_ =	shalt  }
0x77: {  	_ =	shalt  }
0x78: {  	_ =	shalt  }
0x79: {  	_ =	shalt  }
0x7a: {  	_ =	shalt  }
0x7b: {  	_ =	shalt  }
0x7c: {  	_ =	shalt  }
0x7d: {  	_ =	shalt  }
0x7e: {  	_ =	shalt  }
0x7f: {  	_ =	shalt  }
0x80: {  	_ =	shalt  }
0x81: {  	_ =	shalt  }
0x82: {  	_ =	shalt  }
0x83: {  	_ =	shalt  }
0x84: {  	_ =	shalt  }
0x85: {  	_ =	shalt  }
0x86: {  	_ =	shalt  }
0x87: {  	_ =	shalt  }
.Lfunc_end0:
.L_simem_size_0:
called_computation.1_lowered:
.L_overlay_start_0:
0x88: {  	s2 =	sld [smem:$0x3FD9]  }
0x89: {  	s3 =	sld [smem:$0x3FFE];
	_ =	sdelay $0x1  }
0x8a: {  	s1 =	srdreg.scid  }
0x8b: {  	s0 =	sand.u32 $0x1, s1  }
0x8c: {  	s17 =	sshll.u32 s0, $0xA;
	s2 =	sadd.s32 s3, s2  }
0x8d: {  	s2 =	sadd.s32 s2, s17  }
0x8e: {  	[smem:$0x3FC0] =	sst s2  }
0x8f: {  	_ = 	snop  }
0x90: {  	(tm) =	ssettm $0x1  }
0x91: {  	s18 =	sld [smem:$0x3FFB];
	_ =	sdelay $0x3  }
0x92: {  	_ =	strace s18  }
0x93: {  	s2 =	sld [smem:$0x3FFC];
	_ =	sdelay $0x3  }
0x94: {  	_ =	strace s2  }
0x95: {  	s2 =	sld [smem:$0x3FFD];
	_ =	sdelay $0x3  }
0x96: {  	_ =	strace s2  }
0x97: {  	_ =	strace $0x8FFFFFFF  }
0x98: {  	s19 =	sld [smem:$0x3FDB];
	_ =	sdelay $0x1  }
0x99: {  	s20 =	simm.s32 $_scs_section_size  }
0x9a: {  	s4 =	simm.s32 $_size__tile_overlayer_lowered;
	s5 =	simm.s32 $_tile_overlayer_lowered  }
0x9b: {  	s6 =	simm.s32 $0x1BFF;
	s21 =	sshll.u32 s5, $0x1;
	s3 =	sadd.s32 s20, s19  }
0x9c: {  	s22 =	simm.s32 $0x0;
	s4 =	sshll.u32 s4, $0x1;
	s5 =	sadd.s32 s21, s3  }
0x9d: {  	[timem:s22], [sflag:s6] =	dma.local [hbm:s5], s4  }
0x9e: {  	_ =	swait.ge [sflag:s6], s4  }
0x9f: {  	s4 =	ssub.s32 $0x0, s4;
	[sflag:s6] =	ssyncset.done $0x0  }
0xa0: {  	[sflag:s6] =	ssyncadd.s32 s4;
	_ =	sdelay $0x1  }
0xa1: {  	s23 =	simm.s32 $0x1B8B  }
0xa2: {  	_ =	swait.ge [sflag:s23], $0x1  }
0xa3: {  	[sflag:s23] =	ssyncset.done $0x0  }
0xa4: {  	[sflag:s23] =	ssyncadd.s32 $0xFFFFFFFF  }
0xa5: {  	s4 =	sld [smem:$0x0]  }
0xa6: {  	s5 =	sand.u32 $0xFFFFFFFE, s1  }
0xa7: {  	p0 =	sne.s32 s1, s5  }
0xa8: {  	s5 =	sshll.u32 @p0 s5, $0xE  }
0xa9: {  	s5 =	sadd.s32 @p0 $0x11B8D, s5;
	s6 =	sshll.u32 @p0 s4, $0x11  }
0xaa: {  	s5 =	sor.u32 @p0 s6, s5  }
0xab: {  	[sflag:s5] =	ssyncadd.remote.s32 @p0 $0x1;
	_ =	sdelay $0x1  }
0xac: {  	s5 =	simm.s32 @p0 $0x1B8D  }
0xad: {  	_ =	swait.eq @p0 [sflag:s5], $0x1  }
0xae: {  	[sflag:s5] =	ssyncadd.s32 @p0 $0xFFFFFFFF  }
0xaf: {  	s6 =	sshll.u32 @!p0 s1, $0xE  }
0xb0: {  	s6 =	sor.u32 @!p0 $0x4000, s6;
	s5 =	simm.s32 @!p0 $0x1B8D  }
0xb1: {  	s4 =	sshll.u32 @!p0 s4, $0x11;
	s6 =	sadd.s32 @!p0 $0x11B8D, s6;
	_ =	swait.eq @!p0 [sflag:s5], $0x1  }
0xb2: {  	s4 =	sor.u32 @!p0 s4, s6;
	[sflag:s5] =	ssyncadd.s32 @!p0 $0xFFFFFFFF  }
0xb3: {  	s25 =	simm.s32 $0x1B8E;
	s24 =	sld [smem:$0x3FFE];
	[sflag:s4] =	ssyncadd.remote.s32 @!p0 $0x1  }
0xb4: {  	s26 =	simm.s32 $execute0_lowered;
	[smem:$0x3FD2] =	sst s25  }
0xb5: {  	s5 =	sshll.u32 s26, $0x1;
	_ =	strace $0x80000049;
	[dreg:$0x1] =	wrdreg $0xFFFFFFFF  }
0xb6: {  	s28 =	simm.s32 $_size_execute0_lowered;
	s3 =	sadd.s32 s3, s5;
	[dreg:$0x0] =	wrdreg $0x0  }
0xb7: {  	s5 =	sshll.u32 s28, $0x1;
	[dreg:$0x2] =	wrdreg s3  }
0xb8: {  	[dreg:$0x3] =	wrdreg s5  }
0xb9: {  	[dreg:$0x4] =	wrdreg $0xC0  }
0xba: {  	_ =	task [dreg:s22], $0x5FFFF  }
0xbb: {  	[dreg:$0x1] =	wrdreg $0xFFFFFFFF  }
0xbc: {  	[dreg:$0x0] =	wrdreg $0x60  }
0xbd: {  	[dreg:$0x2] =	wrdreg s24  }
0xbe: {  	[dreg:$0x3] =	wrdreg $0x44000  }
0xbf: {  	[dreg:$0x4] =	wrdreg $0xA  }
0xc0: {  	_ =	task.clear_ibuf [dreg:s22], $0x5FFFF;
	_ =	strace $0x90000049  }
0xc1: {  	s29 =	simm.s32 $0xA;
	_ =	strace $0x8000004B  }
0xc2: {  	_ =	swait.ge [sflag:s29], $0x1  }
0xc3: {  	[sflag:s29] =	ssyncadd.s32 $0xFFFFFFFF  }
0xc4: {  	_ =	strace $0x9000004B  }
0xc5: {  	_ =	sfence  }
0xc6: {  	s30 =	sld [smem:$0x0];
	_ =	sdelay $0x2  }
0xc7: {  	s31 =	sshll.u32 s1, $0xD;
	s1 =	sshrl.u32 s1, $0x2  }
0xc8: {  	s4 =	sand.u32 $0x4000, s31;
	s1 =	sadd.s32 s1, s30  }
0xc9: {  	s0 =	sor.u32 s4, s0;
	s1 =	sshll.u32 s1, $0x11  }
0xca: {  	s0 =	sor.u32 s1, s0  }
0xcb: {  	s0 =	sadd.s32 $0x8F2B, s0  }
0xcc: {  	[sflag:s0] =	ssyncadd.remote.s32 $0x1  }
0xcd: {  	_ =	sfence.sel $0xFFFF  }
0xce: {  	[dreg:$0x0] =	wrdreg $0xFFFFFFFF;
	(pc) =	sbr.abs _section_cstart, $3  }
0xcf: {  	[dreg:$0x1] =	wrdreg $0xFFFFFFFF  }
0xd0: {  	_ =	task.clear_ibuf [dreg:s22], $0x2FFFF;
	_ =	strace $0x9FFFFFFF  }
0xd1: {  	(tm) =	ssettm $0x7FFFFFFF  }
tec
execute0_lowered:
.L_overlay_start_1:
0x0: {  	(tag) =	ssettag $0x1  }
0x1: {  	s4 =	rddreg [dreg:$0x0];
	s3 =	srdreg.scid  }
0x2: {  	s1 =	rddreg [dreg:$0x1];
	s6 =	sand.u32 $0x1, s3  }
0x3: {  	s3 =	stileid.u32;
	s5 =	smul.u32 $0x5000, s6  }
0x4: {  	s0 =	rddreg [dreg:$0x2];
	s2 =	simm.s32 $0x0;
	s9 =	smul.u32 $0x278, s3  }
0x5: {  	[smem:$0x7FF] =	sst s2;
	s14 =	sadd.s32 $0xA7400, s4;
	s8 =	smul.u32 $0x4F000, s3  }
0x6: {  	_ =	strace $0x8000004A;
	s7 =	ssub.s32 $0x2, s6;
	s17 =	smul.u32 $0x2710, s6  }
0x7: {  	s20 =	smul.u32 $0x500, s3;
	p0 =	seq.s32 s3, $0xF;
	s21 =	sshrl.u32 s7, $0x1  }
0x8: {  	s16 =	sadd.s32 s5, s4;
	s15 =	ssub.s32 s7, s21;
	s10 =	sadd.s32 $0x80, s9  }
0x9: {  	s22 =	sshrl.u32 s8, $0x2;
	s11 =	sadd.s32 $0x100, s9;
	s12 =	sadd.s32 $0x180, s9  }
0xa: {  	s13 =	sadd.s32 $0x200, s9;
	s18 =	sadd.s32 s9, s17;
	s9 =	sadd.s32 $0x138400, s1  }
0xb: {  	s21 =	simm.s32 $0x180;
	s23 =	sshll.u32 s10, $0x7;
	s4 =	sadd.s32 s22, s1  }
0xc: {  	s24 =	sshll.u32 s11, $0x7;
	s25 =	sshll.u32 s12, $0x7;
	s26 =	sshll.u32 s13, $0x7  }
0xd: {  	s18 =	sshll.u32 s18, $0x4;
	s19 =	sadd.s32 s17, s10;
	s29 =	sadd.s32 s17, s11  }
0xe: {  	s12 =	sadd.s32 s17, s12;
	s17 =	sadd.s32 s17, s13;
	s15 =	smax.u32 s15, $0x1  }
0xf: {  	s16 =	sadd.s32 s20, s16;
	s20 =	simm.s32 $0x100;
	s22 =	simm.s32 $0x200  }
0x10: {  	s5 =	sadd.s32 s23, s1;
	s6 =	sadd.s32 s24, s1;
	s7 =	sadd.s32 s25, s1  }
0x11: {  	s8 =	sadd.s32 s26, s1;
	s10 =	sadd.s32 s14, s18;
	s28 =	sshll.u32 s19, $0x4  }
0x12: {  	s30 =	sshll.u32 s29, $0x4;
	s31 =	sshll.u32 s12, $0x4;
	s17 =	sshll.u32 s17, $0x4  }
0x13: {  	s16 =	sadd.s32 $0x1000, s16;
	s18 =	simm.s32 $0x1;
	s19 =	simm.s32 $0x80  }
0x14: {  	s23 =	simm.s32 $0x280;
	s24 =	simm.s32 $0x300;
	s25 =	simm.s32 $0x380  }
0x15: {  	s26 =	simm.s32 $0x0;
	s11 =	sadd.s32 s14, s28;
	s12 =	sadd.s32 s14, s30  }
0x16: {  	v0 =	vimm.f32 $0.0e+00;
	v1 =	vimm.f32 $1.000000000e+00;
	s13 =	sadd.s32 s14, s31;
	s14 =	sadd.s32 s14, s17;
	s17 =	simm.s32 $0x400  }
.LBB2_1:
0x17: {  	s28 =	simm.s32 $0x0;
	s29 =	simm.s32 $0x200  }
.LBB2_2:
0x18: {  	p1 =	sne.s32 s29, $0xFE00;
	[tilespmem:s28+$0x470] =	vst v0  }
0x19: {  	[tilespmem:s28+$0x400] =	vst v0  }
0x1a: {  	[tilespmem:s28+$0x410] =	vst v0  }
.Ltmp0:
0x1b: {  	[tilespmem:s28+$0x420] =	vst v0;
	(pc) =	sbr.rel @p1 .LBB2_2-.Ltmp0, $4  }
0x1c: {  	[tilespmem:s28+$0x430] =	vst v0  }
0x1d: {  	[tilespmem:s28+$0x440] =	vst v0  }
0x1e: {  	[tilespmem:s28+$0x450] =	vst v0  }
0x1f: {  	[tilespmem:s28+$0x460] =	vst v0;
	s28 =	sshra.s32 s29, $0x2;
	s29 =	sadd.s32 $0x200, s29  }
0x20: {  	[tilespmem:s28+$0x470] =	vst v0  }
0x21: {  	[tilespmem:s28+$0x400] =	vst v0  }
0x22: {  	[tilespmem:s28+$0x410] =	vst v0  }
0x23: {  	[tilespmem:s28+$0x420] =	vst v0  }
0x24: {  	[tilespmem:s28+$0x430] =	vst v0  }
0x25: {  	[tilespmem:s28+$0x440] =	vst v0  }
0x26: {  	[tilespmem:s28+$0x450] =	vst v0  }
0x27: {  	[tilespmem:s28+$0x460] =	vst v0  }
0x28: {  	[spmem:s4] =	stream.linear.scatter [tilespmem:s17], [sflag:$0x1], $0x4000, $0x38;
	[tilespmem:$0x17C80] =	vst v63  }
0x29: {  	_ =	swait.ge [sflag:s18], $0x4000  }
0x2a: {  	[sflag:s18] =	ssyncset.done $0x0  }
0x2b: {  	[sflag:s18] =	ssyncadd.s32 $0xFFFFC000  }
0x2c: {  	[spmem:s5] =	stream.linear.scatter [tilespmem:s17], [sflag:$0x1], $0x4000, $0x38;
	[tilespmem:$0x17C80] =	vst v63  }
0x2d: {  	_ =	swait.ge [sflag:s18], $0x4000  }
0x2e: {  	[sflag:s18] =	ssyncset.done $0x0  }
0x2f: {  	[sflag:s18] =	ssyncadd.s32 $0xFFFFC000  }
0x30: {  	[spmem:s6] =	stream.linear.scatter [tilespmem:s17], [sflag:$0x1], $0x4000, $0x38;
	[tilespmem:$0x17C80] =	vst v63  }
0x31: {  	_ =	swait.ge [sflag:s18], $0x4000  }
0x32: {  	[sflag:s18] =	ssyncset.done $0x0  }
0x33: {  	[sflag:s18] =	ssyncadd.s32 $0xFFFFC000  }
0x34: {  	[spmem:s7] =	stream.linear.scatter [tilespmem:s17], [sflag:$0x1], $0x4000, $0x38;
	[tilespmem:$0x17C80] =	vst v63  }
0x35: {  	_ =	swait.ge [sflag:s18], $0x4000  }
0x36: {  	[sflag:s18] =	ssyncset.done $0x0  }
0x37: {  	s28 =	simm.s32 @p0 $0x400;
	[sflag:s18] =	ssyncadd.s32 $0xFFFFC000  }
0x38: {  	[spmem:s9] =	stream.linear.scatter @p0 [tilespmem:s28], [sflag:$0x1], $0x400, $0x38;
	[tilespmem:$0x17C80] =	vst v63  }
0x39: {  	s28 =	simm.s32 @p0 $0x1  }
0x3a: {  	_ =	swait.ge @p0 [sflag:s28], $0x400  }
0x3b: {  	[sflag:s28] =	ssyncset.done @p0 $0x0  }
0x3c: {  	[sflag:s28] =	ssyncadd.s32 @p0 $0xFFFFFC00;
	s28 =	simm.s32 @!p0 $0x400  }
0x3d: {  	[spmem:s8] =	stream.linear.scatter @!p0 [tilespmem:s28], [sflag:$0x1], $0x3C00, $0x38;
	[tilespmem:$0x17C80] =	vst v63  }
0x3e: {  	s28 =	simm.s32 @!p0 $0x1  }
0x3f: {  	_ =	swait.ge @!p0 [sflag:s28], $0x3C00  }
0x40: {  	[sflag:s28] =	ssyncset.done @!p0 $0x0  }
0x41: {  	s29 =	simm.s32 $0x200;
	[sflag:s28] =	ssyncadd.s32 @!p0 $0xFFFFC400;
	s28 =	simm.s32 $0x0  }
.LBB2_4:
0x42: {  	p1 =	sne.s32 s29, $0xFE00;
	[tilespmem:s28+$0x470] =	vst v1  }
0x43: {  	[tilespmem:s28+$0x400] =	vst v1  }
0x44: {  	[tilespmem:s28+$0x410] =	vst v1  }
.Ltmp1:
0x45: {  	[tilespmem:s28+$0x420] =	vst v1;
	(pc) =	sbr.rel @p1 .LBB2_4-.Ltmp1, $4  }
0x46: {  	[tilespmem:s28+$0x430] =	vst v1  }
0x47: {  	[tilespmem:s28+$0x440] =	vst v1  }
0x48: {  	[tilespmem:s28+$0x450] =	vst v1  }
0x49: {  	[tilespmem:s28+$0x460] =	vst v1;
	s28 =	sshra.s32 s29, $0x2;
	s29 =	sadd.s32 $0x200, s29  }
0x4a: {  	[tilespmem:s28+$0x470] =	vst v1  }
0x4b: {  	[tilespmem:s28+$0x400] =	vst v1  }
0x4c: {  	[tilespmem:s28+$0x410] =	vst v1  }
0x4d: {  	[tilespmem:s28+$0x420] =	vst v1  }
0x4e: {  	[tilespmem:s28+$0x430] =	vst v1  }
0x4f: {  	[tilespmem:s28+$0x440] =	vst v1  }
0x50: {  	[tilespmem:s28+$0x450] =	vst v1  }
0x51: {  	[tilespmem:s28+$0x460] =	vst v1  }
0x52: {  	s28 =	sadd.s32 $0x0, s16;
	[bflag:$0x0] =	sbarrier.arrive $0xFFFF  }
0x53: {  	[tilespmem:s2], [sflag:$0x1] =	stream.linear.gather [hbm4b:s28+s2], $0x400, $0x38;
	[tilespmem:$0x17C80] =	vst v63  }
0x54: {  	_ =	swait.ge [sflag:s18], $0x400  }
0x55: {  	[sflag:s18] =	ssyncset.done $0x0  }
0x56: {  	[sflag:s18] =	ssyncadd.s32 $0xFFFFFC00  }
0x57: {  	[spmem:s1] =	stream.indirect.scatter.add.f32 [tilespmem:s17], [sflag:$0x1], $0x80, s2, s19, $0xb8;
	[tilespmem:$0x17C80] =	vst v63  }
0x58: {  	_ =	swait.ge [sflag:s18], $0x4000  }
0x59: {  	[sflag:s18] =	ssyncset.done $0x0  }
0x5a: {  	[sflag:s18] =	ssyncadd.s32 $0xFFFFC000  }
0x5b: {  	[spmem:s1] =	stream.indirect.scatter.add.f32 [tilespmem:s17], [sflag:$0x1], $0x80, s19, s19, $0xb8;
	[tilespmem:$0x17C80] =	vst v63  }
0x5c: {  	_ =	swait.ge [sflag:s18], $0x4000  }
0x5d: {  	[sflag:s18] =	ssyncset.done $0x0  }
0x5e: {  	[sflag:s18] =	ssyncadd.s32 $0xFFFFC000  }
0x5f: {  	[spmem:s1] =	stream.indirect.scatter.add.f32 [tilespmem:s17], [sflag:$0x1], $0x80, s20, s19, $0xb8;
	[tilespmem:$0x17C80] =	vst v63  }
0x60: {  	_ =	swait.ge [sflag:s18], $0x4000  }
0x61: {  	[sflag:s18] =	ssyncset.done $0x0  }
0x62: {  	[sflag:s18] =	ssyncadd.s32 $0xFFFFC000  }
0x63: {  	[spmem:s1] =	stream.indirect.scatter.add.f32 [tilespmem:s17], [sflag:$0x1], $0x80, s21, s19, $0xb8;
	[tilespmem:$0x17C80] =	vst v63  }
0x64: {  	_ =	swait.ge [sflag:s18], $0x4000  }
0x65: {  	[sflag:s18] =	ssyncset.done $0x0  }
0x66: {  	[sflag:s18] =	ssyncadd.s32 $0xFFFFC000  }
0x67: {  	[spmem:s1] =	stream.indirect.scatter.add.f32 [tilespmem:s17], [sflag:$0x1], $0x80, s22, s19, $0xb8;
	[tilespmem:$0x17C80] =	vst v63  }
0x68: {  	_ =	swait.ge [sflag:s18], $0x4000  }
0x69: {  	[sflag:s18] =	ssyncset.done $0x0  }
0x6a: {  	[sflag:s18] =	ssyncadd.s32 $0xFFFFC000  }
0x6b: {  	[spmem:s1] =	stream.indirect.scatter.add.f32 [tilespmem:s17], [sflag:$0x1], $0x80, s23, s19, $0xb8;
	[tilespmem:$0x17C80] =	vst v63  }
0x6c: {  	_ =	swait.ge [sflag:s18], $0x4000  }
0x6d: {  	[sflag:s18] =	ssyncset.done $0x0  }
0x6e: {  	[sflag:s18] =	ssyncadd.s32 $0xFFFFC000  }
0x6f: {  	[spmem:s1] =	stream.indirect.scatter.add.f32 [tilespmem:s17], [sflag:$0x1], $0x80, s24, s19, $0xb8;
	[tilespmem:$0x17C80] =	vst v63  }
0x70: {  	_ =	swait.ge [sflag:s18], $0x4000  }
0x71: {  	[sflag:s18] =	ssyncset.done $0x0  }
0x72: {  	[sflag:s18] =	ssyncadd.s32 $0xFFFFC000  }
0x73: {  	[spmem:s1] =	stream.indirect.scatter.add.f32 [tilespmem:s17], [sflag:$0x1], $0x80, s25, s19, $0xb8;
	[tilespmem:$0x17C80] =	vst v63  }
0x74: {  	_ =	swait.ge [sflag:s18], $0x4000  }
0x75: {  	s30 =	simm.s32 $0x100;
	s28 =	simm.s32 $0x80;
	[sflag:s18] =	ssyncset.done $0x0  }
.LBB2_6:
0x76: {  	s31 =	sadd.s32 s28, s16  }
0x77: {  	[sflag:s18] =	ssyncadd.s32 $0xFFFFC000;
	s28 =	smov.u32 s30;
	s29 =	sadd.s32 $0x80, s30  }
0x78: {  	[tilespmem:s2], [sflag:$0x1] =	stream.linear.gather [hbm4b:s31+s2], $0x400, $0x38;
	[tilespmem:$0x17C80] =	vst v63  }
0x79: {  	p1 =	sne.s32 s30, $0x480;
	_ =	swait.ge [sflag:s18], $0x400  }
0x7a: {  	[sflag:s18] =	ssyncset.done $0x0  }
0x7b: {  	[sflag:s18] =	ssyncadd.s32 $0xFFFFFC00  }
0x7c: {  	[spmem:s1] =	stream.indirect.scatter.add.f32 [tilespmem:s17], [sflag:$0x1], $0x80, s2, s19, $0xb8;
	[tilespmem:$0x17C80] =	vst v63  }
0x7d: {  	_ =	swait.ge [sflag:s18], $0x4000  }
0x7e: {  	[sflag:s18] =	ssyncset.done $0x0  }
0x7f: {  	[sflag:s18] =	ssyncadd.s32 $0xFFFFC000  }
0x80: {  	[spmem:s1] =	stream.indirect.scatter.add.f32 [tilespmem:s17], [sflag:$0x1], $0x80, s19, s19, $0xb8;
	[tilespmem:$0x17C80] =	vst v63  }
0x81: {  	_ =	swait.ge [sflag:s18], $0x4000  }
0x82: {  	[sflag:s18] =	ssyncset.done $0x0  }
0x83: {  	[sflag:s18] =	ssyncadd.s32 $0xFFFFC000  }
0x84: {  	[spmem:s1] =	stream.indirect.scatter.add.f32 [tilespmem:s17], [sflag:$0x1], $0x80, s20, s19, $0xb8;
	[tilespmem:$0x17C80] =	vst v63  }
0x85: {  	_ =	swait.ge [sflag:s18], $0x4000  }
0x86: {  	[sflag:s18] =	ssyncset.done $0x0  }
0x87: {  	[sflag:s18] =	ssyncadd.s32 $0xFFFFC000  }
0x88: {  	[spmem:s1] =	stream.indirect.scatter.add.f32 [tilespmem:s17], [sflag:$0x1], $0x80, s21, s19, $0xb8;
	[tilespmem:$0x17C80] =	vst v63  }
0x89: {  	_ =	swait.ge [sflag:s18], $0x4000  }
0x8a: {  	[sflag:s18] =	ssyncset.done $0x0  }
0x8b: {  	[sflag:s18] =	ssyncadd.s32 $0xFFFFC000  }
0x8c: {  	[spmem:s1] =	stream.indirect.scatter.add.f32 [tilespmem:s17], [sflag:$0x1], $0x80, s22, s19, $0xb8;
	[tilespmem:$0x17C80] =	vst v63  }
0x8d: {  	_ =	swait.ge [sflag:s18], $0x4000  }
0x8e: {  	[sflag:s18] =	ssyncset.done $0x0  }
0x8f: {  	[sflag:s18] =	ssyncadd.s32 $0xFFFFC000  }
0x90: {  	[spmem:s1] =	stream.indirect.scatter.add.f32 [tilespmem:s17], [sflag:$0x1], $0x80, s23, s19, $0xb8;
	[tilespmem:$0x17C80] =	vst v63  }
0x91: {  	_ =	swait.ge [sflag:s18], $0x4000  }
0x92: {  	[sflag:s18] =	ssyncset.done $0x0  }
0x93: {  	[sflag:s18] =	ssyncadd.s32 $0xFFFFC000  }
0x94: {  	[spmem:s1] =	stream.indirect.scatter.add.f32 [tilespmem:s17], [sflag:$0x1], $0x80, s24, s19, $0xb8;
	[tilespmem:$0x17C80] =	vst v63  }
0x95: {  	_ =	swait.ge [sflag:s18], $0x4000  }
.Ltmp2:
0x96: {  	[sflag:s18] =	ssyncset.done $0x0;
	(pc) =	sbr.rel @p1 .LBB2_6-.Ltmp2, $4  }
0x97: {  	[sflag:s18] =	ssyncadd.s32 $0xFFFFC000  }
0x98: {  	[spmem:s1] =	stream.indirect.scatter.add.f32 [tilespmem:s17], [sflag:$0x1], $0x80, s25, s19, $0xb8;
	[tilespmem:$0x17C80] =	vst v63  }
0x99: {  	_ =	swait.ge [sflag:s18], $0x4000  }
0x9a: {  	s30 =	smov.u32 s29;
	[sflag:s18] =	ssyncset.done $0x0  }
0x9b: {  	s28 =	sadd.s32 s28, s16;
	[sflag:s18] =	ssyncadd.s32 $0xFFFFC000  }
0x9c: {  	[tilespmem:s2], [sflag:$0x1] =	stream.linear.gather [hbm4b:s28+s2], $0x400, $0x38;
	[tilespmem:$0x17C80] =	vst v63  }
0x9d: {  	_ =	swait.ge [sflag:s18], $0x400  }
0x9e: {  	[sflag:s18] =	ssyncset.done $0x0  }
0x9f: {  	[sflag:s18] =	ssyncadd.s32 $0xFFFFFC00  }
0xa0: {  	[spmem:s1] =	stream.indirect.scatter.add.f32 [tilespmem:s17], [sflag:$0x1], $0x80, s2, s19, $0xb8;
	[tilespmem:$0x17C80] =	vst v63  }
0xa1: {  	_ =	swait.ge [sflag:s18], $0x4000  }
0xa2: {  	[sflag:s18] =	ssyncset.done $0x0  }
0xa3: {  	[sflag:s18] =	ssyncadd.s32 $0xFFFFC000  }
0xa4: {  	[spmem:s1] =	stream.indirect.scatter.add.f32 [tilespmem:s17], [sflag:$0x1], $0x80, s19, s19, $0xb8;
	[tilespmem:$0x17C80] =	vst v63  }
0xa5: {  	_ =	swait.ge [sflag:s18], $0x4000  }
0xa6: {  	[sflag:s18] =	ssyncset.done $0x0  }
0xa7: {  	[sflag:s18] =	ssyncadd.s32 $0xFFFFC000  }
0xa8: {  	[spmem:s1] =	stream.indirect.scatter.add.f32 [tilespmem:s17], [sflag:$0x1], $0x80, s20, s19, $0xb8;
	[tilespmem:$0x17C80] =	vst v63  }
0xa9: {  	_ =	swait.ge [sflag:s18], $0x4000  }
0xaa: {  	[sflag:s18] =	ssyncset.done $0x0  }
0xab: {  	[sflag:s18] =	ssyncadd.s32 $0xFFFFC000  }
0xac: {  	[spmem:s1] =	stream.indirect.scatter.add.f32 [tilespmem:s17], [sflag:$0x1], $0x80, s21, s19, $0xb8;
	[tilespmem:$0x17C80] =	vst v63  }
0xad: {  	_ =	swait.ge [sflag:s18], $0x4000  }
0xae: {  	[sflag:s18] =	ssyncset.done $0x0  }
0xaf: {  	[sflag:s18] =	ssyncadd.s32 $0xFFFFC000  }
0xb0: {  	[spmem:s1] =	stream.indirect.scatter.add.f32 [tilespmem:s17], [sflag:$0x1], $0x80, s22, s19, $0xb8;
	[tilespmem:$0x17C80] =	vst v63  }
0xb1: {  	_ =	swait.ge [sflag:s18], $0x4000  }
0xb2: {  	[sflag:s18] =	ssyncset.done $0x0  }
0xb3: {  	[sflag:s18] =	ssyncadd.s32 $0xFFFFC000  }
0xb4: {  	[spmem:s1] =	stream.indirect.scatter.add.f32 [tilespmem:s17], [sflag:$0x1], $0x80, s23, s19, $0xb8;
	[tilespmem:$0x17C80] =	vst v63  }
0xb5: {  	_ =	swait.ge [sflag:s18], $0x4000  }
0xb6: {  	[sflag:s18] =	ssyncset.done $0x0  }
0xb7: {  	[sflag:s18] =	ssyncadd.s32 $0xFFFFC000  }
0xb8: {  	[spmem:s1] =	stream.indirect.scatter.add.f32 [tilespmem:s17], [sflag:$0x1], $0x80, s24, s19, $0xb8;
	[tilespmem:$0x17C80] =	vst v63  }
0xb9: {  	_ =	swait.ge [sflag:s18], $0x4000  }
0xba: {  	[sflag:s18] =	ssyncset.done $0x0  }
0xbb: {  	[sflag:s18] =	ssyncadd.s32 $0xFFFFC000  }
0xbc: {  	[spmem:s1] =	stream.indirect.scatter.add.f32 [tilespmem:s17], [sflag:$0x1], $0x80, s25, s19, $0xb8;
	[tilespmem:$0x17C80] =	vst v63  }
0xbd: {  	_ =	swait.ge [sflag:s18], $0x4000  }
0xbe: {  	[sflag:s18] =	ssyncset.done $0x0  }
0xbf: {  	[sflag:s18] =	ssyncadd.s32 $0xFFFFC000  }
0xc0: {  	[bflag:$0x0] =	sbarrier.arrive $0xFFFF  }
0xc1: {  	[tilespmem:s17], [sflag:$0x1] =	stream.linear.gather [spmem:s4], $0x4000, $0x38;
	[tilespmem:$0x17C80] =	vst v63  }
0xc2: {  	_ =	swait.ge [sflag:s18], $0x4000  }
0xc3: {  	[sflag:s18] =	ssyncset.done $0x0  }
0xc4: {  	[sflag:s18] =	ssyncadd.s32 $0xFFFFC000  }
0xc5: {  	[hbm4b:s10+s2] =	stream.linear.scatter [tilespmem:s17], [sflag:$0x1], $0x4000, $0x38;
	[tilespmem:$0x17C80] =	vst v63  }
0xc6: {  	_ =	swait.ge [sflag:s18], $0x4000  }
0xc7: {  	[sflag:s18] =	ssyncset.done $0x0  }
0xc8: {  	[sflag:s18] =	ssyncadd.s32 $0xFFFFC000  }
0xc9: {  	[tilespmem:s17], [sflag:$0x1] =	stream.linear.gather [spmem:s5], $0x4000, $0x38;
	[tilespmem:$0x17C80] =	vst v63  }
0xca: {  	_ =	swait.ge [sflag:s18], $0x4000  }
0xcb: {  	[sflag:s18] =	ssyncset.done $0x0  }
0xcc: {  	[sflag:s18] =	ssyncadd.s32 $0xFFFFC000  }
0xcd: {  	[hbm4b:s11+s2] =	stream.linear.scatter [tilespmem:s17], [sflag:$0x1], $0x4000, $0x38;
	[tilespmem:$0x17C80] =	vst v63  }
0xce: {  	_ =	swait.ge [sflag:s18], $0x4000  }
0xcf: {  	[sflag:s18] =	ssyncset.done $0x0  }
0xd0: {  	[sflag:s18] =	ssyncadd.s32 $0xFFFFC000  }
0xd1: {  	[tilespmem:s17], [sflag:$0x1] =	stream.linear.gather [spmem:s6], $0x4000, $0x38;
	[tilespmem:$0x17C80] =	vst v63  }
0xd2: {  	_ =	swait.ge [sflag:s18], $0x4000  }
0xd3: {  	[sflag:s18] =	ssyncset.done $0x0  }
0xd4: {  	[sflag:s18] =	ssyncadd.s32 $0xFFFFC000  }
0xd5: {  	[hbm4b:s12+s2] =	stream.linear.scatter [tilespmem:s17], [sflag:$0x1], $0x4000, $0x38;
	[tilespmem:$0x17C80] =	vst v63  }
0xd6: {  	_ =	swait.ge [sflag:s18], $0x4000  }
0xd7: {  	[sflag:s18] =	ssyncset.done $0x0  }
0xd8: {  	[sflag:s18] =	ssyncadd.s32 $0xFFFFC000  }
0xd9: {  	[tilespmem:s17], [sflag:$0x1] =	stream.linear.gather [spmem:s7], $0x4000, $0x38;
	[tilespmem:$0x17C80] =	vst v63  }
0xda: {  	_ =	swait.ge [sflag:s18], $0x4000  }
0xdb: {  	[sflag:s18] =	ssyncset.done $0x0  }
0xdc: {  	[sflag:s18] =	ssyncadd.s32 $0xFFFFC000  }
0xdd: {  	[hbm4b:s13+s2] =	stream.linear.scatter [tilespmem:s17], [sflag:$0x1], $0x4000, $0x38;
	[tilespmem:$0x17C80] =	vst v63  }
0xde: {  	_ =	swait.ge [sflag:s18], $0x4000  }
0xdf: {  	[sflag:s18] =	ssyncset.done $0x0  }
0xe0: {  	s29 =	simm.s32 @p0 $0x1;
	s28 =	simm.s32 @p0 $0x400;
	[sflag:s18] =	ssyncadd.s32 $0xFFFFC000  }
0xe1: {  	[tilespmem:s28], [sflag:$0x1] =	stream.linear.gather @p0 [spmem:s9], $0x400, $0x38;
	[tilespmem:$0x17C80] =	vst v63  }
0xe2: {  	_ =	swait.ge @p0 [sflag:s29], $0x400  }
0xe3: {  	[sflag:s29] =	ssyncset.done @p0 $0x0  }
0xe4: {  	s30 =	simm.s32 @p0 $0x0;
	[sflag:s29] =	ssyncadd.s32 @p0 $0xFFFFFC00  }
0xe5: {  	[hbm4b:s14+s30] =	stream.linear.scatter @p0 [tilespmem:s28], [sflag:$0x1], $0x400, $0x38;
	[tilespmem:$0x17C80] =	vst v63  }
0xe6: {  	_ =	swait.ge @p0 [sflag:s29], $0x400  }
0xe7: {  	[sflag:s29] =	ssyncset.done @p0 $0x0  }
0xe8: {  	s28 =	simm.s32 @!p0 $0x400;
	[sflag:s29] =	ssyncadd.s32 @p0 $0xFFFFFC00;
	s29 =	simm.s32 @!p0 $0x1  }
0xe9: {  	[tilespmem:s28], [sflag:$0x1] =	stream.linear.gather @!p0 [spmem:s8], $0x3C00, $0x38;
	[tilespmem:$0x17C80] =	vst v63  }
0xea: {  	s26 =	sadd.s32 $0x1, s26;
	_ =	swait.ge @!p0 [sflag:s29], $0x3C00  }
0xeb: {  	p1 =	sne.s32 s26, s15;
	[sflag:s29] =	ssyncset.done @!p0 $0x0  }
.Ltmp3:
0xec: {  	s30 =	simm.s32 @!p0 $0x0;
	[sflag:s29] =	ssyncadd.s32 @!p0 $0xFFFFC400;
	(pc) =	sbr.rel @p1 .LBB2_1-.Ltmp3, $4  }
0xed: {  	[hbm4b:s14+s30] =	stream.linear.scatter @!p0 [tilespmem:s28], [sflag:$0x1], $0x3C00, $0x38;
	[tilespmem:$0x17C80] =	vst v63  }
0xee: {  	_ =	swait.ge @!p0 [sflag:s29], $0x3C00  }
0xef: {  	[sflag:s29] =	ssyncset.done @!p0 $0x0  }
0xf0: {  	[sflag:s29] =	ssyncadd.s32 @!p0 $0xFFFFC400  }
0xf1: {  	_ =	sfence.sel $0x180000  }
0xf2: {  	[bflag:$0x0] =	sbarrier.arrive $0xFFFF  }
0xf3: {  	p0 =	sne.s32 s3, $0x0;
	_ =	strace $0x9000004A  }
0xf4: {  	s0 =	sadd.s32 @!p0 $0x100000, s0;
	[bflag:$0x2] =	sbarrier.arrive $0xFFFF  }
0xf5: {  	[sflag:s0] =	ssyncadd.tile.s32 @!p0 $0x1;
	_ =	shalt  }
.Lfunc_end2:
_tile_overlayer_lowered:
.L_overlay_start_2:
0xf6: {  	(tag) =	ssettag $0x2  }
0xf7: {  	s0 =	rddreg [dreg:$0x0];
	s2 =	stileid.u32  }
0xf8: {  	s1 =	rddreg [dreg:$0x1];
	p0 =	sne.s32 s2, $0x0  }
0xf9: {  	s3 =	rddreg [dreg:$0x2];
	[bflag:$0x3] =	sbarrier.arrive $0xFFFF;
	s2 =	simm.s32 @!p0 $0x1C01  }
0xfa: {  	[timem:s3], [sflag:s2] =	dma.local @!p0 [hbm:s0], s1  }
0xfb: {  	s0 =	simm.s32 @!p0 $0x1  }
0xfc: {  	_ =	swait.ge @!p0 [sflag:s0], s1  }
0xfd: {  	s1 =	ssub.s32 @!p0 $0x0, s1;
	[sflag:s0] =	ssyncset.done @!p0 $0x0  }
0xfe: {  	[sflag:s0] =	ssyncadd.s32 @!p0 s1  }
0xff: {  	[bflag:$0x3] =	sbarrier.arrive $0xFFFF  }
0x100: {  	_ =	shalt  }

</sc_bundles>
